<compile_context>
chip_gen: v7x
topology: tpu7x:2x2x1
jax: 0.10.2.dev20260603
libtpu: 0.0.44.dev20260713+nightly
codegen_flags: <defaults>
</compile_context>

<pallas_src>
import functools

import jax
import jax.numpy as jnp
from jax import lax
from jax.experimental import pallas as pl
from jax.experimental.pallas import tpu as pltpu
from jax.experimental.pallas import tpu_sc as plsc

NC = 2
NS = 16
NW = NC * NS
CHUNK = 128

NODE_BLK = 2000
EDGE_BLK = 2560


def _a_body(x_ref, w_ref, o_ref):
    o_ref[...] = jnp.dot(x_ref[...], w_ref[0], preferred_element_type=jnp.float32)


def _stage_a(x, w1_3d):
    n, h = x.shape
    nb = n // NODE_BLK
    return pl.pallas_call(
        _a_body,
        grid=(2, nb),
        in_specs=[
            pl.BlockSpec((NODE_BLK, h), lambda j, i: (i, 0)),
            pl.BlockSpec((1, h, h), lambda j, i: (j + 1, 0, 0)),
        ],
        out_specs=pl.BlockSpec((NODE_BLK, h), lambda j, i: (j * nb + i, 0)),
        out_shape=jax.ShapeDtypeStruct((2 * n, h), jnp.float32),
    )(x, w1_3d)


def _pad_blocks(nblk):
    per_tile = -(-nblk // (NW * 8)) * 8
    return per_tile


def _gather_body(cnt, tab_ref, ridx_ref, out_ref,
                 idxr_v, idxs_v, rows_r, rows_s, sem_a, sem_b):
    h = tab_ref.shape[1]
    wid = lax.axis_index("s") * NC + lax.axis_index("c")
    start = pl.multiple_of(wid * cnt, 8)

    pltpu.sync_copy(ridx_ref.at[0, pl.ds(start, cnt)], idxr_v)
    pltpu.sync_copy(ridx_ref.at[1, pl.ds(start, cnt)], idxs_v)

    pltpu.async_copy(tab_ref.at[idxr_v.at[0]], rows_r.at[0], sem_a)
    pltpu.async_copy(tab_ref.at[idxs_v.at[0]], rows_s.at[0], sem_a)

    def step(c, bcur, sem_cur, sem_nxt, issue_next):
        bnxt = 1 - bcur

        if issue_next:
            pltpu.async_copy(tab_ref.at[idxr_v.at[c + 1]], rows_r.at[bnxt], sem_nxt)
            pltpu.async_copy(tab_ref.at[idxs_v.at[c + 1]], rows_s.at[bnxt], sem_nxt)

        pltpu.make_async_copy(tab_ref.at[idxr_v.at[0]], rows_r.at[bcur], sem_cur).wait()
        pltpu.make_async_copy(tab_ref.at[idxs_v.at[0]], rows_s.at[bcur], sem_cur).wait()

        def vrow(r, cc):
            for t in range(h // 16):
                sl = pl.ds(t * 16, 16)
                rows_r[bcur, r, sl] = rows_r[bcur, r, sl] + rows_s[bcur, r, sl]
            return cc

        lax.fori_loop(0, CHUNK, vrow, 0)
        pltpu.sync_copy(rows_r.at[bcur],
                        out_ref.at[pl.ds((start + c) * CHUNK, CHUNK)])

    def pair(p, carry):
        c = 2 * p
        step(c, 0, sem_a, sem_b, True)
        step(c + 1, 1, sem_b, sem_a, True)
        return carry

    lax.fori_loop(0, cnt // 2 - 1, pair, 0)
    c = cnt - 2
    step(c, 0, sem_a, sem_b, True)
    step(c + 1, 1, sem_b, sem_a, False)


def _sc_gather(table, idx3):
    h = table.shape[1]
    nblk = idx3.shape[1]
    cnt = nblk // NW
    assert nblk == NW * cnt and cnt % 8 == 0
    mesh = plsc.VectorSubcoreMesh(
        core_axis_name="c", subcore_axis_name="s", num_cores=NC, num_subcores=NS
    )
    f = pl.kernel(
        functools.partial(_gather_body, cnt),
        out_type=jax.ShapeDtypeStruct((nblk * CHUNK, h), jnp.float32),
        mesh=mesh,
        scratch_types=[
            pltpu.VMEM((cnt, CHUNK), jnp.int32),
            pltpu.VMEM((cnt, CHUNK), jnp.int32),
            pltpu.VMEM((2, CHUNK, h), jnp.float32),
            pltpu.VMEM((2, CHUNK, h), jnp.float32),
            pltpu.SemaphoreType.DMA,
            pltpu.SemaphoreType.DMA,
        ],
    )
    return f(table, idx3)


def _c_body(ea_ref, g_ref, w1_ref, w2_ref, w3_ref, w4_ref,
            b1_ref, b2_ref, b3_ref, b4_ref, sc_ref, upd_ref, eo_ref):
    ea = ea_ref[...]
    h = jnp.dot(ea, w1_ref[0], preferred_element_type=jnp.float32)
    h = jnp.maximum(h + g_ref[...] + b1_ref[...], 0.0)
    h = jnp.maximum(jnp.dot(h, w2_ref[...], preferred_element_type=jnp.float32) + b2_ref[...], 0.0)
    h = jnp.maximum(jnp.dot(h, w3_ref[...], preferred_element_type=jnp.float32) + b3_ref[...], 0.0)
    h = jnp.dot(h, w4_ref[...], preferred_element_type=jnp.float32) + b4_ref[...]
    var = jnp.mean(h * h, axis=-1, keepdims=True)
    upd = h * lax.rsqrt(var + 1e-06) * (1.0 + sc_ref[...])
    upd_ref[...] = upd
    eo_ref[...] = ea + upd


def _stage_c(edge_attr, gathered, w1_3d, ws, bs, scale, e_pad):
    e, h = edge_attr.shape
    nb = e // EDGE_BLK
    full_w = pl.BlockSpec((h, h), lambda i: (0, 0))
    row = pl.BlockSpec((1, h), lambda i: (0, 0))
    return pl.pallas_call(
        _c_body,
        grid=(nb,),
        in_specs=[
            pl.BlockSpec((EDGE_BLK, h), lambda i: (i, 0)),
            pl.BlockSpec((EDGE_BLK, h), lambda i: (i, 0)),
            pl.BlockSpec((1, h, h), lambda i: (0, 0, 0)),
            full_w, full_w, full_w,
            row, row, row, row, row,
        ],
        out_specs=[
            pl.BlockSpec((EDGE_BLK, h), lambda i: (i, 0)),
            pl.BlockSpec((EDGE_BLK, h), lambda i: (i, 0)),
        ],
        out_shape=[
            jax.ShapeDtypeStruct((e_pad, h), jnp.float32),
            jax.ShapeDtypeStruct((e, h), jnp.float32),
        ],
    )(edge_attr, gathered, w1_3d, ws[0], ws[1], ws[2],
      bs[0].reshape(1, h), bs[1].reshape(1, h), bs[2].reshape(1, h),
      bs[3].reshape(1, h), scale.reshape(1, h))


def _scatter_body(n_pad, nblk, upd_ref, ridx_ref, out_ref,
                  idx_v, rows2, aggr, sem_a, sem_b):
    h = rows2.shape[2]
    cid = lax.axis_index("c")
    sid = lax.axis_index("s")
    wid = sid * NC + cid
    rows_per_tile = n_pad // NS

    zeros16 = jnp.zeros((16,), jnp.float32)

    def zrow(r, carry):
        for t in range(h // 16):
            rows2[0, r, pl.ds(t * 16, 16)] = zeros16
        return carry

    lax.fori_loop(0, CHUNK, zrow, 0)
    zbase = sid * rows_per_tile
    nfull = rows_per_tile // CHUNK
    rem = rows_per_tile % CHUNK
    for z in range(nfull):
        pltpu.sync_copy(rows2.at[0], aggr.at[pl.ds(zbase + z * CHUNK, CHUNK)])
    if rem:
        pltpu.sync_copy(rows2.at[0, pl.ds(0, rem)],
                        aggr.at[pl.ds(zbase + nfull * CHUNK, rem)])
    plsc.subcore_barrier()

    cnt = nblk // NW
    start = pl.multiple_of(wid * cnt, 8)

    pltpu.sync_copy(ridx_ref.at[2, pl.ds(start, cnt)], idx_v)

    pltpu.async_copy(upd_ref.at[pl.ds(start * CHUNK, CHUNK)], rows2.at[0], sem_a)

    def step(c, bcur, sem_cur, sem_nxt, issue_next):
        if issue_next:
            pltpu.async_copy(upd_ref.at[pl.ds((start + c + 1) * CHUNK, CHUNK)],
                             rows2.at[1 - bcur], sem_nxt)
        pltpu.make_async_copy(upd_ref.at[pl.ds(0, CHUNK)],
                              rows2.at[bcur], sem_cur).wait()
        pltpu.sync_copy(rows2.at[bcur], aggr.at[idx_v.at[c]], add=True)

    def pair(p, carry):
        c = 2 * p
        step(c, 0, sem_a, sem_b, True)
        step(c + 1, 1, sem_b, sem_a, True)
        return carry

    lax.fori_loop(0, cnt // 2 - 1, pair, 0)
    c = cnt - 2
    step(c, 0, sem_a, sem_b, True)
    step(c + 1, 1, sem_b, sem_a, False)
    plsc.subcore_barrier()
    pltpu.sync_copy(
        aggr.at[pl.ds(sid * rows_per_tile, rows_per_tile)],
        out_ref.at[cid, pl.ds(sid * rows_per_tile, rows_per_tile)],
    )


def _sc_scatter(upd, idx3, n_pad):
    e, h = upd.shape
    nblk = idx3.shape[1]
    mesh = plsc.VectorSubcoreMesh(
        core_axis_name="c", subcore_axis_name="s", num_cores=NC, num_subcores=NS
    )
    f = pl.kernel(
        functools.partial(_scatter_body, n_pad, nblk),
        out_type=jax.ShapeDtypeStruct((NC, n_pad, h), jnp.float32),
        mesh=mesh,
        scratch_types=[
            pltpu.VMEM((nblk // NW, CHUNK), jnp.int32),
            pltpu.VMEM((2, CHUNK, h), jnp.float32),
            pltpu.VMEM_SHARED((n_pad, h), jnp.float32),
            pltpu.SemaphoreType.DMA,
            pltpu.SemaphoreType.DMA,
        ],
    )
    return f(upd, idx3)


def _e_body(x_ref, p0_ref, p1_ref, w1_ref, w2_ref, w3_ref, w4_ref,
            b1_ref, b2_ref, b3_ref, b4_ref, sc_ref, o_ref):
    xv = x_ref[...]
    a = p0_ref[0] + p1_ref[0]
    h = jnp.dot(xv, w1_ref[0], preferred_element_type=jnp.float32)
    h = h + jnp.dot(a, w1_ref[1], preferred_element_type=jnp.float32)
    h = jnp.maximum(h + b1_ref[...], 0.0)
    h = jnp.maximum(jnp.dot(h, w2_ref[...], preferred_element_type=jnp.float32) + b2_ref[...], 0.0)
    h = jnp.maximum(jnp.dot(h, w3_ref[...], preferred_element_type=jnp.float32) + b3_ref[...], 0.0)
    h = jnp.dot(h, w4_ref[...], preferred_element_type=jnp.float32) + b4_ref[...]
    var = jnp.mean(h * h, axis=-1, keepdims=True)
    upd = h * lax.rsqrt(var + 1e-06) * (1.0 + sc_ref[...])
    o_ref[...] = xv + upd


def _stage_e(x, parts, wn1_3d, ws, bs, scale):
    n, h = x.shape
    nb = n // NODE_BLK
    full_w = pl.BlockSpec((h, h), lambda i: (0, 0))
    row = pl.BlockSpec((1, h), lambda i: (0, 0))
    return pl.pallas_call(
        _e_body,
        grid=(nb,),
        in_specs=[
            pl.BlockSpec((NODE_BLK, h), lambda i: (i, 0)),
            pl.BlockSpec((1, NODE_BLK, h), lambda i: (0, i, 0)),
            pl.BlockSpec((1, NODE_BLK, h), lambda i: (1, i, 0)),
            pl.BlockSpec((2, h, h), lambda i: (0, 0, 0)),
            full_w, full_w, full_w,
            row, row, row, row, row,
        ],
        out_specs=pl.BlockSpec((NODE_BLK, h), lambda i: (i, 0)),
        out_shape=jax.ShapeDtypeStruct((n, h), jnp.float32),
    )(x, parts, parts, wn1_3d, ws[0], ws[1], ws[2],
      bs[0].reshape(1, h), bs[1].reshape(1, h), bs[2].reshape(1, h),
      bs[3].reshape(1, h), scale.reshape(1, h))


def kernel(x, edge_attr, senders, receivers, edge_Ws, edge_bs, edge_scale,
           node_Ws, node_bs, node_scale):
    n, h = x.shape
    e = edge_attr.shape[0]
    recv = receivers.astype(jnp.int32)
    send = senders.astype(jnp.int32)

    w1_3d = edge_Ws[0].reshape(3, h, h)
    table = _stage_a(x, w1_3d)

    nblk = e // CHUNK
    nblk_pad = _pad_blocks(nblk) * NW
    e_pad = nblk_pad * CHUNK
    n_pad = ((n + 16 * 8 - 1) // (16 * 8)) * (16 * 8)
    pad_idx = jnp.arange(e_pad - e, dtype=jnp.int32) % n
    dummy = n + jnp.arange(e_pad - e, dtype=jnp.int32) % (n_pad - n)
    idx3 = jnp.concatenate(
        [recv, pad_idx, send + n, n + pad_idx, recv, dummy]
    ).reshape(3, nblk_pad, CHUNK)
    gathered = _sc_gather(table, idx3)

    upd, edge_out = _stage_c(edge_attr, gathered, w1_3d, edge_Ws[1:],
                             edge_bs, edge_scale, e_pad)
    parts = _sc_scatter(upd, idx3, n_pad)

    x_out = _stage_e(x, parts, node_Ws[0].reshape(2, h, h), node_Ws[1:],
                     node_bs, node_scale)
    return (x_out, edge_out)

# --- scband reference (transcript-rebuilt; emitter-appended) ---
"""Pipeline reference for scband-graph-net-block-54322746359851 (READ-ONLY COPY).

The authoritative reference and input builder live on the scoring server;
editing this copy changes nothing except your own understanding.
"""

import jax, jax.numpy as jnp
import numpy as np

N = 10000
E = 320000
H = 128


def _rmsnorm(x, scale):
    var = jnp.mean(jnp.square(x), axis=-1, keepdims=True)
    normed = x * jnp.reciprocal(jnp.sqrt(var + 1e-06))
    return normed * (1.0 + scale[None, :])


def _mlp(x, Ws, bs, scale):
    # MLP with nb_of_layers=4: 3 relu-activated layers + final linear + RMSNorm
    for W, b in zip(Ws[:-1], bs[:-1]):
        x = jax.nn.relu(x @ W + b)
    x = x @ Ws[-1] + bs[-1]
    return _rmsnorm(x, scale)


def setup_inputs(seed: int = 0) -> dict:
    key = jax.random.key(seed)
    ks = jax.random.split(key, 16)
    x = jax.random.normal(ks[0], (N, H), dtype=jnp.float32)
    edge_attr = jax.random.normal(ks[1], (E, H), dtype=jnp.float32)
    senders = jax.random.randint(ks[2], (E,), 0, N, dtype=jnp.int64) if jax.config.jax_enable_x64 else jax.random.randint(ks[2], (E,), 0, N).astype(jnp.int32)
    receivers = jax.random.randint(ks[3], (E,), 0, N, dtype=jnp.int64) if jax.config.jax_enable_x64 else jax.random.randint(ks[3], (E,), 0, N).astype(jnp.int32)

    def lin(k, fi, fo):
        return jax.random.normal(k, (fi, fo), dtype=jnp.float32) / np.sqrt(fi)

    # edge_block MLP: in=3H, hidden=H, out=H, 4 layers
    edge_dims = [(3 * H, H), (H, H), (H, H), (H, H)]
    edge_Ws = [lin(jax.random.fold_in(ks[4], i), fi, fo) for i, (fi, fo) in enumerate(edge_dims)]
    edge_bs = [jnp.zeros((fo,), dtype=jnp.float32) for (_, fo) in edge_dims]
    edge_scale = jnp.zeros((H,), dtype=jnp.float32)
    # node_block MLP: in=2H, hidden=H, out=H, 4 layers
    node_dims = [(2 * H, H), (H, H), (H, H), (H, H)]
    node_Ws = [lin(jax.random.fold_in(ks[5], i), fi, fo) for i, (fi, fo) in enumerate(node_dims)]
    node_bs = [jnp.zeros((fo,), dtype=jnp.float32) for (_, fo) in node_dims]
    node_scale = jnp.zeros((H,), dtype=jnp.float32)
    return {
        'x': x,
        'edge_attr': edge_attr,
        'senders': senders,
        'receivers': receivers,
        'edge_Ws': edge_Ws,
        'edge_bs': edge_bs,
        'edge_scale': edge_scale,
        'node_Ws': node_Ws,
        'node_bs': node_bs,
        'node_scale': node_scale,
    }


def reference(x, edge_attr, senders, receivers, edge_Ws, edge_bs, edge_scale, node_Ws, node_bs, node_scale):
    # GraphNetBlock forward (use_rope=False, use_gate=False)
    x_i = jnp.take(x, receivers, axis=0)
    x_j = jnp.take(x, senders, axis=0)
    edge_input = jnp.concatenate([edge_attr, x_i, x_j], axis=-1)
    edge_update = _mlp(edge_input, edge_Ws, edge_bs, edge_scale)
    num_nodes = x.shape[0]
    aggr = jax.ops.segment_sum(edge_update, receivers, num_segments=num_nodes)
    node_input = jnp.concatenate([x, aggr], axis=-1)
    x_update = _mlp(node_input, node_Ws, node_bs, node_scale)
    return (x + x_update, edge_attr + edge_update)

if __name__ == "__main__":
    import jax
    _d = setup_inputs()
    print(jax.jit(kernel)(*tuple(_d.values())))

</pallas_src>

<mosaic_0001>
#map = affine_map<(d0, d1) -> (0, 0)>
#map1 = affine_map<(d0, d1) -> (0, 0, 0)>
module attributes {stable_mosaic.version = 14 : i64} {
  func.func @_scatter_body(%arg0: i32, %arg1: i32, %arg2: memref<327680x128xf32, #tpu.memory_space<hbm>>, %arg3: memref<3x2560x128xi32, #tpu.memory_space<hbm>>, %arg4: memref<2x10112x128xf32, #tpu.memory_space<hbm>>, %arg5: memref<80x128xi32, #tpu.memory_space<vmem>>, %arg6: memref<2x128x128xf32, #tpu.memory_space<vmem>>, %arg7: memref<10112x128xf32, #tpu.memory_space<vmem_shared>>, %arg8: memref<!tpu.dma_semaphore, #tpu.memory_space<semaphore_mem>>, %arg9: memref<!tpu.dma_semaphore, #tpu.memory_space<semaphore_mem>>) attributes {dimension_semantics = [#tpu.dimension_semantics<core_parallel>, #tpu.dimension_semantics<subcore_parallel>], iteration_bounds = array<i64: 2, 16>, scalar_prefetch = 0 : i64, scratch_operands = 5 : i64, tpu.core_type = #tpu.core_type<sc_vector_subcore>, window_params = [{transform_indices = #map}, {transform_indices = #map1}, {transform_indices = #map1}]} {
    %mul3A = arith.constant 2 : i32
    %mul3A_0 = arith.muli %arg1, %mul3A : i32
    %add3A = arith.addi %mul3A_0, %arg0 : i32
    %broadcast_in_dim3A = arith.constant 0.000000e+00 : f32
    %broadcast_in_dim3A_1 = vector.broadcast %broadcast_in_dim3A : f32 to vector<16xf32>
    %scan3A = arith.constant 0 : i32
    %scan3A_2 = arith.constant 0 : i32
    %scan3A_3 = arith.constant 128 : i32
    %scan3A_4 = arith.addi %scan3A_2, %scan3A_3 : i32
    %scan3A_5 = arith.constant 1 : i32
    scf.for %scan3A_103 = %scan3A_2 to %scan3A_4 step %scan3A_5  : i32 {
      %swap3A = arith.constant 0 : i32
      %swap3A_104 = arith.index_cast %swap3A : i32 to index
      %swap3A_105 = arith.index_cast %scan3A_103 : i32 to index
      %swap3A_106 = arith.constant 0 : index
      %swap3A_107 = tpu.vector_load %arg6[%swap3A_104, %swap3A_105, %swap3A_106] {strides = array<i32>} : memref<2x128x128xf32, #tpu.memory_space<vmem>>, vector<1x1x16xf32>,
      %swap3A_108 = vector.shape_cast %swap3A_107 : vector<1x1x16xf32> to vector<16xf32>
      %swap3A_109 = vector.shape_cast %broadcast_in_dim3A_1 : vector<16xf32> to vector<1x1x16xf32>
      tpu.vector_store %arg6[%swap3A_104, %swap3A_105, %swap3A_106], %swap3A_109 {strides = array<i32>} : memref<2x128x128xf32, #tpu.memory_space<vmem>>, vector<1x1x16xf32>,
      %swap3A_110 = arith.constant 0 : i32
      %swap3A_111 = arith.index_cast %swap3A_110 : i32 to index
      %swap3A_112 = arith.index_cast %scan3A_103 : i32 to index
      %swap3A_113 = arith.constant 16 : index
      %swap3A_114 = tpu.vector_load %arg6[%swap3A_111, %swap3A_112, %swap3A_113] {strides = array<i32>} : memref<2x128x128xf32, #tpu.memory_space<vmem>>, vector<1x1x16xf32>,
      %swap3A_115 = vector.shape_cast %swap3A_114 : vector<1x1x16xf32> to vector<16xf32>
      %swap3A_116 = vector.shape_cast %broadcast_in_dim3A_1 : vector<16xf32> to vector<1x1x16xf32>
      tpu.vector_store %arg6[%swap3A_111, %swap3A_112, %swap3A_113], %swap3A_116 {strides = array<i32>} : memref<2x128x128xf32, #tpu.memory_space<vmem>>, vector<1x1x16xf32>,
      %swap3A_117 = arith.constant 0 : i32
      %swap3A_118 = arith.index_cast %swap3A_117 : i32 to index
      %swap3A_119 = arith.index_cast %scan3A_103 : i32 to index
      %swap3A_120 = arith.constant 32 : index
      %swap3A_121 = tpu.vector_load %arg6[%swap3A_118, %swap3A_119, %swap3A_120] {strides = array<i32>} : memref<2x128x128xf32, #tpu.memory_space<vmem>>, vector<1x1x16xf32>,
      %swap3A_122 = vector.shape_cast %swap3A_121 : vector<1x1x16xf32> to vector<16xf32>
      %swap3A_123 = vector.shape_cast %broadcast_in_dim3A_1 : vector<16xf32> to vector<1x1x16xf32>
      tpu.vector_store %arg6[%swap3A_118, %swap3A_119, %swap3A_120], %swap3A_123 {strides = array<i32>} : memref<2x128x128xf32, #tpu.memory_space<vmem>>, vector<1x1x16xf32>,
      %swap3A_124 = arith.constant 0 : i32
      %swap3A_125 = arith.index_cast %swap3A_124 : i32 to index
      %swap3A_126 = arith.index_cast %scan3A_103 : i32 to index
      %swap3A_127 = arith.constant 48 : index
      %swap3A_128 = tpu.vector_load %arg6[%swap3A_125, %swap3A_126, %swap3A_127] {strides = array<i32>} : memref<2x128x128xf32, #tpu.memory_space<vmem>>, vector<1x1x16xf32>,
      %swap3A_129 = vector.shape_cast %swap3A_128 : vector<1x1x16xf32> to vector<16xf32>
      %swap3A_130 = vector.shape_cast %broadcast_in_dim3A_1 : vector<16xf32> to vector<1x1x16xf32>
      tpu.vector_store %arg6[%swap3A_125, %swap3A_126, %swap3A_127], %swap3A_130 {strides = array<i32>} : memref<2x128x128xf32, #tpu.memory_space<vmem>>, vector<1x1x16xf32>,
      %swap3A_131 = arith.constant 0 : i32
      %swap3A_132 = arith.index_cast %swap3A_131 : i32 to index
      %swap3A_133 = arith.index_cast %scan3A_103 : i32 to index
      %swap3A_134 = arith.constant 64 : index
      %swap3A_135 = tpu.vector_load %arg6[%swap3A_132, %swap3A_133, %swap3A_134] {strides = array<i32>} : memref<2x128x128xf32, #tpu.memory_space<vmem>>, vector<1x1x16xf32>,
      %swap3A_136 = vector.shape_cast %swap3A_135 : vector<1x1x16xf32> to vector<16xf32>
      %swap3A_137 = vector.shape_cast %broadcast_in_dim3A_1 : vector<16xf32> to vector<1x1x16xf32>
      tpu.vector_store %arg6[%swap3A_132, %swap3A_133, %swap3A_134], %swap3A_137 {strides = array<i32>} : memref<2x128x128xf32, #tpu.memory_space<vmem>>, vector<1x1x16xf32>,
      %swap3A_138 = arith.constant 0 : i32
      %swap3A_139 = arith.index_cast %swap3A_138 : i32 to index
      %swap3A_140 = arith.index_cast %scan3A_103 : i32 to index
      %swap3A_141 = arith.constant 80 : index
      %swap3A_142 = tpu.vector_load %arg6[%swap3A_139, %swap3A_140, %swap3A_141] {strides = array<i32>} : memref<2x128x128xf32, #tpu.memory_space<vmem>>, vector<1x1x16xf32>,
      %swap3A_143 = vector.shape_cast %swap3A_142 : vector<1x1x16xf32> to vector<16xf32>
      %swap3A_144 = vector.shape_cast %broadcast_in_dim3A_1 : vector<16xf32> to vector<1x1x16xf32>
      tpu.vector_store %arg6[%swap3A_139, %swap3A_140, %swap3A_141], %swap3A_144 {strides = array<i32>} : memref<2x128x128xf32, #tpu.memory_space<vmem>>, vector<1x1x16xf32>,
      %swap3A_145 = arith.constant 0 : i32
      %swap3A_146 = arith.index_cast %swap3A_145 : i32 to index
      %swap3A_147 = arith.index_cast %scan3A_103 : i32 to index
      %swap3A_148 = arith.constant 96 : index
      %swap3A_149 = tpu.vector_load %arg6[%swap3A_146, %swap3A_147, %swap3A_148] {strides = array<i32>} : memref<2x128x128xf32, #tpu.memory_space<vmem>>, vector<1x1x16xf32>,
      %swap3A_150 = vector.shape_cast %swap3A_149 : vector<1x1x16xf32> to vector<16xf32>
      %swap3A_151 = vector.shape_cast %broadcast_in_dim3A_1 : vector<16xf32> to vector<1x1x16xf32>
      tpu.vector_store %arg6[%swap3A_146, %swap3A_147, %swap3A_148], %swap3A_151 {strides = array<i32>} : memref<2x128x128xf32, #tpu.memory_space<vmem>>, vector<1x1x16xf32>,
      %swap3A_152 = arith.constant 0 : i32
      %swap3A_153 = arith.index_cast %swap3A_152 : i32 to index
      %swap3A_154 = arith.index_cast %scan3A_103 : i32 to index
      %swap3A_155 = arith.constant 112 : index
      %swap3A_156 = tpu.vector_load %arg6[%swap3A_153, %swap3A_154, %swap3A_155] {strides = array<i32>} : memref<2x128x128xf32, #tpu.memory_space<vmem>>, vector<1x1x16xf32>,
      %swap3A_157 = vector.shape_cast %swap3A_156 : vector<1x1x16xf32> to vector<16xf32>
      %swap3A_158 = vector.shape_cast %broadcast_in_dim3A_1 : vector<16xf32> to vector<1x1x16xf32>
      tpu.vector_store %arg6[%swap3A_153, %swap3A_154, %swap3A_155], %swap3A_158 {strides = array<i32>} : memref<2x128x128xf32, #tpu.memory_space<vmem>>, vector<1x1x16xf32>,
    }
    %scan3A_6 = arith.constant 128 : i32
    %mul3A_7 = arith.constant 632 : i32
    %mul3A_8 = arith.muli %arg1, %mul3A_7 : i32
    %add3A_9 = arith.constant 0 : i32
    %add3A_10 = arith.addi %mul3A_8, %add3A_9 : i32
    %run_scoped3A = arith.constant 0 : i32
    "tpu.region"() ({
      %run_scoped3A_103 = tpu.sem_alloc : memref<!tpu.dma_semaphore, #tpu.memory_space<semaphore_mem>>
      %dma_start3A_104 = arith.constant 0 : i32
      %dma_start3A_105 = arith.constant 0 : i32
      %dma_start3A_106 = tpu.memref_slice %arg6[%run_scoped3A, %dma_start3A_104, %dma_start3A_105] : memref<2x128x128xf32, #tpu.memory_space<vmem>> -> memref<1x128x128xf32, #tpu.memory_space<vmem>>
      %dma_start3A_107 = tpu.memref_squeeze %dma_start3A_106 : memref<1x128x128xf32, #tpu.memory_space<vmem>> -> memref<128x128xf32, #tpu.memory_space<vmem>>
      %dma_start3A_108 = arith.constant 0 : i32
      %dma_start3A_109 = tpu.memref_slice %arg7[%add3A_10, %dma_start3A_108] : memref<10112x128xf32, #tpu.memory_space<vmem_shared>> -> memref<128x128xf32, #tpu.memory_space<vmem_shared>>
      %dma_start3A_110 = arith.constant 0 : i32
      %dma_start3A_111 = tpu.memref_slice %arg7[%add3A_10, %dma_start3A_110] : memref<10112x128xf32, #tpu.memory_space<vmem_shared>> -> memref<128x128xf32, #tpu.memory_space<vmem_shared>>
      %dma_start3A_112 = arith.constant 0 : i32
      %dma_start3A_113 = arith.constant 0 : i32
      %dma_start3A_114 = tpu.memref_slice %arg6[%run_scoped3A, %dma_start3A_112, %dma_start3A_113] : memref<2x128x128xf32, #tpu.memory_space<vmem>> -> memref<1x128x128xf32, #tpu.memory_space<vmem>>
      %dma_start3A_115 = tpu.memref_squeeze %dma_start3A_114 : memref<1x128x128xf32, #tpu.memory_space<vmem>> -> memref<128x128xf32, #tpu.memory_space<vmem>>
      tpu.enqueue_dma source(%dma_start3A_115 : memref<128x128xf32, #tpu.memory_space<vmem>>) target(%dma_start3A_111 : memref<128x128xf32, #tpu.memory_space<vmem_shared>>) target_semaphore(%run_scoped3A_103 : memref<!tpu.dma_semaphore, #tpu.memory_space<semaphore_mem>>)
      %dma_wait3A_116 = arith.constant 0 : i32
      %dma_wait3A_117 = arith.constant 0 : i32
      %dma_wait3A_118 = tpu.memref_slice %arg6[%run_scoped3A, %dma_wait3A_116, %dma_wait3A_117] : memref<2x128x128xf32, #tpu.memory_space<vmem>> -> memref<1x128x128xf32, #tpu.memory_space<vmem>>
      %dma_wait3A_119 = tpu.memref_squeeze %dma_wait3A_118 : memref<1x128x128xf32, #tpu.memory_space<vmem>> -> memref<128x128xf32, #tpu.memory_space<vmem>>
      %dma_wait3A_120 = arith.constant 0 : i32
      %dma_wait3A_121 = tpu.memref_slice %arg7[%add3A_10, %dma_wait3A_120] : memref<10112x128xf32, #tpu.memory_space<vmem_shared>> -> memref<128x128xf32, #tpu.memory_space<vmem_shared>>
      %dma_wait3A_122 = arith.constant 0 : i32
      %dma_wait3A_123 = tpu.memref_slice %arg7[%add3A_10, %dma_wait3A_122] : memref<10112x128xf32, #tpu.memory_space<vmem_shared>> -> memref<128x128xf32, #tpu.memory_space<vmem_shared>>
      %dma_wait3A_124 = arith.constant 0 : i32
      %dma_wait3A_125 = arith.constant 0 : i32
      %dma_wait3A_126 = tpu.memref_slice %arg6[%run_scoped3A, %dma_wait3A_124, %dma_wait3A_125] : memref<2x128x128xf32, #tpu.memory_space<vmem>> -> memref<1x128x128xf32, #tpu.memory_space<vmem>>
      %dma_wait3A_127 = tpu.memref_squeeze %dma_wait3A_126 : memref<1x128x128xf32, #tpu.memory_space<vmem>> -> memref<128x128xf32, #tpu.memory_space<vmem>>
      tpu.wait_dma2 semaphore(%run_scoped3A_103 : memref<!tpu.dma_semaphore, #tpu.memory_space<semaphore_mem>>) src(%dma_wait3A_127 : memref<128x128xf32, #tpu.memory_space<vmem>>) dst(%dma_wait3A_123 : memref<128x128xf32, #tpu.memory_space<vmem_shared>>)
      tpu.yield
    }) : () -> ()
    %add3A_11 = arith.constant 128 : i32
    %add3A_12 = arith.addi %mul3A_8, %add3A_11 : i32
    %run_scoped3A_13 = arith.constant 0 : i32
    "tpu.region"() ({
      %run_scoped3A_103 = tpu.sem_alloc : memref<!tpu.dma_semaphore, #tpu.memory_space<semaphore_mem>>
      %dma_start3A_104 = arith.constant 0 : i32
      %dma_start3A_105 = arith.constant 0 : i32
      %dma_start3A_106 = tpu.memref_slice %arg6[%run_scoped3A_13, %dma_start3A_104, %dma_start3A_105] : memref<2x128x128xf32, #tpu.memory_space<vmem>> -> memref<1x128x128xf32, #tpu.memory_space<vmem>>
      %dma_start3A_107 = tpu.memref_squeeze %dma_start3A_106 : memref<1x128x128xf32, #tpu.memory_space<vmem>> -> memref<128x128xf32, #tpu.memory_space<vmem>>
      %dma_start3A_108 = arith.constant 0 : i32
      %dma_start3A_109 = tpu.memref_slice %arg7[%add3A_12, %dma_start3A_108] : memref<10112x128xf32, #tpu.memory_space<vmem_shared>> -> memref<128x128xf32, #tpu.memory_space<vmem_shared>>
      %dma_start3A_110 = arith.constant 0 : i32
      %dma_start3A_111 = tpu.memref_slice %arg7[%add3A_12, %dma_start3A_110] : memref<10112x128xf32, #tpu.memory_space<vmem_shared>> -> memref<128x128xf32, #tpu.memory_space<vmem_shared>>
      %dma_start3A_112 = arith.constant 0 : i32
      %dma_start3A_113 = arith.constant 0 : i32
      %dma_start3A_114 = tpu.memref_slice %arg6[%run_scoped3A_13, %dma_start3A_112, %dma_start3A_113] : memref<2x128x128xf32, #tpu.memory_space<vmem>> -> memref<1x128x128xf32, #tpu.memory_space<vmem>>
      %dma_start3A_115 = tpu.memref_squeeze %dma_start3A_114 : memref<1x128x128xf32, #tpu.memory_space<vmem>> -> memref<128x128xf32, #tpu.memory_space<vmem>>
      tpu.enqueue_dma source(%dma_start3A_115 : memref<128x128xf32, #tpu.memory_space<vmem>>) target(%dma_start3A_111 : memref<128x128xf32, #tpu.memory_space<vmem_shared>>) target_semaphore(%run_scoped3A_103 : memref<!tpu.dma_semaphore, #tpu.memory_space<semaphore_mem>>)
      %dma_wait3A_116 = arith.constant 0 : i32
      %dma_wait3A_117 = arith.constant 0 : i32
      %dma_wait3A_118 = tpu.memref_slice %arg6[%run_scoped3A_13, %dma_wait3A_116, %dma_wait3A_117] : memref<2x128x128xf32, #tpu.memory_space<vmem>> -> memref<1x128x128xf32, #tpu.memory_space<vmem>>
      %dma_wait3A_119 = tpu.memref_squeeze %dma_wait3A_118 : memref<1x128x128xf32, #tpu.memory_space<vmem>> -> memref<128x128xf32, #tpu.memory_space<vmem>>
      %dma_wait3A_120 = arith.constant 0 : i32
      %dma_wait3A_121 = tpu.memref_slice %arg7[%add3A_12, %dma_wait3A_120] : memref<10112x128xf32, #tpu.memory_space<vmem_shared>> -> memref<128x128xf32, #tpu.memory_space<vmem_shared>>
      %dma_wait3A_122 = arith.constant 0 : i32
      %dma_wait3A_123 = tpu.memref_slice %arg7[%add3A_12, %dma_wait3A_122] : memref<10112x128xf32, #tpu.memory_space<vmem_shared>> -> memref<128x128xf32, #tpu.memory_space<vmem_shared>>
      %dma_wait3A_124 = arith.constant 0 : i32
      %dma_wait3A_125 = arith.constant 0 : i32
      %dma_wait3A_126 = tpu.memref_slice %arg6[%run_scoped3A_13, %dma_wait3A_124, %dma_wait3A_125] : memref<2x128x128xf32, #tpu.memory_space<vmem>> -> memref<1x128x128xf32, #tpu.memory_space<vmem>>
      %dma_wait3A_127 = tpu.memref_squeeze %dma_wait3A_126 : memref<1x128x128xf32, #tpu.memory_space<vmem>> -> memref<128x128xf32, #tpu.memory_space<vmem>>
      tpu.wait_dma2 semaphore(%run_scoped3A_103 : memref<!tpu.dma_semaphore, #tpu.memory_space<semaphore_mem>>) src(%dma_wait3A_127 : memref<128x128xf32, #tpu.memory_space<vmem>>) dst(%dma_wait3A_123 : memref<128x128xf32, #tpu.memory_space<vmem_shared>>)
      tpu.yield
    }) : () -> ()
    %add3A_14 = arith.constant 256 : i32
    %add3A_15 = arith.addi %mul3A_8, %add3A_14 : i32
    %run_scoped3A_16 = arith.constant 0 : i32
    "tpu.region"() ({
      %run_scoped3A_103 = tpu.sem_alloc : memref<!tpu.dma_semaphore, #tpu.memory_space<semaphore_mem>>
      %dma_start3A_104 = arith.constant 0 : i32
      %dma_start3A_105 = arith.constant 0 : i32
      %dma_start3A_106 = tpu.memref_slice %arg6[%run_scoped3A_16, %dma_start3A_104, %dma_start3A_105] : memref<2x128x128xf32, #tpu.memory_space<vmem>> -> memref<1x128x128xf32, #tpu.memory_space<vmem>>
      %dma_start3A_107 = tpu.memref_squeeze %dma_start3A_106 : memref<1x128x128xf32, #tpu.memory_space<vmem>> -> memref<128x128xf32, #tpu.memory_space<vmem>>
      %dma_start3A_108 = arith.constant 0 : i32
      %dma_start3A_109 = tpu.memref_slice %arg7[%add3A_15, %dma_start3A_108] : memref<10112x128xf32, #tpu.memory_space<vmem_shared>> -> memref<128x128xf32, #tpu.memory_space<vmem_shared>>
      %dma_start3A_110 = arith.constant 0 : i32
      %dma_start3A_111 = tpu.memref_slice %arg7[%add3A_15, %dma_start3A_110] : memref<10112x128xf32, #tpu.memory_space<vmem_shared>> -> memref<128x128xf32, #tpu.memory_space<vmem_shared>>
      %dma_start3A_112 = arith.constant 0 : i32
      %dma_start3A_113 = arith.constant 0 : i32
      %dma_start3A_114 = tpu.memref_slice %arg6[%run_scoped3A_16, %dma_start3A_112, %dma_start3A_113] : memref<2x128x128xf32, #tpu.memory_space<vmem>> -> memref<1x128x128xf32, #tpu.memory_space<vmem>>
      %dma_start3A_115 = tpu.memref_squeeze %dma_start3A_114 : memref<1x128x128xf32, #tpu.memory_space<vmem>> -> memref<128x128xf32, #tpu.memory_space<vmem>>
      tpu.enqueue_dma source(%dma_start3A_115 : memref<128x128xf32, #tpu.memory_space<vmem>>) target(%dma_start3A_111 : memref<128x128xf32, #tpu.memory_space<vmem_shared>>) target_semaphore(%run_scoped3A_103 : memref<!tpu.dma_semaphore, #tpu.memory_space<semaphore_mem>>)
      %dma_wait3A_116 = arith.constant 0 : i32
      %dma_wait3A_117 = arith.constant 0 : i32
      %dma_wait3A_118 = tpu.memref_slice %arg6[%run_scoped3A_16, %dma_wait3A_116, %dma_wait3A_117] : memref<2x128x128xf32, #tpu.memory_space<vmem>> -> memref<1x128x128xf32, #tpu.memory_space<vmem>>
      %dma_wait3A_119 = tpu.memref_squeeze %dma_wait3A_118 : memref<1x128x128xf32, #tpu.memory_space<vmem>> -> memref<128x128xf32, #tpu.memory_space<vmem>>
      %dma_wait3A_120 = arith.constant 0 : i32
      %dma_wait3A_121 = tpu.memref_slice %arg7[%add3A_15, %dma_wait3A_120] : memref<10112x128xf32, #tpu.memory_space<vmem_shared>> -> memref<128x128xf32, #tpu.memory_space<vmem_shared>>
      %dma_wait3A_122 = arith.constant 0 : i32
      %dma_wait3A_123 = tpu.memref_slice %arg7[%add3A_15, %dma_wait3A_122] : memref<10112x128xf32, #tpu.memory_space<vmem_shared>> -> memref<128x128xf32, #tpu.memory_space<vmem_shared>>
      %dma_wait3A_124 = arith.constant 0 : i32
      %dma_wait3A_125 = arith.constant 0 : i32
      %dma_wait3A_126 = tpu.memref_slice %arg6[%run_scoped3A_16, %dma_wait3A_124, %dma_wait3A_125] : memref<2x128x128xf32, #tpu.memory_space<vmem>> -> memref<1x128x128xf32, #tpu.memory_space<vmem>>
      %dma_wait3A_127 = tpu.memref_squeeze %dma_wait3A_126 : memref<1x128x128xf32, #tpu.memory_space<vmem>> -> memref<128x128xf32, #tpu.memory_space<vmem>>
      tpu.wait_dma2 semaphore(%run_scoped3A_103 : memref<!tpu.dma_semaphore, #tpu.memory_space<semaphore_mem>>) src(%dma_wait3A_127 : memref<128x128xf32, #tpu.memory_space<vmem>>) dst(%dma_wait3A_123 : memref<128x128xf32, #tpu.memory_space<vmem_shared>>)
      tpu.yield
    }) : () -> ()
    %add3A_17 = arith.constant 384 : i32
    %add3A_18 = arith.addi %mul3A_8, %add3A_17 : i32
    %run_scoped3A_19 = arith.constant 0 : i32
    "tpu.region"() ({
      %run_scoped3A_103 = tpu.sem_alloc : memref<!tpu.dma_semaphore, #tpu.memory_space<semaphore_mem>>
      %dma_start3A_104 = arith.constant 0 : i32
      %dma_start3A_105 = arith.constant 0 : i32
      %dma_start3A_106 = tpu.memref_slice %arg6[%run_scoped3A_19, %dma_start3A_104, %dma_start3A_105] : memref<2x128x128xf32, #tpu.memory_space<vmem>> -> memref<1x128x128xf32, #tpu.memory_space<vmem>>
      %dma_start3A_107 = tpu.memref_squeeze %dma_start3A_106 : memref<1x128x128xf32, #tpu.memory_space<vmem>> -> memref<128x128xf32, #tpu.memory_space<vmem>>
      %dma_start3A_108 = arith.constant 0 : i32
      %dma_start3A_109 = tpu.memref_slice %arg7[%add3A_18, %dma_start3A_108] : memref<10112x128xf32, #tpu.memory_space<vmem_shared>> -> memref<128x128xf32, #tpu.memory_space<vmem_shared>>
      %dma_start3A_110 = arith.constant 0 : i32
      %dma_start3A_111 = tpu.memref_slice %arg7[%add3A_18, %dma_start3A_110] : memref<10112x128xf32, #tpu.memory_space<vmem_shared>> -> memref<128x128xf32, #tpu.memory_space<vmem_shared>>
      %dma_start3A_112 = arith.constant 0 : i32
      %dma_start3A_113 = arith.constant 0 : i32
      %dma_start3A_114 = tpu.memref_slice %arg6[%run_scoped3A_19, %dma_start3A_112, %dma_start3A_113] : memref<2x128x128xf32, #tpu.memory_space<vmem>> -> memref<1x128x128xf32, #tpu.memory_space<vmem>>
      %dma_start3A_115 = tpu.memref_squeeze %dma_start3A_114 : memref<1x128x128xf32, #tpu.memory_space<vmem>> -> memref<128x128xf32, #tpu.memory_space<vmem>>
      tpu.enqueue_dma source(%dma_start3A_115 : memref<128x128xf32, #tpu.memory_space<vmem>>) target(%dma_start3A_111 : memref<128x128xf32, #tpu.memory_space<vmem_shared>>) target_semaphore(%run_scoped3A_103 : memref<!tpu.dma_semaphore, #tpu.memory_space<semaphore_mem>>)
      %dma_wait3A_116 = arith.constant 0 : i32
      %dma_wait3A_117 = arith.constant 0 : i32
      %dma_wait3A_118 = tpu.memref_slice %arg6[%run_scoped3A_19, %dma_wait3A_116, %dma_wait3A_117] : memref<2x128x128xf32, #tpu.memory_space<vmem>> -> memref<1x128x128xf32, #tpu.memory_space<vmem>>
      %dma_wait3A_119 = tpu.memref_squeeze %dma_wait3A_118 : memref<1x128x128xf32, #tpu.memory_space<vmem>> -> memref<128x128xf32, #tpu.memory_space<vmem>>
      %dma_wait3A_120 = arith.constant 0 : i32
      %dma_wait3A_121 = tpu.memref_slice %arg7[%add3A_18, %dma_wait3A_120] : memref<10112x128xf32, #tpu.memory_space<vmem_shared>> -> memref<128x128xf32, #tpu.memory_space<vmem_shared>>
      %dma_wait3A_122 = arith.constant 0 : i32
      %dma_wait3A_123 = tpu.memref_slice %arg7[%add3A_18, %dma_wait3A_122] : memref<10112x128xf32, #tpu.memory_space<vmem_shared>> -> memref<128x128xf32, #tpu.memory_space<vmem_shared>>
      %dma_wait3A_124 = arith.constant 0 : i32
      %dma_wait3A_125 = arith.constant 0 : i32
      %dma_wait3A_126 = tpu.memref_slice %arg6[%run_scoped3A_19, %dma_wait3A_124, %dma_wait3A_125] : memref<2x128x128xf32, #tpu.memory_space<vmem>> -> memref<1x128x128xf32, #tpu.memory_space<vmem>>
      %dma_wait3A_127 = tpu.memref_squeeze %dma_wait3A_126 : memref<1x128x128xf32, #tpu.memory_space<vmem>> -> memref<128x128xf32, #tpu.memory_space<vmem>>
      tpu.wait_dma2 semaphore(%run_scoped3A_103 : memref<!tpu.dma_semaphore, #tpu.memory_space<semaphore_mem>>) src(%dma_wait3A_127 : memref<128x128xf32, #tpu.memory_space<vmem>>) dst(%dma_wait3A_123 : memref<128x128xf32, #tpu.memory_space<vmem_shared>>)
      tpu.yield
    }) : () -> ()
    %add3A_20 = arith.constant 512 : i32
    %add3A_21 = arith.addi %mul3A_8, %add3A_20 : i32
    %run_scoped3A_22 = arith.constant 0 : i32
    "tpu.region"() ({
      %run_scoped3A_103 = tpu.sem_alloc : memref<!tpu.dma_semaphore, #tpu.memory_space<semaphore_mem>>
      %dma_start3A_104 = arith.constant 0 : i32
      %dma_start3A_105 = arith.constant 0 : i32
      %dma_start3A_106 = tpu.memref_slice %arg6[%run_scoped3A_22, %dma_start3A_104, %dma_start3A_105] : memref<2x128x128xf32, #tpu.memory_space<vmem>> -> memref<1x120x128xf32, #tpu.memory_space<vmem>>
      %dma_start3A_107 = tpu.memref_squeeze %dma_start3A_106 : memref<1x120x128xf32, #tpu.memory_space<vmem>> -> memref<120x128xf32, #tpu.memory_space<vmem>>
      %dma_start3A_108 = arith.constant 0 : i32
      %dma_start3A_109 = tpu.memref_slice %arg7[%add3A_21, %dma_start3A_108] : memref<10112x128xf32, #tpu.memory_space<vmem_shared>> -> memref<120x128xf32, #tpu.memory_space<vmem_shared>>
      %dma_start3A_110 = arith.constant 0 : i32
      %dma_start3A_111 = tpu.memref_slice %arg7[%add3A_21, %dma_start3A_110] : memref<10112x128xf32, #tpu.memory_space<vmem_shared>> -> memref<120x128xf32, #tpu.memory_space<vmem_shared>>
      %dma_start3A_112 = arith.constant 0 : i32
      %dma_start3A_113 = arith.constant 0 : i32
      %dma_start3A_114 = tpu.memref_slice %arg6[%run_scoped3A_22, %dma_start3A_112, %dma_start3A_113] : memref<2x128x128xf32, #tpu.memory_space<vmem>> -> memref<1x120x128xf32, #tpu.memory_space<vmem>>
      %dma_start3A_115 = tpu.memref_squeeze %dma_start3A_114 : memref<1x120x128xf32, #tpu.memory_space<vmem>> -> memref<120x128xf32, #tpu.memory_space<vmem>>
      tpu.enqueue_dma source(%dma_start3A_115 : memref<120x128xf32, #tpu.memory_space<vmem>>) target(%dma_start3A_111 : memref<120x128xf32, #tpu.memory_space<vmem_shared>>) target_semaphore(%run_scoped3A_103 : memref<!tpu.dma_semaphore, #tpu.memory_space<semaphore_mem>>)
      %dma_wait3A_116 = arith.constant 0 : i32
      %dma_wait3A_117 = arith.constant 0 : i32
      %dma_wait3A_118 = tpu.memref_slice %arg6[%run_scoped3A_22, %dma_wait3A_116, %dma_wait3A_117] : memref<2x128x128xf32, #tpu.memory_space<vmem>> -> memref<1x120x128xf32, #tpu.memory_space<vmem>>
      %dma_wait3A_119 = tpu.memref_squeeze %dma_wait3A_118 : memref<1x120x128xf32, #tpu.memory_space<vmem>> -> memref<120x128xf32, #tpu.memory_space<vmem>>
      %dma_wait3A_120 = arith.constant 0 : i32
      %dma_wait3A_121 = tpu.memref_slice %arg7[%add3A_21, %dma_wait3A_120] : memref<10112x128xf32, #tpu.memory_space<vmem_shared>> -> memref<120x128xf32, #tpu.memory_space<vmem_shared>>
      %dma_wait3A_122 = arith.constant 0 : i32
      %dma_wait3A_123 = tpu.memref_slice %arg7[%add3A_21, %dma_wait3A_122] : memref<10112x128xf32, #tpu.memory_space<vmem_shared>> -> memref<120x128xf32, #tpu.memory_space<vmem_shared>>
      %dma_wait3A_124 = arith.constant 0 : i32
      %dma_wait3A_125 = arith.constant 0 : i32
      %dma_wait3A_126 = tpu.memref_slice %arg6[%run_scoped3A_22, %dma_wait3A_124, %dma_wait3A_125] : memref<2x128x128xf32, #tpu.memory_space<vmem>> -> memref<1x120x128xf32, #tpu.memory_space<vmem>>
      %dma_wait3A_127 = tpu.memref_squeeze %dma_wait3A_126 : memref<1x120x128xf32, #tpu.memory_space<vmem>> -> memref<120x128xf32, #tpu.memory_space<vmem>>
      tpu.wait_dma2 semaphore(%run_scoped3A_103 : memref<!tpu.dma_semaphore, #tpu.memory_space<semaphore_mem>>) src(%dma_wait3A_127 : memref<120x128xf32, #tpu.memory_space<vmem>>) dst(%dma_wait3A_123 : memref<120x128xf32, #tpu.memory_space<vmem_shared>>)
      tpu.yield
    }) : () -> ()
    %barrier3A = arith.constant 0 : index
    tpu.barrier barrier_id(%barrier3A)
    %mul3A_23 = arith.constant 80 : i32
    %mul3A_24 = arith.muli %add3A, %mul3A_23 : i32
    %multiple_of3A = tpu.assume_multiple %mul3A_24, 8 : i32
    %run_scoped3A_25 = arith.constant 2 : i32
    "tpu.region"() ({
      %run_scoped3A_103 = tpu.sem_alloc : memref<!tpu.dma_semaphore, #tpu.memory_space<semaphore_mem>>
      %dma_start3A_104 = arith.constant 0 : i32
      %dma_start3A_105 = tpu.memref_slice %arg3[%run_scoped3A_25, %multiple_of3A, %dma_start3A_104] : memref<3x2560x128xi32, #tpu.memory_space<hbm>> -> memref<1x80x128xi32, #tpu.memory_space<hbm>>
      %dma_start3A_106 = tpu.memref_squeeze %dma_start3A_105 : memref<1x80x128xi32, #tpu.memory_space<hbm>> -> memref<80x128xi32, #tpu.memory_space<hbm>>
      %dma_start3A_107 = arith.constant 0 : i32
      %dma_start3A_108 = tpu.memref_slice %arg3[%run_scoped3A_25, %multiple_of3A, %dma_start3A_107] : memref<3x2560x128xi32, #tpu.memory_space<hbm>> -> memref<1x80x128xi32, #tpu.memory_space<hbm>>
      %dma_start3A_109 = tpu.memref_squeeze %dma_start3A_108 : memref<1x80x128xi32, #tpu.memory_space<hbm>> -> memref<80x128xi32, #tpu.memory_space<hbm>>
      tpu.enqueue_dma source(%dma_start3A_109 : memref<80x128xi32, #tpu.memory_space<hbm>>) target(%arg5 : memref<80x128xi32, #tpu.memory_space<vmem>>) target_semaphore(%run_scoped3A_103 : memref<!tpu.dma_semaphore, #tpu.memory_space<semaphore_mem>>)
      %dma_wait3A_110 = arith.constant 0 : i32
      %dma_wait3A_111 = tpu.memref_slice %arg3[%run_scoped3A_25, %multiple_of3A, %dma_wait3A_110] : memref<3x2560x128xi32, #tpu.memory_space<hbm>> -> memref<1x80x128xi32, #tpu.memory_space<hbm>>
      %dma_wait3A_112 = tpu.memref_squeeze %dma_wait3A_111 : memref<1x80x128xi32, #tpu.memory_space<hbm>> -> memref<80x128xi32, #tpu.memory_space<hbm>>
      %dma_wait3A_113 = arith.constant 0 : i32
      %dma_wait3A_114 = tpu.memref_slice %arg3[%run_scoped3A_25, %multiple_of3A, %dma_wait3A_113] : memref<3x2560x128xi32, #tpu.memory_space<hbm>> -> memref<1x80x128xi32, #tpu.memory_space<hbm>>
      %dma_wait3A_115 = tpu.memref_squeeze %dma_wait3A_114 : memref<1x80x128xi32, #tpu.memory_space<hbm>> -> memref<80x128xi32, #tpu.memory_space<hbm>>
      tpu.wait_dma2 semaphore(%run_scoped3A_103 : memref<!tpu.dma_semaphore, #tpu.memory_space<semaphore_mem>>) src(%dma_wait3A_115 : memref<80x128xi32, #tpu.memory_space<hbm>>) dst(%arg5 : memref<80x128xi32, #tpu.memory_space<vmem>>)
      tpu.yield
    }) : () -> ()
    %mul3A_26 = arith.constant 128 : i32
    %mul3A_27 = arith.muli %multiple_of3A, %mul3A_26 : i32
    %dma_start3A = arith.constant 0 : i32
    %dma_start3A_28 = arith.constant 0 : i32
    %dma_start3A_29 = arith.constant 0 : i32
    %dma_start3A_30 = tpu.memref_slice %arg6[%dma_start3A, %dma_start3A_28, %dma_start3A_29] : memref<2x128x128xf32, #tpu.memory_space<vmem>> -> memref<1x128x128xf32, #tpu.memory_space<vmem>>
    %dma_start3A_31 = tpu.memref_squeeze %dma_start3A_30 : memref<1x128x128xf32, #tpu.memory_space<vmem>> -> memref<128x128xf32, #tpu.memory_space<vmem>>
    %dma_start3A_32 = arith.constant 0 : i32
    %dma_start3A_33 = tpu.memref_slice %arg2[%mul3A_27, %dma_start3A_32] : memref<327680x128xf32, #tpu.memory_space<hbm>> -> memref<128x128xf32, #tpu.memory_space<hbm>>
    %dma_start3A_34 = arith.constant 0 : i32
    %dma_start3A_35 = arith.constant 0 : i32
    %dma_start3A_36 = tpu.memref_slice %arg6[%dma_start3A, %dma_start3A_34, %dma_start3A_35] : memref<2x128x128xf32, #tpu.memory_space<vmem>> -> memref<1x128x128xf32, #tpu.memory_space<vmem>>
    %dma_start3A_37 = tpu.memref_squeeze %dma_start3A_36 : memref<1x128x128xf32, #tpu.memory_space<vmem>> -> memref<128x128xf32, #tpu.memory_space<vmem>>
    %dma_start3A_38 = arith.constant 0 : i32
    %dma_start3A_39 = tpu.memref_slice %arg2[%mul3A_27, %dma_start3A_38] : memref<327680x128xf32, #tpu.memory_space<hbm>> -> memref<128x128xf32, #tpu.memory_space<hbm>>
    tpu.enqueue_dma source(%dma_start3A_39 : memref<128x128xf32, #tpu.memory_space<hbm>>) target(%dma_start3A_37 : memref<128x128xf32, #tpu.memory_space<vmem>>) target_semaphore(%arg8 : memref<!tpu.dma_semaphore, #tpu.memory_space<semaphore_mem>>)
    %scan3A_40 = arith.constant 0 : i32
    %scan3A_41 = arith.constant 0 : i32
    %scan3A_42 = arith.constant 39 : i32
    %scan3A_43 = arith.addi %scan3A_41, %scan3A_42 : i32
    %scan3A_44 = arith.constant 1 : i32
    scf.for %scan3A_103 = %scan3A_41 to %scan3A_43 step %scan3A_44  : i32 {
      %mul3A_104 = arith.constant 2 : i32
      %mul3A_105 = arith.muli %mul3A_104, %scan3A_103 : i32
      %add3A_106 = arith.addi %multiple_of3A, %mul3A_105 : i32
      %add3A_107 = arith.constant 1 : i32
      %add3A_108 = arith.addi %add3A_106, %add3A_107 : i32
      %mul3A_109 = arith.constant 128 : i32
      %mul3A_110 = arith.muli %add3A_108, %mul3A_109 : i32
      %dma_start3A_111 = arith.constant 1 : i32
      %dma_start3A_112 = arith.constant 0 : i32
      %dma_start3A_113 = arith.constant 0 : i32
      %dma_start3A_114 = tpu.memref_slice %arg6[%dma_start3A_111, %dma_start3A_112, %dma_start3A_113] : memref<2x128x128xf32, #tpu.memory_space<vmem>> -> memref<1x128x128xf32, #tpu.memory_space<vmem>>
      %dma_start3A_115 = tpu.memref_squeeze %dma_start3A_114 : memref<1x128x128xf32, #tpu.memory_space<vmem>> -> memref<128x128xf32, #tpu.memory_space<vmem>>
      %dma_start3A_116 = arith.constant 0 : i32
      %dma_start3A_117 = tpu.memref_slice %arg2[%mul3A_110, %dma_start3A_116] : memref<327680x128xf32, #tpu.memory_space<hbm>> -> memref<128x128xf32, #tpu.memory_space<hbm>>
      %dma_start3A_118 = arith.constant 0 : i32
      %dma_start3A_119 = arith.constant 0 : i32
      %dma_start3A_120 = tpu.memref_slice %arg6[%dma_start3A_111, %dma_start3A_118, %dma_start3A_119] : memref<2x128x128xf32, #tpu.memory_space<vmem>> -> memref<1x128x128xf32, #tpu.memory_space<vmem>>
      %dma_start3A_121 = tpu.memref_squeeze %dma_start3A_120 : memref<1x128x128xf32, #tpu.memory_space<vmem>> -> memref<128x128xf32, #tpu.memory_space<vmem>>
      %dma_start3A_122 = arith.constant 0 : i32
      %dma_start3A_123 = tpu.memref_slice %arg2[%mul3A_110, %dma_start3A_122] : memref<327680x128xf32, #tpu.memory_space<hbm>> -> memref<128x128xf32, #tpu.memory_space<hbm>>
      tpu.enqueue_dma source(%dma_start3A_123 : memref<128x128xf32, #tpu.memory_space<hbm>>) target(%dma_start3A_121 : memref<128x128xf32, #tpu.memory_space<vmem>>) target_semaphore(%arg9 : memref<!tpu.dma_semaphore, #tpu.memory_space<semaphore_mem>>)
      %dma_wait3A_124 = arith.constant 0 : i32
      %dma_wait3A_125 = arith.constant 0 : i32
      %dma_wait3A_126 = arith.constant 0 : i32
      %dma_wait3A_127 = tpu.memref_slice %arg6[%dma_wait3A_124, %dma_wait3A_125, %dma_wait3A_126] : memref<2x128x128xf32, #tpu.memory_space<vmem>> -> memref<1x128x128xf32, #tpu.memory_space<vmem>>
      %dma_wait3A_128 = tpu.memref_squeeze %dma_wait3A_127 : memref<1x128x128xf32, #tpu.memory_space<vmem>> -> memref<128x128xf32, #tpu.memory_space<vmem>>
      %dma_wait3A_129 = arith.constant 0 : i32
      %dma_wait3A_130 = arith.constant 0 : i32
      %dma_wait3A_131 = tpu.memref_slice %arg2[%dma_wait3A_129, %dma_wait3A_130] : memref<327680x128xf32, #tpu.memory_space<hbm>> -> memref<128x128xf32, #tpu.memory_space<hbm>>
      %dma_wait3A_132 = arith.constant 0 : i32
      %dma_wait3A_133 = arith.constant 0 : i32
      %dma_wait3A_134 = tpu.memref_slice %arg6[%dma_wait3A_124, %dma_wait3A_132, %dma_wait3A_133] : memref<2x128x128xf32, #tpu.memory_space<vmem>> -> memref<1x128x128xf32, #tpu.memory_space<vmem>>
      %dma_wait3A_135 = tpu.memref_squeeze %dma_wait3A_134 : memref<1x128x128xf32, #tpu.memory_space<vmem>> -> memref<128x128xf32, #tpu.memory_space<vmem>>
      %dma_wait3A_136 = arith.constant 0 : i32
      %dma_wait3A_137 = arith.constant 0 : i32
      %dma_wait3A_138 = tpu.memref_slice %arg2[%dma_wait3A_136, %dma_wait3A_137] : memref<327680x128xf32, #tpu.memory_space<hbm>> -> memref<128x128xf32, #tpu.memory_space<hbm>>
      tpu.wait_dma2 semaphore(%arg8 : memref<!tpu.dma_semaphore, #tpu.memory_space<semaphore_mem>>) src(%dma_wait3A_138 : memref<128x128xf32, #tpu.memory_space<hbm>>) dst(%dma_wait3A_135 : memref<128x128xf32, #tpu.memory_space<vmem>>)
      %run_scoped3A_139 = arith.constant 0 : i32
      "tpu.region"() ({
        %run_scoped3A_176 = tpu.sem_alloc : memref<!tpu.dma_semaphore, #tpu.memory_space<semaphore_mem>>
        %dma_start3A_177 = arith.constant 0 : i32
        %dma_start3A_178 = arith.constant 0 : i32
        %dma_start3A_179 = tpu.memref_slice %arg6[%run_scoped3A_139, %dma_start3A_177, %dma_start3A_178] : memref<2x128x128xf32, #tpu.memory_space<vmem>> -> memref<1x128x128xf32, #tpu.memory_space<vmem>>
        %dma_start3A_180 = tpu.memref_squeeze %dma_start3A_179 : memref<1x128x128xf32, #tpu.memory_space<vmem>> -> memref<128x128xf32, #tpu.memory_space<vmem>>
        %dma_start3A_181 = arith.constant 0 : i32
        %dma_start3A_182 = tpu.memref_slice %arg5[%mul3A_105, %dma_start3A_181] : memref<80x128xi32, #tpu.memory_space<vmem>> -> memref<1x128xi32, #tpu.memory_space<vmem>>
        %dma_start3A_183 = tpu.memref_squeeze %dma_start3A_182 : memref<1x128xi32, #tpu.memory_space<vmem>> -> memref<128xi32, #tpu.memory_space<vmem>>
        %dma_start3A_184 = arith.constant 0 : i32
        %dma_start3A_185 = arith.constant 0 : i32
        %dma_start3A_186 = tpu.memref_slice %arg7[%dma_start3A_184, %dma_start3A_185] : memref<10112x128xf32, #tpu.memory_space<vmem_shared>> -> memref<10112x128xf32, #tpu.memory_space<vmem_shared>>
        tpu.enqueue_indirect_dma source(%dma_start3A_180 : memref<128x128xf32, #tpu.memory_space<vmem>>) target(%dma_start3A_186 : memref<10112x128xf32, #tpu.memory_space<vmem_shared>>) offsets(%dma_start3A_183 : memref<128xi32, #tpu.memory_space<vmem>>) semaphore(%run_scoped3A_176 : memref<!tpu.dma_semaphore, #tpu.memory_space<semaphore_mem>>) {add = true}
        %dma_wait3A_187 = arith.constant 0 : i32
        %dma_wait3A_188 = arith.constant 0 : i32
        %dma_wait3A_189 = tpu.memref_slice %arg6[%run_scoped3A_139, %dma_wait3A_187, %dma_wait3A_188] : memref<2x128x128xf32, #tpu.memory_space<vmem>> -> memref<1x128x128xf32, #tpu.memory_space<vmem>>
        %dma_wait3A_190 = tpu.memref_squeeze %dma_wait3A_189 : memref<1x128x128xf32, #tpu.memory_space<vmem>> -> memref<128x128xf32, #tpu.memory_space<vmem>>
        %dma_wait3A_191 = arith.constant 0 : i32
        %dma_wait3A_192 = tpu.memref_slice %arg5[%mul3A_105, %dma_wait3A_191] : memref<80x128xi32, #tpu.memory_space<vmem>> -> memref<1x128xi32, #tpu.memory_space<vmem>>
        %dma_wait3A_193 = tpu.memref_squeeze %dma_wait3A_192 : memref<1x128xi32, #tpu.memory_space<vmem>> -> memref<128xi32, #tpu.memory_space<vmem>>
        %dma_wait3A_194 = arith.constant 0 : i32
        %dma_wait3A_195 = arith.constant 0 : i32
        %dma_wait3A_196 = tpu.memref_slice %arg7[%dma_wait3A_194, %dma_wait3A_195] : memref<10112x128xf32, #tpu.memory_space<vmem_shared>> -> memref<10112x128xf32, #tpu.memory_space<vmem_shared>>
        tpu.wait_indirect_dma semaphore(%run_scoped3A_176 : memref<!tpu.dma_semaphore, #tpu.memory_space<semaphore_mem>>) src(%dma_wait3A_190 : memref<128x128xf32, #tpu.memory_space<vmem>>) dst(%dma_wait3A_196 : memref<10112x128xf32, #tpu.memory_space<vmem_shared>>)
        tpu.yield
      }) : () -> ()
      %add3A_140 = arith.constant 1 : i32
      %add3A_141 = arith.addi %mul3A_105, %add3A_140 : i32
      %add3A_142 = arith.addi %multiple_of3A, %add3A_141 : i32
      %add3A_143 = arith.constant 1 : i32
      %add3A_144 = arith.addi %add3A_142, %add3A_143 : i32
      %mul3A_145 = arith.constant 128 : i32
      %mul3A_146 = arith.muli %add3A_144, %mul3A_145 : i32
      %dma_start3A_147 = arith.constant 0 : i32
      %dma_start3A_148 = arith.constant 0 : i32
      %dma_start3A_149 = arith.constant 0 : i32
      %dma_start3A_150 = tpu.memref_slice %arg6[%dma_start3A_147, %dma_start3A_148, %dma_start3A_149] : memref<2x128x128xf32, #tpu.memory_space<vmem>> -> memref<1x128x128xf32, #tpu.memory_space<vmem>>
      %dma_start3A_151 = tpu.memref_squeeze %dma_start3A_150 : memref<1x128x128xf32, #tpu.memory_space<vmem>> -> memref<128x128xf32, #tpu.memory_space<vmem>>
      %dma_start3A_152 = arith.constant 0 : i32
      %dma_start3A_153 = tpu.memref_slice %arg2[%mul3A_146, %dma_start3A_152] : memref<327680x128xf32, #tpu.memory_space<hbm>> -> memref<128x128xf32, #tpu.memory_space<hbm>>
      %dma_start3A_154 = arith.constant 0 : i32
      %dma_start3A_155 = arith.constant 0 : i32
      %dma_start3A_156 = tpu.memref_slice %arg6[%dma_start3A_147, %dma_start3A_154, %dma_start3A_155] : memref<2x128x128xf32, #tpu.memory_space<vmem>> -> memref<1x128x128xf32, #tpu.memory_space<vmem>>
      %dma_start3A_157 = tpu.memref_squeeze %dma_start3A_156 : memref<1x128x128xf32, #tpu.memory_space<vmem>> -> memref<128x128xf32, #tpu.memory_space<vmem>>
      %dma_start3A_158 = arith.constant 0 : i32
      %dma_start3A_159 = tpu.memref_slice %arg2[%mul3A_146, %dma_start3A_158] : memref<327680x128xf32, #tpu.memory_space<hbm>> -> memref<128x128xf32, #tpu.memory_space<hbm>>
      tpu.enqueue_dma source(%dma_start3A_159 : memref<128x128xf32, #tpu.memory_space<hbm>>) target(%dma_start3A_157 : memref<128x128xf32, #tpu.memory_space<vmem>>) target_semaphore(%arg8 : memref<!tpu.dma_semaphore, #tpu.memory_space<semaphore_mem>>)
      %dma_wait3A_160 = arith.constant 1 : i32
      %dma_wait3A_161 = arith.constant 0 : i32
      %dma_wait3A_162 = arith.constant 0 : i32
      %dma_wait3A_163 = tpu.memref_slice %arg6[%dma_wait3A_160, %dma_wait3A_161, %dma_wait3A_162] : memref<2x128x128xf32, #tpu.memory_space<vmem>> -> memref<1x128x128xf32, #tpu.memory_space<vmem>>
      %dma_wait3A_164 = tpu.memref_squeeze %dma_wait3A_163 : memref<1x128x128xf32, #tpu.memory_space<vmem>> -> memref<128x128xf32, #tpu.memory_space<vmem>>
      %dma_wait3A_165 = arith.constant 0 : i32
      %dma_wait3A_166 = arith.constant 0 : i32
      %dma_wait3A_167 = tpu.memref_slice %arg2[%dma_wait3A_165, %dma_wait3A_166] : memref<327680x128xf32, #tpu.memory_space<hbm>> -> memref<128x128xf32, #tpu.memory_space<hbm>>
      %dma_wait3A_168 = arith.constant 0 : i32
      %dma_wait3A_169 = arith.constant 0 : i32
      %dma_wait3A_170 = tpu.memref_slice %arg6[%dma_wait3A_160, %dma_wait3A_168, %dma_wait3A_169] : memref<2x128x128xf32, #tpu.memory_space<vmem>> -> memref<1x128x128xf32, #tpu.memory_space<vmem>>
      %dma_wait3A_171 = tpu.memref_squeeze %dma_wait3A_170 : memref<1x128x128xf32, #tpu.memory_space<vmem>> -> memref<128x128xf32, #tpu.memory_space<vmem>>
      %dma_wait3A_172 = arith.constant 0 : i32
      %dma_wait3A_173 = arith.constant 0 : i32
      %dma_wait3A_174 = tpu.memref_slice %arg2[%dma_wait3A_172, %dma_wait3A_173] : memref<327680x128xf32, #tpu.memory_space<hbm>> -> memref<128x128xf32, #tpu.memory_space<hbm>>
      tpu.wait_dma2 semaphore(%arg9 : memref<!tpu.dma_semaphore, #tpu.memory_space<semaphore_mem>>) src(%dma_wait3A_174 : memref<128x128xf32, #tpu.memory_space<hbm>>) dst(%dma_wait3A_171 : memref<128x128xf32, #tpu.memory_space<vmem>>)
      %run_scoped3A_175 = arith.constant 1 : i32
      "tpu.region"() ({
        %run_scoped3A_176 = tpu.sem_alloc : memref<!tpu.dma_semaphore, #tpu.memory_space<semaphore_mem>>
        %dma_start3A_177 = arith.constant 0 : i32
        %dma_start3A_178 = arith.constant 0 : i32
        %dma_start3A_179 = tpu.memref_slice %arg6[%run_scoped3A_175, %dma_start3A_177, %dma_start3A_178] : memref<2x128x128xf32, #tpu.memory_space<vmem>> -> memref<1x128x128xf32, #tpu.memory_space<vmem>>
        %dma_start3A_180 = tpu.memref_squeeze %dma_start3A_179 : memref<1x128x128xf32, #tpu.memory_space<vmem>> -> memref<128x128xf32, #tpu.memory_space<vmem>>
        %dma_start3A_181 = arith.constant 0 : i32
        %dma_start3A_182 = tpu.memref_slice %arg5[%add3A_141, %dma_start3A_181] : memref<80x128xi32, #tpu.memory_space<vmem>> -> memref<1x128xi32, #tpu.memory_space<vmem>>
        %dma_start3A_183 = tpu.memref_squeeze %dma_start3A_182 : memref<1x128xi32, #tpu.memory_space<vmem>> -> memref<128xi32, #tpu.memory_space<vmem>>
        %dma_start3A_184 = arith.constant 0 : i32
        %dma_start3A_185 = arith.constant 0 : i32
        %dma_start3A_186 = tpu.memref_slice %arg7[%dma_start3A_184, %dma_start3A_185] : memref<10112x128xf32, #tpu.memory_space<vmem_shared>> -> memref<10112x128xf32, #tpu.memory_space<vmem_shared>>
        tpu.enqueue_indirect_dma source(%dma_start3A_180 : memref<128x128xf32, #tpu.memory_space<vmem>>) target(%dma_start3A_186 : memref<10112x128xf32, #tpu.memory_space<vmem_shared>>) offsets(%dma_start3A_183 : memref<128xi32, #tpu.memory_space<vmem>>) semaphore(%run_scoped3A_176 : memref<!tpu.dma_semaphore, #tpu.memory_space<semaphore_mem>>) {add = true}
        %dma_wait3A_187 = arith.constant 0 : i32
        %dma_wait3A_188 = arith.constant 0 : i32
        %dma_wait3A_189 = tpu.memref_slice %arg6[%run_scoped3A_175, %dma_wait3A_187, %dma_wait3A_188] : memref<2x128x128xf32, #tpu.memory_space<vmem>> -> memref<1x128x128xf32, #tpu.memory_space<vmem>>
        %dma_wait3A_190 = tpu.memref_squeeze %dma_wait3A_189 : memref<1x128x128xf32, #tpu.memory_space<vmem>> -> memref<128x128xf32, #tpu.memory_space<vmem>>
        %dma_wait3A_191 = arith.constant 0 : i32
        %dma_wait3A_192 = tpu.memref_slice %arg5[%add3A_141, %dma_wait3A_191] : memref<80x128xi32, #tpu.memory_space<vmem>> -> memref<1x128xi32, #tpu.memory_space<vmem>>
        %dma_wait3A_193 = tpu.memref_squeeze %dma_wait3A_192 : memref<1x128xi32, #tpu.memory_space<vmem>> -> memref<128xi32, #tpu.memory_space<vmem>>
        %dma_wait3A_194 = arith.constant 0 : i32
        %dma_wait3A_195 = arith.constant 0 : i32
        %dma_wait3A_196 = tpu.memref_slice %arg7[%dma_wait3A_194, %dma_wait3A_195] : memref<10112x128xf32, #tpu.memory_space<vmem_shared>> -> memref<10112x128xf32, #tpu.memory_space<vmem_shared>>
        tpu.wait_indirect_dma semaphore(%run_scoped3A_176 : memref<!tpu.dma_semaphore, #tpu.memory_space<semaphore_mem>>) src(%dma_wait3A_190 : memref<128x128xf32, #tpu.memory_space<vmem>>) dst(%dma_wait3A_196 : memref<10112x128xf32, #tpu.memory_space<vmem_shared>>)
        tpu.yield
      }) : () -> ()
    }
    %scan3A_45 = arith.constant 39 : i32
    %add3A_46 = arith.constant 78 : i32
    %add3A_47 = arith.addi %multiple_of3A, %add3A_46 : i32
    %add3A_48 = arith.constant 1 : i32
    %add3A_49 = arith.addi %add3A_47, %add3A_48 : i32
    %mul3A_50 = arith.constant 128 : i32
    %mul3A_51 = arith.muli %add3A_49, %mul3A_50 : i32
    %dma_start3A_52 = arith.constant 1 : i32
    %dma_start3A_53 = arith.constant 0 : i32
    %dma_start3A_54 = arith.constant 0 : i32
    %dma_start3A_55 = tpu.memref_slice %arg6[%dma_start3A_52, %dma_start3A_53, %dma_start3A_54] : memref<2x128x128xf32, #tpu.memory_space<vmem>> -> memref<1x128x128xf32, #tpu.memory_space<vmem>>
    %dma_start3A_56 = tpu.memref_squeeze %dma_start3A_55 : memref<1x128x128xf32, #tpu.memory_space<vmem>> -> memref<128x128xf32, #tpu.memory_space<vmem>>
    %dma_start3A_57 = arith.constant 0 : i32
    %dma_start3A_58 = tpu.memref_slice %arg2[%mul3A_51, %dma_start3A_57] : memref<327680x128xf32, #tpu.memory_space<hbm>> -> memref<128x128xf32, #tpu.memory_space<hbm>>
    %dma_start3A_59 = arith.constant 0 : i32
    %dma_start3A_60 = arith.constant 0 : i32
    %dma_start3A_61 = tpu.memref_slice %arg6[%dma_start3A_52, %dma_start3A_59, %dma_start3A_60] : memref<2x128x128xf32, #tpu.memory_space<vmem>> -> memref<1x128x128xf32, #tpu.memory_space<vmem>>
    %dma_start3A_62 = tpu.memref_squeeze %dma_start3A_61 : memref<1x128x128xf32, #tpu.memory_space<vmem>> -> memref<128x128xf32, #tpu.memory_space<vmem>>
    %dma_start3A_63 = arith.constant 0 : i32
    %dma_start3A_64 = tpu.memref_slice %arg2[%mul3A_51, %dma_start3A_63] : memref<327680x128xf32, #tpu.memory_space<hbm>> -> memref<128x128xf32, #tpu.memory_space<hbm>>
    tpu.enqueue_dma source(%dma_start3A_64 : memref<128x128xf32, #tpu.memory_space<hbm>>) target(%dma_start3A_62 : memref<128x128xf32, #tpu.memory_space<vmem>>) target_semaphore(%arg9 : memref<!tpu.dma_semaphore, #tpu.memory_space<semaphore_mem>>)
    %dma_wait3A = arith.constant 0 : i32
    %dma_wait3A_65 = arith.constant 0 : i32
    %dma_wait3A_66 = arith.constant 0 : i32
    %dma_wait3A_67 = tpu.memref_slice %arg6[%dma_wait3A, %dma_wait3A_65, %dma_wait3A_66] : memref<2x128x128xf32, #tpu.memory_space<vmem>> -> memref<1x128x128xf32, #tpu.memory_space<vmem>>
    %dma_wait3A_68 = tpu.memref_squeeze %dma_wait3A_67 : memref<1x128x128xf32, #tpu.memory_space<vmem>> -> memref<128x128xf32, #tpu.memory_space<vmem>>
    %dma_wait3A_69 = arith.constant 0 : i32
    %dma_wait3A_70 = arith.constant 0 : i32
    %dma_wait3A_71 = tpu.memref_slice %arg2[%dma_wait3A_69, %dma_wait3A_70] : memref<327680x128xf32, #tpu.memory_space<hbm>> -> memref<128x128xf32, #tpu.memory_space<hbm>>
    %dma_wait3A_72 = arith.constant 0 : i32
    %dma_wait3A_73 = arith.constant 0 : i32
    %dma_wait3A_74 = tpu.memref_slice %arg6[%dma_wait3A, %dma_wait3A_72, %dma_wait3A_73] : memref<2x128x128xf32, #tpu.memory_space<vmem>> -> memref<1x128x128xf32, #tpu.memory_space<vmem>>
    %dma_wait3A_75 = tpu.memref_squeeze %dma_wait3A_74 : memref<1x128x128xf32, #tpu.memory_space<vmem>> -> memref<128x128xf32, #tpu.memory_space<vmem>>
    %dma_wait3A_76 = arith.constant 0 : i32
    %dma_wait3A_77 = arith.constant 0 : i32
    %dma_wait3A_78 = tpu.memref_slice %arg2[%dma_wait3A_76, %dma_wait3A_77] : memref<327680x128xf32, #tpu.memory_space<hbm>> -> memref<128x128xf32, #tpu.memory_space<hbm>>
    tpu.wait_dma2 semaphore(%arg8 : memref<!tpu.dma_semaphore, #tpu.memory_space<semaphore_mem>>) src(%dma_wait3A_78 : memref<128x128xf32, #tpu.memory_space<hbm>>) dst(%dma_wait3A_75 : memref<128x128xf32, #tpu.memory_space<vmem>>)
    %run_scoped3A_79 = arith.constant 0 : i32
    %run_scoped3A_80 = arith.constant 78 : i32
    "tpu.region"() ({
      %run_scoped3A_103 = tpu.sem_alloc : memref<!tpu.dma_semaphore, #tpu.memory_space<semaphore_mem>>
      %dma_start3A_104 = arith.constant 0 : i32
      %dma_start3A_105 = arith.constant 0 : i32
      %dma_start3A_106 = tpu.memref_slice %arg6[%run_scoped3A_79, %dma_start3A_104, %dma_start3A_105] : memref<2x128x128xf32, #tpu.memory_space<vmem>> -> memref<1x128x128xf32, #tpu.memory_space<vmem>>
      %dma_start3A_107 = tpu.memref_squeeze %dma_start3A_106 : memref<1x128x128xf32, #tpu.memory_space<vmem>> -> memref<128x128xf32, #tpu.memory_space<vmem>>
      %dma_start3A_108 = arith.constant 0 : i32
      %dma_start3A_109 = tpu.memref_slice %arg5[%run_scoped3A_80, %dma_start3A_108] : memref<80x128xi32, #tpu.memory_space<vmem>> -> memref<1x128xi32, #tpu.memory_space<vmem>>
      %dma_start3A_110 = tpu.memref_squeeze %dma_start3A_109 : memref<1x128xi32, #tpu.memory_space<vmem>> -> memref<128xi32, #tpu.memory_space<vmem>>
      %dma_start3A_111 = arith.constant 0 : i32
      %dma_start3A_112 = arith.constant 0 : i32
      %dma_start3A_113 = tpu.memref_slice %arg7[%dma_start3A_111, %dma_start3A_112] : memref<10112x128xf32, #tpu.memory_space<vmem_shared>> -> memref<10112x128xf32, #tpu.memory_space<vmem_shared>>
      tpu.enqueue_indirect_dma source(%dma_start3A_107 : memref<128x128xf32, #tpu.memory_space<vmem>>) target(%dma_start3A_113 : memref<10112x128xf32, #tpu.memory_space<vmem_shared>>) offsets(%dma_start3A_110 : memref<128xi32, #tpu.memory_space<vmem>>) semaphore(%run_scoped3A_103 : memref<!tpu.dma_semaphore, #tpu.memory_space<semaphore_mem>>) {add = true}
      %dma_wait3A_114 = arith.constant 0 : i32
      %dma_wait3A_115 = arith.constant 0 : i32
      %dma_wait3A_116 = tpu.memref_slice %arg6[%run_scoped3A_79, %dma_wait3A_114, %dma_wait3A_115] : memref<2x128x128xf32, #tpu.memory_space<vmem>> -> memref<1x128x128xf32, #tpu.memory_space<vmem>>
      %dma_wait3A_117 = tpu.memref_squeeze %dma_wait3A_116 : memref<1x128x128xf32, #tpu.memory_space<vmem>> -> memref<128x128xf32, #tpu.memory_space<vmem>>
      %dma_wait3A_118 = arith.constant 0 : i32
      %dma_wait3A_119 = tpu.memref_slice %arg5[%run_scoped3A_80, %dma_wait3A_118] : memref<80x128xi32, #tpu.memory_space<vmem>> -> memref<1x128xi32, #tpu.memory_space<vmem>>
      %dma_wait3A_120 = tpu.memref_squeeze %dma_wait3A_119 : memref<1x128xi32, #tpu.memory_space<vmem>> -> memref<128xi32, #tpu.memory_space<vmem>>
      %dma_wait3A_121 = arith.constant 0 : i32
      %dma_wait3A_122 = arith.constant 0 : i32
      %dma_wait3A_123 = tpu.memref_slice %arg7[%dma_wait3A_121, %dma_wait3A_122] : memref<10112x128xf32, #tpu.memory_space<vmem_shared>> -> memref<10112x128xf32, #tpu.memory_space<vmem_shared>>
      tpu.wait_indirect_dma semaphore(%run_scoped3A_103 : memref<!tpu.dma_semaphore, #tpu.memory_space<semaphore_mem>>) src(%dma_wait3A_117 : memref<128x128xf32, #tpu.memory_space<vmem>>) dst(%dma_wait3A_123 : memref<10112x128xf32, #tpu.memory_space<vmem_shared>>)
      tpu.yield
    }) : () -> ()
    %dma_wait3A_81 = arith.constant 1 : i32
    %dma_wait3A_82 = arith.constant 0 : i32
    %dma_wait3A_83 = arith.constant 0 : i32
    %dma_wait3A_84 = tpu.memref_slice %arg6[%dma_wait3A_81, %dma_wait3A_82, %dma_wait3A_83] : memref<2x128x128xf32, #tpu.memory_space<vmem>> -> memref<1x128x128xf32, #tpu.memory_space<vmem>>
    %dma_wait3A_85 = tpu.memref_squeeze %dma_wait3A_84 : memref<1x128x128xf32, #tpu.memory_space<vmem>> -> memref<128x128xf32, #tpu.memory_space<vmem>>
    %dma_wait3A_86 = arith.constant 0 : i32
    %dma_wait3A_87 = arith.constant 0 : i32
    %dma_wait3A_88 = tpu.memref_slice %arg2[%dma_wait3A_86, %dma_wait3A_87] : memref<327680x128xf32, #tpu.memory_space<hbm>> -> memref<128x128xf32, #tpu.memory_space<hbm>>
    %dma_wait3A_89 = arith.constant 0 : i32
    %dma_wait3A_90 = arith.constant 0 : i32
    %dma_wait3A_91 = tpu.memref_slice %arg6[%dma_wait3A_81, %dma_wait3A_89, %dma_wait3A_90] : memref<2x128x128xf32, #tpu.memory_space<vmem>> -> memref<1x128x128xf32, #tpu.memory_space<vmem>>
    %dma_wait3A_92 = tpu.memref_squeeze %dma_wait3A_91 : memref<1x128x128xf32, #tpu.memory_space<vmem>> -> memref<128x128xf32, #tpu.memory_space<vmem>>
    %dma_wait3A_93 = arith.constant 0 : i32
    %dma_wait3A_94 = arith.constant 0 : i32
    %dma_wait3A_95 = tpu.memref_slice %arg2[%dma_wait3A_93, %dma_wait3A_94] : memref<327680x128xf32, #tpu.memory_space<hbm>> -> memref<128x128xf32, #tpu.memory_space<hbm>>
    tpu.wait_dma2 semaphore(%arg9 : memref<!tpu.dma_semaphore, #tpu.memory_space<semaphore_mem>>) src(%dma_wait3A_95 : memref<128x128xf32, #tpu.memory_space<hbm>>) dst(%dma_wait3A_92 : memref<128x128xf32, #tpu.memory_space<vmem>>)
    %run_scoped3A_96 = arith.constant 1 : i32
    %run_scoped3A_97 = arith.constant 79 : i32
    "tpu.region"() ({
      %run_scoped3A_103 = tpu.sem_alloc : memref<!tpu.dma_semaphore, #tpu.memory_space<semaphore_mem>>
      %dma_start3A_104 = arith.constant 0 : i32
      %dma_start3A_105 = arith.constant 0 : i32
      %dma_start3A_106 = tpu.memref_slice %arg6[%run_scoped3A_96, %dma_start3A_104, %dma_start3A_105] : memref<2x128x128xf32, #tpu.memory_space<vmem>> -> memref<1x128x128xf32, #tpu.memory_space<vmem>>
      %dma_start3A_107 = tpu.memref_squeeze %dma_start3A_106 : memref<1x128x128xf32, #tpu.memory_space<vmem>> -> memref<128x128xf32, #tpu.memory_space<vmem>>
      %dma_start3A_108 = arith.constant 0 : i32
      %dma_start3A_109 = tpu.memref_slice %arg5[%run_scoped3A_97, %dma_start3A_108] : memref<80x128xi32, #tpu.memory_space<vmem>> -> memref<1x128xi32, #tpu.memory_space<vmem>>
      %dma_start3A_110 = tpu.memref_squeeze %dma_start3A_109 : memref<1x128xi32, #tpu.memory_space<vmem>> -> memref<128xi32, #tpu.memory_space<vmem>>
      %dma_start3A_111 = arith.constant 0 : i32
      %dma_start3A_112 = arith.constant 0 : i32
      %dma_start3A_113 = tpu.memref_slice %arg7[%dma_start3A_111, %dma_start3A_112] : memref<10112x128xf32, #tpu.memory_space<vmem_shared>> -> memref<10112x128xf32, #tpu.memory_space<vmem_shared>>
      tpu.enqueue_indirect_dma source(%dma_start3A_107 : memref<128x128xf32, #tpu.memory_space<vmem>>) target(%dma_start3A_113 : memref<10112x128xf32, #tpu.memory_space<vmem_shared>>) offsets(%dma_start3A_110 : memref<128xi32, #tpu.memory_space<vmem>>) semaphore(%run_scoped3A_103 : memref<!tpu.dma_semaphore, #tpu.memory_space<semaphore_mem>>) {add = true}
      %dma_wait3A_114 = arith.constant 0 : i32
      %dma_wait3A_115 = arith.constant 0 : i32
      %dma_wait3A_116 = tpu.memref_slice %arg6[%run_scoped3A_96, %dma_wait3A_114, %dma_wait3A_115] : memref<2x128x128xf32, #tpu.memory_space<vmem>> -> memref<1x128x128xf32, #tpu.memory_space<vmem>>
      %dma_wait3A_117 = tpu.memref_squeeze %dma_wait3A_116 : memref<1x128x128xf32, #tpu.memory_space<vmem>> -> memref<128x128xf32, #tpu.memory_space<vmem>>
      %dma_wait3A_118 = arith.constant 0 : i32
      %dma_wait3A_119 = tpu.memref_slice %arg5[%run_scoped3A_97, %dma_wait3A_118] : memref<80x128xi32, #tpu.memory_space<vmem>> -> memref<1x128xi32, #tpu.memory_space<vmem>>
      %dma_wait3A_120 = tpu.memref_squeeze %dma_wait3A_119 : memref<1x128xi32, #tpu.memory_space<vmem>> -> memref<128xi32, #tpu.memory_space<vmem>>
      %dma_wait3A_121 = arith.constant 0 : i32
      %dma_wait3A_122 = arith.constant 0 : i32
      %dma_wait3A_123 = tpu.memref_slice %arg7[%dma_wait3A_121, %dma_wait3A_122] : memref<10112x128xf32, #tpu.memory_space<vmem_shared>> -> memref<10112x128xf32, #tpu.memory_space<vmem_shared>>
      tpu.wait_indirect_dma semaphore(%run_scoped3A_103 : memref<!tpu.dma_semaphore, #tpu.memory_space<semaphore_mem>>) src(%dma_wait3A_117 : memref<128x128xf32, #tpu.memory_space<vmem>>) dst(%dma_wait3A_123 : memref<10112x128xf32, #tpu.memory_space<vmem_shared>>)
      tpu.yield
    }) : () -> ()
    %barrier3A_98 = arith.constant 0 : index
    tpu.barrier barrier_id(%barrier3A_98)
    %mul3A_99 = arith.constant 632 : i32
    %mul3A_100 = arith.muli %arg1, %mul3A_99 : i32
    %mul3A_101 = arith.constant 632 : i32
    %mul3A_102 = arith.muli %arg1, %mul3A_101 : i32
    "tpu.region"() ({
      %run_scoped3A_103 = tpu.sem_alloc : memref<!tpu.dma_semaphore, #tpu.memory_space<semaphore_mem>>
      %dma_start3A_104 = arith.constant 0 : i32
      %dma_start3A_105 = tpu.memref_slice %arg4[%arg0, %mul3A_102, %dma_start3A_104] : memref<2x10112x128xf32, #tpu.memory_space<hbm>> -> memref<1x632x128xf32, #tpu.memory_space<hbm>>
      %dma_start3A_106 = tpu.memref_squeeze %dma_start3A_105 : memref<1x632x128xf32, #tpu.memory_space<hbm>> -> memref<632x128xf32, #tpu.memory_space<hbm>>
      %dma_start3A_107 = arith.constant 0 : i32
      %dma_start3A_108 = tpu.memref_slice %arg7[%mul3A_100, %dma_start3A_107] : memref<10112x128xf32, #tpu.memory_space<vmem_shared>> -> memref<632x128xf32, #tpu.memory_space<vmem_shared>>
      tpu.enqueue_dma source(%dma_start3A_108 : memref<632x128xf32, #tpu.memory_space<vmem_shared>>) target(%dma_start3A_106 : memref<632x128xf32, #tpu.memory_space<hbm>>) target_semaphore(%run_scoped3A_103 : memref<!tpu.dma_semaphore, #tpu.memory_space<semaphore_mem>>)
      %dma_wait3A_109 = arith.constant 0 : i32
      %dma_wait3A_110 = tpu.memref_slice %arg4[%arg0, %mul3A_102, %dma_wait3A_109] : memref<2x10112x128xf32, #tpu.memory_space<hbm>> -> memref<1x632x128xf32, #tpu.memory_space<hbm>>
      %dma_wait3A_111 = tpu.memref_squeeze %dma_wait3A_110 : memref<1x632x128xf32, #tpu.memory_space<hbm>> -> memref<632x128xf32, #tpu.memory_space<hbm>>
      %dma_wait3A_112 = arith.constant 0 : i32
      %dma_wait3A_113 = tpu.memref_slice %arg7[%mul3A_100, %dma_wait3A_112] : memref<10112x128xf32, #tpu.memory_space<vmem_shared>> -> memref<632x128xf32, #tpu.memory_space<vmem_shared>>
      tpu.wait_dma2 semaphore(%run_scoped3A_103 : memref<!tpu.dma_semaphore, #tpu.memory_space<semaphore_mem>>) src(%dma_wait3A_113 : memref<632x128xf32, #tpu.memory_space<vmem_shared>>) dst(%dma_wait3A_111 : memref<632x128xf32, #tpu.memory_space<hbm>>)
      tpu.yield
    }) : () -> ()
    return
  }
}

#map = affine_map<(d0, d1) -> (0, 0)>
#map1 = affine_map<(d0, d1) -> (0, 0, 0)>
module attributes {stable_mosaic.version = 14 : i64} {
  func.func @_gather_body(%arg0: i32, %arg1: i32, %arg2: memref<20000x128xf32, #tpu.memory_space<hbm>>, %arg3: memref<3x2560x128xi32, #tpu.memory_space<hbm>>, %arg4: memref<327680x128xf32, #tpu.memory_space<hbm>>, %arg5: memref<80x128xi32, #tpu.memory_space<vmem>>, %arg6: memref<80x128xi32, #tpu.memory_space<vmem>>, %arg7: memref<2x128x128xf32, #tpu.memory_space<vmem>>, %arg8: memref<2x128x128xf32, #tpu.memory_space<vmem>>, %arg9: memref<!tpu.dma_semaphore, #tpu.memory_space<semaphore_mem>>, %arg10: memref<!tpu.dma_semaphore, #tpu.memory_space<semaphore_mem>>) attributes {dimension_semantics = [#tpu.dimension_semantics<core_parallel>, #tpu.dimension_semantics<subcore_parallel>], iteration_bounds = array<i64: 2, 16>, scalar_prefetch = 0 : i64, scratch_operands = 6 : i64, tpu.core_type = #tpu.core_type<sc_vector_subcore>, window_params = [{transform_indices = #map}, {transform_indices = #map1}, {transform_indices = #map}]} {
    %mul3A = arith.constant 2 : i32
    %mul3A_0 = arith.muli %arg1, %mul3A : i32
    %add3A = arith.addi %mul3A_0, %arg0 : i32
    %mul3A_1 = arith.constant 80 : i32
    %mul3A_2 = arith.muli %add3A, %mul3A_1 : i32
    %multiple_of3A = tpu.assume_multiple %mul3A_2, 8 : i32
    %run_scoped3A = arith.constant 0 : i32
    "tpu.region"() ({
      %run_scoped3A_125 = tpu.sem_alloc : memref<!tpu.dma_semaphore, #tpu.memory_space<semaphore_mem>>
      %dma_start3A_126 = arith.constant 0 : i32
      %dma_start3A_127 = tpu.memref_slice %arg3[%run_scoped3A, %multiple_of3A, %dma_start3A_126] : memref<3x2560x128xi32, #tpu.memory_space<hbm>> -> memref<1x80x128xi32, #tpu.memory_space<hbm>>
      %dma_start3A_128 = tpu.memref_squeeze %dma_start3A_127 : memref<1x80x128xi32, #tpu.memory_space<hbm>> -> memref<80x128xi32, #tpu.memory_space<hbm>>
      %dma_start3A_129 = arith.constant 0 : i32
      %dma_start3A_130 = tpu.memref_slice %arg3[%run_scoped3A, %multiple_of3A, %dma_start3A_129] : memref<3x2560x128xi32, #tpu.memory_space<hbm>> -> memref<1x80x128xi32, #tpu.memory_space<hbm>>
      %dma_start3A_131 = tpu.memref_squeeze %dma_start3A_130 : memref<1x80x128xi32, #tpu.memory_space<hbm>> -> memref<80x128xi32, #tpu.memory_space<hbm>>
      tpu.enqueue_dma source(%dma_start3A_131 : memref<80x128xi32, #tpu.memory_space<hbm>>) target(%arg5 : memref<80x128xi32, #tpu.memory_space<vmem>>) target_semaphore(%run_scoped3A_125 : memref<!tpu.dma_semaphore, #tpu.memory_space<semaphore_mem>>)
      %dma_wait3A_132 = arith.constant 0 : i32
      %dma_wait3A_133 = tpu.memref_slice %arg3[%run_scoped3A, %multiple_of3A, %dma_wait3A_132] : memref<3x2560x128xi32, #tpu.memory_space<hbm>> -> memref<1x80x128xi32, #tpu.memory_space<hbm>>
      %dma_wait3A_134 = tpu.memref_squeeze %dma_wait3A_133 : memref<1x80x128xi32, #tpu.memory_space<hbm>> -> memref<80x128xi32, #tpu.memory_space<hbm>>
      %dma_wait3A_135 = arith.constant 0 : i32
      %dma_wait3A_136 = tpu.memref_slice %arg3[%run_scoped3A, %multiple_of3A, %dma_wait3A_135] : memref<3x2560x128xi32, #tpu.memory_space<hbm>> -> memref<1x80x128xi32, #tpu.memory_space<hbm>>
      %dma_wait3A_137 = tpu.memref_squeeze %dma_wait3A_136 : memref<1x80x128xi32, #tpu.memory_space<hbm>> -> memref<80x128xi32, #tpu.memory_space<hbm>>
      tpu.wait_dma2 semaphore(%run_scoped3A_125 : memref<!tpu.dma_semaphore, #tpu.memory_space<semaphore_mem>>) src(%dma_wait3A_137 : memref<80x128xi32, #tpu.memory_space<hbm>>) dst(%arg5 : memref<80x128xi32, #tpu.memory_space<vmem>>)
      tpu.yield
    }) : () -> ()
    %run_scoped3A_3 = arith.constant 1 : i32
    "tpu.region"() ({
      %run_scoped3A_125 = tpu.sem_alloc : memref<!tpu.dma_semaphore, #tpu.memory_space<semaphore_mem>>
      %dma_start3A_126 = arith.constant 0 : i32
      %dma_start3A_127 = tpu.memref_slice %arg3[%run_scoped3A_3, %multiple_of3A, %dma_start3A_126] : memref<3x2560x128xi32, #tpu.memory_space<hbm>> -> memref<1x80x128xi32, #tpu.memory_space<hbm>>
      %dma_start3A_128 = tpu.memref_squeeze %dma_start3A_127 : memref<1x80x128xi32, #tpu.memory_space<hbm>> -> memref<80x128xi32, #tpu.memory_space<hbm>>
      %dma_start3A_129 = arith.constant 0 : i32
      %dma_start3A_130 = tpu.memref_slice %arg3[%run_scoped3A_3, %multiple_of3A, %dma_start3A_129] : memref<3x2560x128xi32, #tpu.memory_space<hbm>> -> memref<1x80x128xi32, #tpu.memory_space<hbm>>
      %dma_start3A_131 = tpu.memref_squeeze %dma_start3A_130 : memref<1x80x128xi32, #tpu.memory_space<hbm>> -> memref<80x128xi32, #tpu.memory_space<hbm>>
      tpu.enqueue_dma source(%dma_start3A_131 : memref<80x128xi32, #tpu.memory_space<hbm>>) target(%arg6 : memref<80x128xi32, #tpu.memory_space<vmem>>) target_semaphore(%run_scoped3A_125 : memref<!tpu.dma_semaphore, #tpu.memory_space<semaphore_mem>>)
      %dma_wait3A_132 = arith.constant 0 : i32
      %dma_wait3A_133 = tpu.memref_slice %arg3[%run_scoped3A_3, %multiple_of3A, %dma_wait3A_132] : memref<3x2560x128xi32, #tpu.memory_space<hbm>> -> memref<1x80x128xi32, #tpu.memory_space<hbm>>
      %dma_wait3A_134 = tpu.memref_squeeze %dma_wait3A_133 : memref<1x80x128xi32, #tpu.memory_space<hbm>> -> memref<80x128xi32, #tpu.memory_space<hbm>>
      %dma_wait3A_135 = arith.constant 0 : i32
      %dma_wait3A_136 = tpu.memref_slice %arg3[%run_scoped3A_3, %multiple_of3A, %dma_wait3A_135] : memref<3x2560x128xi32, #tpu.memory_space<hbm>> -> memref<1x80x128xi32, #tpu.memory_space<hbm>>
      %dma_wait3A_137 = tpu.memref_squeeze %dma_wait3A_136 : memref<1x80x128xi32, #tpu.memory_space<hbm>> -> memref<80x128xi32, #tpu.memory_space<hbm>>
      tpu.wait_dma2 semaphore(%run_scoped3A_125 : memref<!tpu.dma_semaphore, #tpu.memory_space<semaphore_mem>>) src(%dma_wait3A_137 : memref<80x128xi32, #tpu.memory_space<hbm>>) dst(%arg6 : memref<80x128xi32, #tpu.memory_space<vmem>>)
      tpu.yield
    }) : () -> ()
    %dma_start3A = arith.constant 0 : i32
    %dma_start3A_4 = arith.constant 0 : i32
    %dma_start3A_5 = arith.constant 0 : i32
    %dma_start3A_6 = arith.constant 0 : i32
    %dma_start3A_7 = tpu.memref_slice %arg7[%dma_start3A_4, %dma_start3A_5, %dma_start3A_6] : memref<2x128x128xf32, #tpu.memory_space<vmem>> -> memref<1x128x128xf32, #tpu.memory_space<vmem>>
    %dma_start3A_8 = tpu.memref_squeeze %dma_start3A_7 : memref<1x128x128xf32, #tpu.memory_space<vmem>> -> memref<128x128xf32, #tpu.memory_space<vmem>>
    %dma_start3A_9 = arith.constant 0 : i32
    %dma_start3A_10 = tpu.memref_slice %arg5[%dma_start3A, %dma_start3A_9] : memref<80x128xi32, #tpu.memory_space<vmem>> -> memref<1x128xi32, #tpu.memory_space<vmem>>
    %dma_start3A_11 = tpu.memref_squeeze %dma_start3A_10 : memref<1x128xi32, #tpu.memory_space<vmem>> -> memref<128xi32, #tpu.memory_space<vmem>>
    %dma_start3A_12 = arith.constant 0 : i32
    %dma_start3A_13 = arith.constant 0 : i32
    %dma_start3A_14 = tpu.memref_slice %arg2[%dma_start3A_12, %dma_start3A_13] : memref<20000x128xf32, #tpu.memory_space<hbm>> -> memref<20000x128xf32, #tpu.memory_space<hbm>>
    tpu.enqueue_indirect_dma source(%dma_start3A_14 : memref<20000x128xf32, #tpu.memory_space<hbm>>) target(%dma_start3A_8 : memref<128x128xf32, #tpu.memory_space<vmem>>) offsets(%dma_start3A_11 : memref<128xi32, #tpu.memory_space<vmem>>) semaphore(%arg9 : memref<!tpu.dma_semaphore, #tpu.memory_space<semaphore_mem>>)
    %dma_start3A_15 = arith.constant 0 : i32
    %dma_start3A_16 = arith.constant 0 : i32
    %dma_start3A_17 = arith.constant 0 : i32
    %dma_start3A_18 = arith.constant 0 : i32
    %dma_start3A_19 = tpu.memref_slice %arg8[%dma_start3A_16, %dma_start3A_17, %dma_start3A_18] : memref<2x128x128xf32, #tpu.memory_space<vmem>> -> memref<1x128x128xf32, #tpu.memory_space<vmem>>
    %dma_start3A_20 = tpu.memref_squeeze %dma_start3A_19 : memref<1x128x128xf32, #tpu.memory_space<vmem>> -> memref<128x128xf32, #tpu.memory_space<vmem>>
    %dma_start3A_21 = arith.constant 0 : i32
    %dma_start3A_22 = tpu.memref_slice %arg6[%dma_start3A_15, %dma_start3A_21] : memref<80x128xi32, #tpu.memory_space<vmem>> -> memref<1x128xi32, #tpu.memory_space<vmem>>
    %dma_start3A_23 = tpu.memref_squeeze %dma_start3A_22 : memref<1x128xi32, #tpu.memory_space<vmem>> -> memref<128xi32, #tpu.memory_space<vmem>>
    %dma_start3A_24 = arith.constant 0 : i32
    %dma_start3A_25 = arith.constant 0 : i32
    %dma_start3A_26 = tpu.memref_slice %arg2[%dma_start3A_24, %dma_start3A_25] : memref<20000x128xf32, #tpu.memory_space<hbm>> -> memref<20000x128xf32, #tpu.memory_space<hbm>>
    tpu.enqueue_indirect_dma source(%dma_start3A_26 : memref<20000x128xf32, #tpu.memory_space<hbm>>) target(%dma_start3A_20 : memref<128x128xf32, #tpu.memory_space<vmem>>) offsets(%dma_start3A_23 : memref<128xi32, #tpu.memory_space<vmem>>) semaphore(%arg9 : memref<!tpu.dma_semaphore, #tpu.memory_space<semaphore_mem>>)
    %scan3A = arith.constant 0 : i32
    %scan3A_27 = arith.constant 0 : i32
    %scan3A_28 = arith.constant 39 : i32
    %scan3A_29 = arith.addi %scan3A_27, %scan3A_28 : i32
    %scan3A_30 = arith.constant 1 : i32
    scf.for %scan3A_125 = %scan3A_27 to %scan3A_29 step %scan3A_30  : i32 {
      %mul3A_126 = arith.constant 2 : i32
      %mul3A_127 = arith.muli %mul3A_126, %scan3A_125 : i32
      %add3A_128 = arith.constant 1 : i32
      %add3A_129 = arith.addi %mul3A_127, %add3A_128 : i32
      %dma_start3A_130 = arith.constant 1 : i32
      %dma_start3A_131 = arith.constant 0 : i32
      %dma_start3A_132 = arith.constant 0 : i32
      %dma_start3A_133 = tpu.memref_slice %arg7[%dma_start3A_130, %dma_start3A_131, %dma_start3A_132] : memref<2x128x128xf32, #tpu.memory_space<vmem>> -> memref<1x128x128xf32, #tpu.memory_space<vmem>>
      %dma_start3A_134 = tpu.memref_squeeze %dma_start3A_133 : memref<1x128x128xf32, #tpu.memory_space<vmem>> -> memref<128x128xf32, #tpu.memory_space<vmem>>
      %dma_start3A_135 = arith.constant 0 : i32
      %dma_start3A_136 = tpu.memref_slice %arg5[%add3A_129, %dma_start3A_135] : memref<80x128xi32, #tpu.memory_space<vmem>> -> memref<1x128xi32, #tpu.memory_space<vmem>>
      %dma_start3A_137 = tpu.memref_squeeze %dma_start3A_136 : memref<1x128xi32, #tpu.memory_space<vmem>> -> memref<128xi32, #tpu.memory_space<vmem>>
      %dma_start3A_138 = arith.constant 0 : i32
      %dma_start3A_139 = arith.constant 0 : i32
      %dma_start3A_140 = tpu.memref_slice %arg2[%dma_start3A_138, %dma_start3A_139] : memref<20000x128xf32, #tpu.memory_space<hbm>> -> memref<20000x128xf32, #tpu.memory_space<hbm>>
      tpu.enqueue_indirect_dma source(%dma_start3A_140 : memref<20000x128xf32, #tpu.memory_space<hbm>>) target(%dma_start3A_134 : memref<128x128xf32, #tpu.memory_space<vmem>>) offsets(%dma_start3A_137 : memref<128xi32, #tpu.memory_space<vmem>>) semaphore(%arg10 : memref<!tpu.dma_semaphore, #tpu.memory_space<semaphore_mem>>)
      %add3A_141 = arith.constant 1 : i32
      %add3A_142 = arith.addi %mul3A_127, %add3A_141 : i32
      %dma_start3A_143 = arith.constant 1 : i32
      %dma_start3A_144 = arith.constant 0 : i32
      %dma_start3A_145 = arith.constant 0 : i32
      %dma_start3A_146 = tpu.memref_slice %arg8[%dma_start3A_143, %dma_start3A_144, %dma_start3A_145] : memref<2x128x128xf32, #tpu.memory_space<vmem>> -> memref<1x128x128xf32, #tpu.memory_space<vmem>>
      %dma_start3A_147 = tpu.memref_squeeze %dma_start3A_146 : memref<1x128x128xf32, #tpu.memory_space<vmem>> -> memref<128x128xf32, #tpu.memory_space<vmem>>
      %dma_start3A_148 = arith.constant 0 : i32
      %dma_start3A_149 = tpu.memref_slice %arg6[%add3A_142, %dma_start3A_148] : memref<80x128xi32, #tpu.memory_space<vmem>> -> memref<1x128xi32, #tpu.memory_space<vmem>>
      %dma_start3A_150 = tpu.memref_squeeze %dma_start3A_149 : memref<1x128xi32, #tpu.memory_space<vmem>> -> memref<128xi32, #tpu.memory_space<vmem>>
      %dma_start3A_151 = arith.constant 0 : i32
      %dma_start3A_152 = arith.constant 0 : i32
      %dma_start3A_153 = tpu.memref_slice %arg2[%dma_start3A_151, %dma_start3A_152] : memref<20000x128xf32, #tpu.memory_space<hbm>> -> memref<20000x128xf32, #tpu.memory_space<hbm>>
      tpu.enqueue_indirect_dma source(%dma_start3A_153 : memref<20000x128xf32, #tpu.memory_space<hbm>>) target(%dma_start3A_147 : memref<128x128xf32, #tpu.memory_space<vmem>>) offsets(%dma_start3A_150 : memref<128xi32, #tpu.memory_space<vmem>>) semaphore(%arg10 : memref<!tpu.dma_semaphore, #tpu.memory_space<semaphore_mem>>)
      %dma_wait3A_154 = arith.constant 0 : i32
      %dma_wait3A_155 = arith.constant 0 : i32
      %dma_wait3A_156 = arith.constant 0 : i32
      %dma_wait3A_157 = arith.constant 0 : i32
      %dma_wait3A_158 = tpu.memref_slice %arg7[%dma_wait3A_155, %dma_wait3A_156, %dma_wait3A_157] : memref<2x128x128xf32, #tpu.memory_space<vmem>> -> memref<1x128x128xf32, #tpu.memory_space<vmem>>
      %dma_wait3A_159 = tpu.memref_squeeze %dma_wait3A_158 : memref<1x128x128xf32, #tpu.memory_space<vmem>> -> memref<128x128xf32, #tpu.memory_space<vmem>>
      %dma_wait3A_160 = arith.constant 0 : i32
      %dma_wait3A_161 = tpu.memref_slice %arg5[%dma_wait3A_154, %dma_wait3A_160] : memref<80x128xi32, #tpu.memory_space<vmem>> -> memref<1x128xi32, #tpu.memory_space<vmem>>
      %dma_wait3A_162 = tpu.memref_squeeze %dma_wait3A_161 : memref<1x128xi32, #tpu.memory_space<vmem>> -> memref<128xi32, #tpu.memory_space<vmem>>
      %dma_wait3A_163 = arith.constant 0 : i32
      %dma_wait3A_164 = arith.constant 0 : i32
      %dma_wait3A_165 = tpu.memref_slice %arg2[%dma_wait3A_163, %dma_wait3A_164] : memref<20000x128xf32, #tpu.memory_space<hbm>> -> memref<20000x128xf32, #tpu.memory_space<hbm>>
      tpu.wait_indirect_dma semaphore(%arg9 : memref<!tpu.dma_semaphore, #tpu.memory_space<semaphore_mem>>) src(%dma_wait3A_165 : memref<20000x128xf32, #tpu.memory_space<hbm>>) dst(%dma_wait3A_159 : memref<128x128xf32, #tpu.memory_space<vmem>>)
      %dma_wait3A_166 = arith.constant 0 : i32
      %dma_wait3A_167 = arith.constant 0 : i32
      %dma_wait3A_168 = arith.constant 0 : i32
      %dma_wait3A_169 = arith.constant 0 : i32
      %dma_wait3A_170 = tpu.memref_slice %arg8[%dma_wait3A_167, %dma_wait3A_168, %dma_wait3A_169] : memref<2x128x128xf32, #tpu.memory_space<vmem>> -> memref<1x128x128xf32, #tpu.memory_space<vmem>>
      %dma_wait3A_171 = tpu.memref_squeeze %dma_wait3A_170 : memref<1x128x128xf32, #tpu.memory_space<vmem>> -> memref<128x128xf32, #tpu.memory_space<vmem>>
      %dma_wait3A_172 = arith.constant 0 : i32
      %dma_wait3A_173 = tpu.memref_slice %arg6[%dma_wait3A_166, %dma_wait3A_172] : memref<80x128xi32, #tpu.memory_space<vmem>> -> memref<1x128xi32, #tpu.memory_space<vmem>>
      %dma_wait3A_174 = tpu.memref_squeeze %dma_wait3A_173 : memref<1x128xi32, #tpu.memory_space<vmem>> -> memref<128xi32, #tpu.memory_space<vmem>>
      %dma_wait3A_175 = arith.constant 0 : i32
      %dma_wait3A_176 = arith.constant 0 : i32
      %dma_wait3A_177 = tpu.memref_slice %arg2[%dma_wait3A_175, %dma_wait3A_176] : memref<20000x128xf32, #tpu.memory_space<hbm>> -> memref<20000x128xf32, #tpu.memory_space<hbm>>
      tpu.wait_indirect_dma semaphore(%arg9 : memref<!tpu.dma_semaphore, #tpu.memory_space<semaphore_mem>>) src(%dma_wait3A_177 : memref<20000x128xf32, #tpu.memory_space<hbm>>) dst(%dma_wait3A_171 : memref<128x128xf32, #tpu.memory_space<vmem>>)
      %scan3A_178 = arith.constant 0 : i32
      %scan3A_179 = arith.constant 0 : i32
      %scan3A_180 = arith.constant 128 : i32
      %scan3A_181 = arith.addi %scan3A_179, %scan3A_180 : i32
      %scan3A_182 = arith.constant 1 : i32
      scf.for %scan3A_250 = %scan3A_179 to %scan3A_181 step %scan3A_182  : i32 {
        %get3A = arith.constant 0 : i32
        %get3A_251 = arith.index_cast %get3A : i32 to index
        %get3A_252 = arith.index_cast %scan3A_250 : i32 to index
        %get3A_253 = arith.constant 0 : index
        %get3A_254 = tpu.vector_load %arg7[%get3A_251, %get3A_252, %get3A_253] {strides = array<i32>} : memref<2x128x128xf32, #tpu.memory_space<vmem>>, vector<1x1x16xf32>,
        %get3A_255 = vector.shape_cast %get3A_254 : vector<1x1x16xf32> to vector<16xf32>
        %get3A_256 = arith.constant 0 : i32
        %get3A_257 = arith.index_cast %get3A_256 : i32 to index
        %get3A_258 = arith.index_cast %scan3A_250 : i32 to index
        %get3A_259 = arith.constant 0 : index
        %get3A_260 = tpu.vector_load %arg8[%get3A_257, %get3A_258, %get3A_259] {strides = array<i32>} : memref<2x128x128xf32, #tpu.memory_space<vmem>>, vector<1x1x16xf32>,
        %get3A_261 = vector.shape_cast %get3A_260 : vector<1x1x16xf32> to vector<16xf32>
        %add3A_262 = arith.addf %get3A_255, %get3A_261 : vector<16xf32>
        %swap3A = arith.constant 0 : i32
        %swap3A_263 = arith.index_cast %swap3A : i32 to index
        %swap3A_264 = arith.index_cast %scan3A_250 : i32 to index
        %swap3A_265 = arith.constant 0 : index
        %swap3A_266 = tpu.vector_load %arg7[%swap3A_263, %swap3A_264, %swap3A_265] {strides = array<i32>} : memref<2x128x128xf32, #tpu.memory_space<vmem>>, vector<1x1x16xf32>,
        %swap3A_267 = vector.shape_cast %swap3A_266 : vector<1x1x16xf32> to vector<16xf32>
        %swap3A_268 = vector.shape_cast %add3A_262 : vector<16xf32> to vector<1x1x16xf32>
        tpu.vector_store %arg7[%swap3A_263, %swap3A_264, %swap3A_265], %swap3A_268 {strides = array<i32>} : memref<2x128x128xf32, #tpu.memory_space<vmem>>, vector<1x1x16xf32>,
        %get3A_269 = arith.constant 0 : i32
        %get3A_270 = arith.index_cast %get3A_269 : i32 to index
        %get3A_271 = arith.index_cast %scan3A_250 : i32 to index
        %get3A_272 = arith.constant 16 : index
        %get3A_273 = tpu.vector_load %arg7[%get3A_270, %get3A_271, %get3A_272] {strides = array<i32>} : memref<2x128x128xf32, #tpu.memory_space<vmem>>, vector<1x1x16xf32>,
        %get3A_274 = vector.shape_cast %get3A_273 : vector<1x1x16xf32> to vector<16xf32>
        %get3A_275 = arith.constant 0 : i32
        %get3A_276 = arith.index_cast %get3A_275 : i32 to index
        %get3A_277 = arith.index_cast %scan3A_250 : i32 to index
        %get3A_278 = arith.constant 16 : index
        %get3A_279 = tpu.vector_load %arg8[%get3A_276, %get3A_277, %get3A_278] {strides = array<i32>} : memref<2x128x128xf32, #tpu.memory_space<vmem>>, vector<1x1x16xf32>,
        %get3A_280 = vector.shape_cast %get3A_279 : vector<1x1x16xf32> to vector<16xf32>
        %add3A_281 = arith.addf %get3A_274, %get3A_280 : vector<16xf32>
        %swap3A_282 = arith.constant 0 : i32
        %swap3A_283 = arith.index_cast %swap3A_282 : i32 to index
        %swap3A_284 = arith.index_cast %scan3A_250 : i32 to index
        %swap3A_285 = arith.constant 16 : index
        %swap3A_286 = tpu.vector_load %arg7[%swap3A_283, %swap3A_284, %swap3A_285] {strides = array<i32>} : memref<2x128x128xf32, #tpu.memory_space<vmem>>, vector<1x1x16xf32>,
        %swap3A_287 = vector.shape_cast %swap3A_286 : vector<1x1x16xf32> to vector<16xf32>
        %swap3A_288 = vector.shape_cast %add3A_281 : vector<16xf32> to vector<1x1x16xf32>
        tpu.vector_store %arg7[%swap3A_283, %swap3A_284, %swap3A_285], %swap3A_288 {strides = array<i32>} : memref<2x128x128xf32, #tpu.memory_space<vmem>>, vector<1x1x16xf32>,
        %get3A_289 = arith.constant 0 : i32
        %get3A_290 = arith.index_cast %get3A_289 : i32 to index
        %get3A_291 = arith.index_cast %scan3A_250 : i32 to index
        %get3A_292 = arith.constant 32 : index
        %get3A_293 = tpu.vector_load %arg7[%get3A_290, %get3A_291, %get3A_292] {strides = array<i32>} : memref<2x128x128xf32, #tpu.memory_space<vmem>>, vector<1x1x16xf32>,
        %get3A_294 = vector.shape_cast %get3A_293 : vector<1x1x16xf32> to vector<16xf32>
        %get3A_295 = arith.constant 0 : i32
        %get3A_296 = arith.index_cast %get3A_295 : i32 to index
        %get3A_297 = arith.index_cast %scan3A_250 : i32 to index
        %get3A_298 = arith.constant 32 : index
        %get3A_299 = tpu.vector_load %arg8[%get3A_296, %get3A_297, %get3A_298] {strides = array<i32>} : memref<2x128x128xf32, #tpu.memory_space<vmem>>, vector<1x1x16xf32>,
        %get3A_300 = vector.shape_cast %get3A_299 : vector<1x1x16xf32> to vector<16xf32>
        %add3A_301 = arith.addf %get3A_294, %get3A_300 : vector<16xf32>
        %swap3A_302 = arith.constant 0 : i32
        %swap3A_303 = arith.index_cast %swap3A_302 : i32 to index
        %swap3A_304 = arith.index_cast %scan3A_250 : i32 to index
        %swap3A_305 = arith.constant 32 : index
        %swap3A_306 = tpu.vector_load %arg7[%swap3A_303, %swap3A_304, %swap3A_305] {strides = array<i32>} : memref<2x128x128xf32, #tpu.memory_space<vmem>>, vector<1x1x16xf32>,
        %swap3A_307 = vector.shape_cast %swap3A_306 : vector<1x1x16xf32> to vector<16xf32>
        %swap3A_308 = vector.shape_cast %add3A_301 : vector<16xf32> to vector<1x1x16xf32>
        tpu.vector_store %arg7[%swap3A_303, %swap3A_304, %swap3A_305], %swap3A_308 {strides = array<i32>} : memref<2x128x128xf32, #tpu.memory_space<vmem>>, vector<1x1x16xf32>,
        %get3A_309 = arith.constant 0 : i32
        %get3A_310 = arith.index_cast %get3A_309 : i32 to index
        %get3A_311 = arith.index_cast %scan3A_250 : i32 to index
        %get3A_312 = arith.constant 48 : index
        %get3A_313 = tpu.vector_load %arg7[%get3A_310, %get3A_311, %get3A_312] {strides = array<i32>} : memref<2x128x128xf32, #tpu.memory_space<vmem>>, vector<1x1x16xf32>,
        %get3A_314 = vector.shape_cast %get3A_313 : vector<1x1x16xf32> to vector<16xf32>
        %get3A_315 = arith.constant 0 : i32
        %get3A_316 = arith.index_cast %get3A_315 : i32 to index
        %get3A_317 = arith.index_cast %scan3A_250 : i32 to index
        %get3A_318 = arith.constant 48 : index
        %get3A_319 = tpu.vector_load %arg8[%get3A_316, %get3A_317, %get3A_318] {strides = array<i32>} : memref<2x128x128xf32, #tpu.memory_space<vmem>>, vector<1x1x16xf32>,
        %get3A_320 = vector.shape_cast %get3A_319 : vector<1x1x16xf32> to vector<16xf32>
        %add3A_321 = arith.addf %get3A_314, %get3A_320 : vector<16xf32>
        %swap3A_322 = arith.constant 0 : i32
        %swap3A_323 = arith.index_cast %swap3A_322 : i32 to index
        %swap3A_324 = arith.index_cast %scan3A_250 : i32 to index
        %swap3A_325 = arith.constant 48 : index
        %swap3A_326 = tpu.vector_load %arg7[%swap3A_323, %swap3A_324, %swap3A_325] {strides = array<i32>} : memref<2x128x128xf32, #tpu.memory_space<vmem>>, vector<1x1x16xf32>,
        %swap3A_327 = vector.shape_cast %swap3A_326 : vector<1x1x16xf32> to vector<16xf32>
        %swap3A_328 = vector.shape_cast %add3A_321 : vector<16xf32> to vector<1x1x16xf32>
        tpu.vector_store %arg7[%swap3A_323, %swap3A_324, %swap3A_325], %swap3A_328 {strides = array<i32>} : memref<2x128x128xf32, #tpu.memory_space<vmem>>, vector<1x1x16xf32>,
        %get3A_329 = arith.constant 0 : i32
        %get3A_330 = arith.index_cast %get3A_329 : i32 to index
        %get3A_331 = arith.index_cast %scan3A_250 : i32 to index
        %get3A_332 = arith.constant 64 : index
        %get3A_333 = tpu.vector_load %arg7[%get3A_330, %get3A_331, %get3A_332] {strides = array<i32>} : memref<2x128x128xf32, #tpu.memory_space<vmem>>, vector<1x1x16xf32>,
        %get3A_334 = vector.shape_cast %get3A_333 : vector<1x1x16xf32> to vector<16xf32>
        %get3A_335 = arith.constant 0 : i32
        %get3A_336 = arith.index_cast %get3A_335 : i32 to index
        %get3A_337 = arith.index_cast %scan3A_250 : i32 to index
        %get3A_338 = arith.constant 64 : index
        %get3A_339 = tpu.vector_load %arg8[%get3A_336, %get3A_337, %get3A_338] {strides = array<i32>} : memref<2x128x128xf32, #tpu.memory_space<vmem>>, vector<1x1x16xf32>,
        %get3A_340 = vector.shape_cast %get3A_339 : vector<1x1x16xf32> to vector<16xf32>
        %add3A_341 = arith.addf %get3A_334, %get3A_340 : vector<16xf32>
        %swap3A_342 = arith.constant 0 : i32
        %swap3A_343 = arith.index_cast %swap3A_342 : i32 to index
        %swap3A_344 = arith.index_cast %scan3A_250 : i32 to index
        %swap3A_345 = arith.constant 64 : index
        %swap3A_346 = tpu.vector_load %arg7[%swap3A_343, %swap3A_344, %swap3A_345] {strides = array<i32>} : memref<2x128x128xf32, #tpu.memory_space<vmem>>, vector<1x1x16xf32>,
        %swap3A_347 = vector.shape_cast %swap3A_346 : vector<1x1x16xf32> to vector<16xf32>
        %swap3A_348 = vector.shape_cast %add3A_341 : vector<16xf32> to vector<1x1x16xf32>
        tpu.vector_store %arg7[%swap3A_343, %swap3A_344, %swap3A_345], %swap3A_348 {strides = array<i32>} : memref<2x128x128xf32, #tpu.memory_space<vmem>>, vector<1x1x16xf32>,
        %get3A_349 = arith.constant 0 : i32
        %get3A_350 = arith.index_cast %get3A_349 : i32 to index
        %get3A_351 = arith.index_cast %scan3A_250 : i32 to index
        %get3A_352 = arith.constant 80 : index
        %get3A_353 = tpu.vector_load %arg7[%get3A_350, %get3A_351, %get3A_352] {strides = array<i32>} : memref<2x128x128xf32, #tpu.memory_space<vmem>>, vector<1x1x16xf32>,
        %get3A_354 = vector.shape_cast %get3A_353 : vector<1x1x16xf32> to vector<16xf32>
        %get3A_355 = arith.constant 0 : i32
        %get3A_356 = arith.index_cast %get3A_355 : i32 to index
        %get3A_357 = arith.index_cast %scan3A_250 : i32 to index
        %get3A_358 = arith.constant 80 : index
        %get3A_359 = tpu.vector_load %arg8[%get3A_356, %get3A_357, %get3A_358] {strides = array<i32>} : memref<2x128x128xf32, #tpu.memory_space<vmem>>, vector<1x1x16xf32>,
        %get3A_360 = vector.shape_cast %get3A_359 : vector<1x1x16xf32> to vector<16xf32>
        %add3A_361 = arith.addf %get3A_354, %get3A_360 : vector<16xf32>
        %swap3A_362 = arith.constant 0 : i32
        %swap3A_363 = arith.index_cast %swap3A_362 : i32 to index
        %swap3A_364 = arith.index_cast %scan3A_250 : i32 to index
        %swap3A_365 = arith.constant 80 : index
        %swap3A_366 = tpu.vector_load %arg7[%swap3A_363, %swap3A_364, %swap3A_365] {strides = array<i32>} : memref<2x128x128xf32, #tpu.memory_space<vmem>>, vector<1x1x16xf32>,
        %swap3A_367 = vector.shape_cast %swap3A_366 : vector<1x1x16xf32> to vector<16xf32>
        %swap3A_368 = vector.shape_cast %add3A_361 : vector<16xf32> to vector<1x1x16xf32>
        tpu.vector_store %arg7[%swap3A_363, %swap3A_364, %swap3A_365], %swap3A_368 {strides = array<i32>} : memref<2x128x128xf32, #tpu.memory_space<vmem>>, vector<1x1x16xf32>,
        %get3A_369 = arith.constant 0 : i32
        %get3A_370 = arith.index_cast %get3A_369 : i32 to index
        %get3A_371 = arith.index_cast %scan3A_250 : i32 to index
        %get3A_372 = arith.constant 96 : index
        %get3A_373 = tpu.vector_load %arg7[%get3A_370, %get3A_371, %get3A_372] {strides = array<i32>} : memref<2x128x128xf32, #tpu.memory_space<vmem>>, vector<1x1x16xf32>,
        %get3A_374 = vector.shape_cast %get3A_373 : vector<1x1x16xf32> to vector<16xf32>
        %get3A_375 = arith.constant 0 : i32
        %get3A_376 = arith.index_cast %get3A_375 : i32 to index
        %get3A_377 = arith.index_cast %scan3A_250 : i32 to index
        %get3A_378 = arith.constant 96 : index
        %get3A_379 = tpu.vector_load %arg8[%get3A_376, %get3A_377, %get3A_378] {strides = array<i32>} : memref<2x128x128xf32, #tpu.memory_space<vmem>>, vector<1x1x16xf32>,
        %get3A_380 = vector.shape_cast %get3A_379 : vector<1x1x16xf32> to vector<16xf32>
        %add3A_381 = arith.addf %get3A_374, %get3A_380 : vector<16xf32>
        %swap3A_382 = arith.constant 0 : i32
        %swap3A_383 = arith.index_cast %swap3A_382 : i32 to index
        %swap3A_384 = arith.index_cast %scan3A_250 : i32 to index
        %swap3A_385 = arith.constant 96 : index
        %swap3A_386 = tpu.vector_load %arg7[%swap3A_383, %swap3A_384, %swap3A_385] {strides = array<i32>} : memref<2x128x128xf32, #tpu.memory_space<vmem>>, vector<1x1x16xf32>,
        %swap3A_387 = vector.shape_cast %swap3A_386 : vector<1x1x16xf32> to vector<16xf32>
        %swap3A_388 = vector.shape_cast %add3A_381 : vector<16xf32> to vector<1x1x16xf32>
        tpu.vector_store %arg7[%swap3A_383, %swap3A_384, %swap3A_385], %swap3A_388 {strides = array<i32>} : memref<2x128x128xf32, #tpu.memory_space<vmem>>, vector<1x1x16xf32>,
        %get3A_389 = arith.constant 0 : i32
        %get3A_390 = arith.index_cast %get3A_389 : i32 to index
        %get3A_391 = arith.index_cast %scan3A_250 : i32 to index
        %get3A_392 = arith.constant 112 : index
        %get3A_393 = tpu.vector_load %arg7[%get3A_390, %get3A_391, %get3A_392] {strides = array<i32>} : memref<2x128x128xf32, #tpu.memory_space<vmem>>, vector<1x1x16xf32>,
        %get3A_394 = vector.shape_cast %get3A_393 : vector<1x1x16xf32> to vector<16xf32>
        %get3A_395 = arith.constant 0 : i32
        %get3A_396 = arith.index_cast %get3A_395 : i32 to index
        %get3A_397 = arith.index_cast %scan3A_250 : i32 to index
        %get3A_398 = arith.constant 112 : index
        %get3A_399 = tpu.vector_load %arg8[%get3A_396, %get3A_397, %get3A_398] {strides = array<i32>} : memref<2x128x128xf32, #tpu.memory_space<vmem>>, vector<1x1x16xf32>,
        %get3A_400 = vector.shape_cast %get3A_399 : vector<1x1x16xf32> to vector<16xf32>
        %add3A_401 = arith.addf %get3A_394, %get3A_400 : vector<16xf32>
        %swap3A_402 = arith.constant 0 : i32
        %swap3A_403 = arith.index_cast %swap3A_402 : i32 to index
        %swap3A_404 = arith.index_cast %scan3A_250 : i32 to index
        %swap3A_405 = arith.constant 112 : index
        %swap3A_406 = tpu.vector_load %arg7[%swap3A_403, %swap3A_404, %swap3A_405] {strides = array<i32>} : memref<2x128x128xf32, #tpu.memory_space<vmem>>, vector<1x1x16xf32>,
        %swap3A_407 = vector.shape_cast %swap3A_406 : vector<1x1x16xf32> to vector<16xf32>
        %swap3A_408 = vector.shape_cast %add3A_401 : vector<16xf32> to vector<1x1x16xf32>
        tpu.vector_store %arg7[%swap3A_403, %swap3A_404, %swap3A_405], %swap3A_408 {strides = array<i32>} : memref<2x128x128xf32, #tpu.memory_space<vmem>>, vector<1x1x16xf32>,
      }
      %scan3A_183 = arith.constant 128 : i32
      %add3A_184 = arith.addi %multiple_of3A, %mul3A_127 : i32
      %mul3A_185 = arith.constant 128 : i32
      %mul3A_186 = arith.muli %add3A_184, %mul3A_185 : i32
      %run_scoped3A_187 = arith.constant 0 : i32
      "tpu.region"() ({
        %run_scoped3A_250 = tpu.sem_alloc : memref<!tpu.dma_semaphore, #tpu.memory_space<semaphore_mem>>
        %dma_start3A_251 = arith.constant 0 : i32
        %dma_start3A_252 = arith.constant 0 : i32
        %dma_start3A_253 = tpu.memref_slice %arg7[%run_scoped3A_187, %dma_start3A_251, %dma_start3A_252] : memref<2x128x128xf32, #tpu.memory_space<vmem>> -> memref<1x128x128xf32, #tpu.memory_space<vmem>>
        %dma_start3A_254 = tpu.memref_squeeze %dma_start3A_253 : memref<1x128x128xf32, #tpu.memory_space<vmem>> -> memref<128x128xf32, #tpu.memory_space<vmem>>
        %dma_start3A_255 = arith.constant 0 : i32
        %dma_start3A_256 = tpu.memref_slice %arg4[%mul3A_186, %dma_start3A_255] : memref<327680x128xf32, #tpu.memory_space<hbm>> -> memref<128x128xf32, #tpu.memory_space<hbm>>
        %dma_start3A_257 = arith.constant 0 : i32
        %dma_start3A_258 = tpu.memref_slice %arg4[%mul3A_186, %dma_start3A_257] : memref<327680x128xf32, #tpu.memory_space<hbm>> -> memref<128x128xf32, #tpu.memory_space<hbm>>
        %dma_start3A_259 = arith.constant 0 : i32
        %dma_start3A_260 = arith.constant 0 : i32
        %dma_start3A_261 = tpu.memref_slice %arg7[%run_scoped3A_187, %dma_start3A_259, %dma_start3A_260] : memref<2x128x128xf32, #tpu.memory_space<vmem>> -> memref<1x128x128xf32, #tpu.memory_space<vmem>>
        %dma_start3A_262 = tpu.memref_squeeze %dma_start3A_261 : memref<1x128x128xf32, #tpu.memory_space<vmem>> -> memref<128x128xf32, #tpu.memory_space<vmem>>
        tpu.enqueue_dma source(%dma_start3A_262 : memref<128x128xf32, #tpu.memory_space<vmem>>) target(%dma_start3A_258 : memref<128x128xf32, #tpu.memory_space<hbm>>) target_semaphore(%run_scoped3A_250 : memref<!tpu.dma_semaphore, #tpu.memory_space<semaphore_mem>>)
        %dma_wait3A_263 = arith.constant 0 : i32
        %dma_wait3A_264 = arith.constant 0 : i32
        %dma_wait3A_265 = tpu.memref_slice %arg7[%run_scoped3A_187, %dma_wait3A_263, %dma_wait3A_264] : memref<2x128x128xf32, #tpu.memory_space<vmem>> -> memref<1x128x128xf32, #tpu.memory_space<vmem>>
        %dma_wait3A_266 = tpu.memref_squeeze %dma_wait3A_265 : memref<1x128x128xf32, #tpu.memory_space<vmem>> -> memref<128x128xf32, #tpu.memory_space<vmem>>
        %dma_wait3A_267 = arith.constant 0 : i32
        %dma_wait3A_268 = tpu.memref_slice %arg4[%mul3A_186, %dma_wait3A_267] : memref<327680x128xf32, #tpu.memory_space<hbm>> -> memref<128x128xf32, #tpu.memory_space<hbm>>
        %dma_wait3A_269 = arith.constant 0 : i32
        %dma_wait3A_270 = tpu.memref_slice %arg4[%mul3A_186, %dma_wait3A_269] : memref<327680x128xf32, #tpu.memory_space<hbm>> -> memref<128x128xf32, #tpu.memory_space<hbm>>
        %dma_wait3A_271 = arith.constant 0 : i32
        %dma_wait3A_272 = arith.constant 0 : i32
        %dma_wait3A_273 = tpu.memref_slice %arg7[%run_scoped3A_187, %dma_wait3A_271, %dma_wait3A_272] : memref<2x128x128xf32, #tpu.memory_space<vmem>> -> memref<1x128x128xf32, #tpu.memory_space<vmem>>
        %dma_wait3A_274 = tpu.memref_squeeze %dma_wait3A_273 : memref<1x128x128xf32, #tpu.memory_space<vmem>> -> memref<128x128xf32, #tpu.memory_space<vmem>>
        tpu.wait_dma2 semaphore(%run_scoped3A_250 : memref<!tpu.dma_semaphore, #tpu.memory_space<semaphore_mem>>) src(%dma_wait3A_274 : memref<128x128xf32, #tpu.memory_space<vmem>>) dst(%dma_wait3A_270 : memref<128x128xf32, #tpu.memory_space<hbm>>)
        tpu.yield
      }) : () -> ()
      %add3A_188 = arith.constant 1 : i32
      %add3A_189 = arith.addi %mul3A_127, %add3A_188 : i32
      %add3A_190 = arith.constant 1 : i32
      %add3A_191 = arith.addi %add3A_189, %add3A_190 : i32
      %dma_start3A_192 = arith.constant 0 : i32
      %dma_start3A_193 = arith.constant 0 : i32
      %dma_start3A_194 = arith.constant 0 : i32
      %dma_start3A_195 = tpu.memref_slice %arg7[%dma_start3A_192, %dma_start3A_193, %dma_start3A_194] : memref<2x128x128xf32, #tpu.memory_space<vmem>> -> memref<1x128x128xf32, #tpu.memory_space<vmem>>
      %dma_start3A_196 = tpu.memref_squeeze %dma_start3A_195 : memref<1x128x128xf32, #tpu.memory_space<vmem>> -> memref<128x128xf32, #tpu.memory_space<vmem>>
      %dma_start3A_197 = arith.constant 0 : i32
      %dma_start3A_198 = tpu.memref_slice %arg5[%add3A_191, %dma_start3A_197] : memref<80x128xi32, #tpu.memory_space<vmem>> -> memref<1x128xi32, #tpu.memory_space<vmem>>
      %dma_start3A_199 = tpu.memref_squeeze %dma_start3A_198 : memref<1x128xi32, #tpu.memory_space<vmem>> -> memref<128xi32, #tpu.memory_space<vmem>>
      %dma_start3A_200 = arith.constant 0 : i32
      %dma_start3A_201 = arith.constant 0 : i32
      %dma_start3A_202 = tpu.memref_slice %arg2[%dma_start3A_200, %dma_start3A_201] : memref<20000x128xf32, #tpu.memory_space<hbm>> -> memref<20000x128xf32, #tpu.memory_space<hbm>>
      tpu.enqueue_indirect_dma source(%dma_start3A_202 : memref<20000x128xf32, #tpu.memory_space<hbm>>) target(%dma_start3A_196 : memref<128x128xf32, #tpu.memory_space<vmem>>) offsets(%dma_start3A_199 : memref<128xi32, #tpu.memory_space<vmem>>) semaphore(%arg9 : memref<!tpu.dma_semaphore, #tpu.memory_space<semaphore_mem>>)
      %add3A_203 = arith.constant 1 : i32
      %add3A_204 = arith.addi %add3A_189, %add3A_203 : i32
      %dma_start3A_205 = arith.constant 0 : i32
      %dma_start3A_206 = arith.constant 0 : i32
      %dma_start3A_207 = arith.constant 0 : i32
      %dma_start3A_208 = tpu.memref_slice %arg8[%dma_start3A_205, %dma_start3A_206, %dma_start3A_207] : memref<2x128x128xf32, #tpu.memory_space<vmem>> -> memref<1x128x128xf32, #tpu.memory_space<vmem>>
      %dma_start3A_209 = tpu.memref_squeeze %dma_start3A_208 : memref<1x128x128xf32, #tpu.memory_space<vmem>> -> memref<128x128xf32, #tpu.memory_space<vmem>>
      %dma_start3A_210 = arith.constant 0 : i32
      %dma_start3A_211 = tpu.memref_slice %arg6[%add3A_204, %dma_start3A_210] : memref<80x128xi32, #tpu.memory_space<vmem>> -> memref<1x128xi32, #tpu.memory_space<vmem>>
      %dma_start3A_212 = tpu.memref_squeeze %dma_start3A_211 : memref<1x128xi32, #tpu.memory_space<vmem>> -> memref<128xi32, #tpu.memory_space<vmem>>
      %dma_start3A_213 = arith.constant 0 : i32
      %dma_start3A_214 = arith.constant 0 : i32
      %dma_start3A_215 = tpu.memref_slice %arg2[%dma_start3A_213, %dma_start3A_214] : memref<20000x128xf32, #tpu.memory_space<hbm>> -> memref<20000x128xf32, #tpu.memory_space<hbm>>
      tpu.enqueue_indirect_dma source(%dma_start3A_215 : memref<20000x128xf32, #tpu.memory_space<hbm>>) target(%dma_start3A_209 : memref<128x128xf32, #tpu.memory_space<vmem>>) offsets(%dma_start3A_212 : memref<128xi32, #tpu.memory_space<vmem>>) semaphore(%arg9 : memref<!tpu.dma_semaphore, #tpu.memory_space<semaphore_mem>>)
      %dma_wait3A_216 = arith.constant 0 : i32
      %dma_wait3A_217 = arith.constant 1 : i32
      %dma_wait3A_218 = arith.constant 0 : i32
      %dma_wait3A_219 = arith.constant 0 : i32
      %dma_wait3A_220 = tpu.memref_slice %arg7[%dma_wait3A_217, %dma_wait3A_218, %dma_wait3A_219] : memref<2x128x128xf32, #tpu.memory_space<vmem>> -> memref<1x128x128xf32, #tpu.memory_space<vmem>>
      %dma_wait3A_221 = tpu.memref_squeeze %dma_wait3A_220 : memref<1x128x128xf32, #tpu.memory_space<vmem>> -> memref<128x128xf32, #tpu.memory_space<vmem>>
      %dma_wait3A_222 = arith.constant 0 : i32
      %dma_wait3A_223 = tpu.memref_slice %arg5[%dma_wait3A_216, %dma_wait3A_222] : memref<80x128xi32, #tpu.memory_space<vmem>> -> memref<1x128xi32, #tpu.memory_space<vmem>>
      %dma_wait3A_224 = tpu.memref_squeeze %dma_wait3A_223 : memref<1x128xi32, #tpu.memory_space<vmem>> -> memref<128xi32, #tpu.memory_space<vmem>>
      %dma_wait3A_225 = arith.constant 0 : i32
      %dma_wait3A_226 = arith.constant 0 : i32
      %dma_wait3A_227 = tpu.memref_slice %arg2[%dma_wait3A_225, %dma_wait3A_226] : memref<20000x128xf32, #tpu.memory_space<hbm>> -> memref<20000x128xf32, #tpu.memory_space<hbm>>
      tpu.wait_indirect_dma semaphore(%arg10 : memref<!tpu.dma_semaphore, #tpu.memory_space<semaphore_mem>>) src(%dma_wait3A_227 : memref<20000x128xf32, #tpu.memory_space<hbm>>) dst(%dma_wait3A_221 : memref<128x128xf32, #tpu.memory_space<vmem>>)
      %dma_wait3A_228 = arith.constant 0 : i32
      %dma_wait3A_229 = arith.constant 1 : i32
      %dma_wait3A_230 = arith.constant 0 : i32
      %dma_wait3A_231 = arith.constant 0 : i32
      %dma_wait3A_232 = tpu.memref_slice %arg8[%dma_wait3A_229, %dma_wait3A_230, %dma_wait3A_231] : memref<2x128x128xf32, #tpu.memory_space<vmem>> -> memref<1x128x128xf32, #tpu.memory_space<vmem>>
      %dma_wait3A_233 = tpu.memref_squeeze %dma_wait3A_232 : memref<1x128x128xf32, #tpu.memory_space<vmem>> -> memref<128x128xf32, #tpu.memory_space<vmem>>
      %dma_wait3A_234 = arith.constant 0 : i32
      %dma_wait3A_235 = tpu.memref_slice %arg6[%dma_wait3A_228, %dma_wait3A_234] : memref<80x128xi32, #tpu.memory_space<vmem>> -> memref<1x128xi32, #tpu.memory_space<vmem>>
      %dma_wait3A_236 = tpu.memref_squeeze %dma_wait3A_235 : memref<1x128xi32, #tpu.memory_space<vmem>> -> memref<128xi32, #tpu.memory_space<vmem>>
      %dma_wait3A_237 = arith.constant 0 : i32
      %dma_wait3A_238 = arith.constant 0 : i32
      %dma_wait3A_239 = tpu.memref_slice %arg2[%dma_wait3A_237, %dma_wait3A_238] : memref<20000x128xf32, #tpu.memory_space<hbm>> -> memref<20000x128xf32, #tpu.memory_space<hbm>>
      tpu.wait_indirect_dma semaphore(%arg10 : memref<!tpu.dma_semaphore, #tpu.memory_space<semaphore_mem>>) src(%dma_wait3A_239 : memref<20000x128xf32, #tpu.memory_space<hbm>>) dst(%dma_wait3A_233 : memref<128x128xf32, #tpu.memory_space<vmem>>)
      %scan3A_240 = arith.constant 0 : i32
      %scan3A_241 = arith.constant 0 : i32
      %scan3A_242 = arith.constant 128 : i32
      %scan3A_243 = arith.addi %scan3A_241, %scan3A_242 : i32
      %scan3A_244 = arith.constant 1 : i32
      scf.for %scan3A_250 = %scan3A_241 to %scan3A_243 step %scan3A_244  : i32 {
        %get3A = arith.constant 1 : i32
        %get3A_251 = arith.index_cast %get3A : i32 to index
        %get3A_252 = arith.index_cast %scan3A_250 : i32 to index
        %get3A_253 = arith.constant 0 : index
        %get3A_254 = tpu.vector_load %arg7[%get3A_251, %get3A_252, %get3A_253] {strides = array<i32>} : memref<2x128x128xf32, #tpu.memory_space<vmem>>, vector<1x1x16xf32>,
        %get3A_255 = vector.shape_cast %get3A_254 : vector<1x1x16xf32> to vector<16xf32>
        %get3A_256 = arith.constant 1 : i32
        %get3A_257 = arith.index_cast %get3A_256 : i32 to index
        %get3A_258 = arith.index_cast %scan3A_250 : i32 to index
        %get3A_259 = arith.constant 0 : index
        %get3A_260 = tpu.vector_load %arg8[%get3A_257, %get3A_258, %get3A_259] {strides = array<i32>} : memref<2x128x128xf32, #tpu.memory_space<vmem>>, vector<1x1x16xf32>,
        %get3A_261 = vector.shape_cast %get3A_260 : vector<1x1x16xf32> to vector<16xf32>
        %add3A_262 = arith.addf %get3A_255, %get3A_261 : vector<16xf32>
        %swap3A = arith.constant 1 : i32
        %swap3A_263 = arith.index_cast %swap3A : i32 to index
        %swap3A_264 = arith.index_cast %scan3A_250 : i32 to index
        %swap3A_265 = arith.constant 0 : index
        %swap3A_266 = tpu.vector_load %arg7[%swap3A_263, %swap3A_264, %swap3A_265] {strides = array<i32>} : memref<2x128x128xf32, #tpu.memory_space<vmem>>, vector<1x1x16xf32>,
        %swap3A_267 = vector.shape_cast %swap3A_266 : vector<1x1x16xf32> to vector<16xf32>
        %swap3A_268 = vector.shape_cast %add3A_262 : vector<16xf32> to vector<1x1x16xf32>
        tpu.vector_store %arg7[%swap3A_263, %swap3A_264, %swap3A_265], %swap3A_268 {strides = array<i32>} : memref<2x128x128xf32, #tpu.memory_space<vmem>>, vector<1x1x16xf32>,
        %get3A_269 = arith.constant 1 : i32
        %get3A_270 = arith.index_cast %get3A_269 : i32 to index
        %get3A_271 = arith.index_cast %scan3A_250 : i32 to index
        %get3A_272 = arith.constant 16 : index
        %get3A_273 = tpu.vector_load %arg7[%get3A_270, %get3A_271, %get3A_272] {strides = array<i32>} : memref<2x128x128xf32, #tpu.memory_space<vmem>>, vector<1x1x16xf32>,
        %get3A_274 = vector.shape_cast %get3A_273 : vector<1x1x16xf32> to vector<16xf32>
        %get3A_275 = arith.constant 1 : i32
        %get3A_276 = arith.index_cast %get3A_275 : i32 to index
        %get3A_277 = arith.index_cast %scan3A_250 : i32 to index
        %get3A_278 = arith.constant 16 : index
        %get3A_279 = tpu.vector_load %arg8[%get3A_276, %get3A_277, %get3A_278] {strides = array<i32>} : memref<2x128x128xf32, #tpu.memory_space<vmem>>, vector<1x1x16xf32>,
        %get3A_280 = vector.shape_cast %get3A_279 : vector<1x1x16xf32> to vector<16xf32>
        %add3A_281 = arith.addf %get3A_274, %get3A_280 : vector<16xf32>
        %swap3A_282 = arith.constant 1 : i32
        %swap3A_283 = arith.index_cast %swap3A_282 : i32 to index
        %swap3A_284 = arith.index_cast %scan3A_250 : i32 to index
        %swap3A_285 = arith.constant 16 : index
        %swap3A_286 = tpu.vector_load %arg7[%swap3A_283, %swap3A_284, %swap3A_285] {strides = array<i32>} : memref<2x128x128xf32, #tpu.memory_space<vmem>>, vector<1x1x16xf32>,
        %swap3A_287 = vector.shape_cast %swap3A_286 : vector<1x1x16xf32> to vector<16xf32>
        %swap3A_288 = vector.shape_cast %add3A_281 : vector<16xf32> to vector<1x1x16xf32>
        tpu.vector_store %arg7[%swap3A_283, %swap3A_284, %swap3A_285], %swap3A_288 {strides = array<i32>} : memref<2x128x128xf32, #tpu.memory_space<vmem>>, vector<1x1x16xf32>,
        %get3A_289 = arith.constant 1 : i32
        %get3A_290 = arith.index_cast %get3A_289 : i32 to index
        %get3A_291 = arith.index_cast %scan3A_250 : i32 to index
        %get3A_292 = arith.constant 32 : index
        %get3A_293 = tpu.vector_load %arg7[%get3A_290, %get3A_291, %get3A_292] {strides = array<i32>} : memref<2x128x128xf32, #tpu.memory_space<vmem>>, vector<1x1x16xf32>,
        %get3A_294 = vector.shape_cast %get3A_293 : vector<1x1x16xf32> to vector<16xf32>
        %get3A_295 = arith.constant 1 : i32
        %get3A_296 = arith.index_cast %get3A_295 : i32 to index
        %get3A_297 = arith.index_cast %scan3A_250 : i32 to index
        %get3A_298 = arith.constant 32 : index
        %get3A_299 = tpu.vector_load %arg8[%get3A_296, %get3A_297, %get3A_298] {strides = array<i32>} : memref<2x128x128xf32, #tpu.memory_space<vmem>>, vector<1x1x16xf32>,
        %get3A_300 = vector.shape_cast %get3A_299 : vector<1x1x16xf32> to vector<16xf32>
        %add3A_301 = arith.addf %get3A_294, %get3A_300 : vector<16xf32>
        %swap3A_302 = arith.constant 1 : i32
        %swap3A_303 = arith.index_cast %swap3A_302 : i32 to index
        %swap3A_304 = arith.index_cast %scan3A_250 : i32 to index
        %swap3A_305 = arith.constant 32 : index
        %swap3A_306 = tpu.vector_load %arg7[%swap3A_303, %swap3A_304, %swap3A_305] {strides = array<i32>} : memref<2x128x128xf32, #tpu.memory_space<vmem>>, vector<1x1x16xf32>,
        %swap3A_307 = vector.shape_cast %swap3A_306 : vector<1x1x16xf32> to vector<16xf32>
        %swap3A_308 = vector.shape_cast %add3A_301 : vector<16xf32> to vector<1x1x16xf32>
        tpu.vector_store %arg7[%swap3A_303, %swap3A_304, %swap3A_305], %swap3A_308 {strides = array<i32>} : memref<2x128x128xf32, #tpu.memory_space<vmem>>, vector<1x1x16xf32>,
        %get3A_309 = arith.constant 1 : i32
        %get3A_310 = arith.index_cast %get3A_309 : i32 to index
        %get3A_311 = arith.index_cast %scan3A_250 : i32 to index
        %get3A_312 = arith.constant 48 : index
        %get3A_313 = tpu.vector_load %arg7[%get3A_310, %get3A_311, %get3A_312] {strides = array<i32>} : memref<2x128x128xf32, #tpu.memory_space<vmem>>, vector<1x1x16xf32>,
        %get3A_314 = vector.shape_cast %get3A_313 : vector<1x1x16xf32> to vector<16xf32>
        %get3A_315 = arith.constant 1 : i32
        %get3A_316 = arith.index_cast %get3A_315 : i32 to index
        %get3A_317 = arith.index_cast %scan3A_250 : i32 to index
        %get3A_318 = arith.constant 48 : index
        %get3A_319 = tpu.vector_load %arg8[%get3A_316, %get3A_317, %get3A_318] {strides = array<i32>} : memref<2x128x128xf32, #tpu.memory_space<vmem>>, vector<1x1x16xf32>,
        %get3A_320 = vector.shape_cast %get3A_319 : vector<1x1x16xf32> to vector<16xf32>
        %add3A_321 = arith.addf %get3A_314, %get3A_320 : vector<16xf32>
        %swap3A_322 = arith.constant 1 : i32
        %swap3A_323 = arith.index_cast %swap3A_322 : i32 to index
        %swap3A_324 = arith.index_cast %scan3A_250 : i32 to index
        %swap3A_325 = arith.constant 48 : index
        %swap3A_326 = tpu.vector_load %arg7[%swap3A_323, %swap3A_324, %swap3A_325] {strides = array<i32>} : memref<2x128x128xf32, #tpu.memory_space<vmem>>, vector<1x1x16xf32>,
        %swap3A_327 = vector.shape_cast %swap3A_326 : vector<1x1x16xf32> to vector<16xf32>
        %swap3A_328 = vector.shape_cast %add3A_321 : vector<16xf32> to vector<1x1x16xf32>
        tpu.vector_store %arg7[%swap3A_323, %swap3A_324, %swap3A_325], %swap3A_328 {strides = array<i32>} : memref<2x128x128xf32, #tpu.memory_space<vmem>>, vector<1x1x16xf32>,
        %get3A_329 = arith.constant 1 : i32
        %get3A_330 = arith.index_cast %get3A_329 : i32 to index
        %get3A_331 = arith.index_cast %scan3A_250 : i32 to index
        %get3A_332 = arith.constant 64 : index
        %get3A_333 = tpu.vector_load %arg7[%get3A_330, %get3A_331, %get3A_332] {strides = array<i32>} : memref<2x128x128xf32, #tpu.memory_space<vmem>>, vector<1x1x16xf32>,
        %get3A_334 = vector.shape_cast %get3A_333 : vector<1x1x16xf32> to vector<16xf32>
        %get3A_335 = arith.constant 1 : i32
        %get3A_336 = arith.index_cast %get3A_335 : i32 to index
        %get3A_337 = arith.index_cast %scan3A_250 : i32 to index
        %get3A_338 = arith.constant 64 : index
        %get3A_339 = tpu.vector_load %arg8[%get3A_336, %get3A_337, %get3A_338] {strides = array<i32>} : memref<2x128x128xf32, #tpu.memory_space<vmem>>, vector<1x1x16xf32>,
        %get3A_340 = vector.shape_cast %get3A_339 : vector<1x1x16xf32> to vector<16xf32>
        %add3A_341 = arith.addf %get3A_334, %get3A_340 : vector<16xf32>
        %swap3A_342 = arith.constant 1 : i32
        %swap3A_343 = arith.index_cast %swap3A_342 : i32 to index
        %swap3A_344 = arith.index_cast %scan3A_250 : i32 to index
        %swap3A_345 = arith.constant 64 : index
        %swap3A_346 = tpu.vector_load %arg7[%swap3A_343, %swap3A_344, %swap3A_345] {strides = array<i32>} : memref<2x128x128xf32, #tpu.memory_space<vmem>>, vector<1x1x16xf32>,
        %swap3A_347 = vector.shape_cast %swap3A_346 : vector<1x1x16xf32> to vector<16xf32>
        %swap3A_348 = vector.shape_cast %add3A_341 : vector<16xf32> to vector<1x1x16xf32>
        tpu.vector_store %arg7[%swap3A_343, %swap3A_344, %swap3A_345], %swap3A_348 {strides = array<i32>} : memref<2x128x128xf32, #tpu.memory_space<vmem>>, vector<1x1x16xf32>,
        %get3A_349 = arith.constant 1 : i32
        %get3A_350 = arith.index_cast %get3A_349 : i32 to index
        %get3A_351 = arith.index_cast %scan3A_250 : i32 to index
        %get3A_352 = arith.constant 80 : index
        %get3A_353 = tpu.vector_load %arg7[%get3A_350, %get3A_351, %get3A_352] {strides = array<i32>} : memref<2x128x128xf32, #tpu.memory_space<vmem>>, vector<1x1x16xf32>,
        %get3A_354 = vector.shape_cast %get3A_353 : vector<1x1x16xf32> to vector<16xf32>
        %get3A_355 = arith.constant 1 : i32
        %get3A_356 = arith.index_cast %get3A_355 : i32 to index
        %get3A_357 = arith.index_cast %scan3A_250 : i32 to index
        %get3A_358 = arith.constant 80 : index
        %get3A_359 = tpu.vector_load %arg8[%get3A_356, %get3A_357, %get3A_358] {strides = array<i32>} : memref<2x128x128xf32, #tpu.memory_space<vmem>>, vector<1x1x16xf32>,
        %get3A_360 = vector.shape_cast %get3A_359 : vector<1x1x16xf32> to vector<16xf32>
        %add3A_361 = arith.addf %get3A_354, %get3A_360 : vector<16xf32>
        %swap3A_362 = arith.constant 1 : i32
        %swap3A_363 = arith.index_cast %swap3A_362 : i32 to index
        %swap3A_364 = arith.index_cast %scan3A_250 : i32 to index
        %swap3A_365 = arith.constant 80 : index
        %swap3A_366 = tpu.vector_load %arg7[%swap3A_363, %swap3A_364, %swap3A_365] {strides = array<i32>} : memref<2x128x128xf32, #tpu.memory_space<vmem>>, vector<1x1x16xf32>,
        %swap3A_367 = vector.shape_cast %swap3A_366 : vector<1x1x16xf32> to vector<16xf32>
        %swap3A_368 = vector.shape_cast %add3A_361 : vector<16xf32> to vector<1x1x16xf32>
        tpu.vector_store %arg7[%swap3A_363, %swap3A_364, %swap3A_365], %swap3A_368 {strides = array<i32>} : memref<2x128x128xf32, #tpu.memory_space<vmem>>, vector<1x1x16xf32>,
        %get3A_369 = arith.constant 1 : i32
        %get3A_370 = arith.index_cast %get3A_369 : i32 to index
        %get3A_371 = arith.index_cast %scan3A_250 : i32 to index
        %get3A_372 = arith.constant 96 : index
        %get3A_373 = tpu.vector_load %arg7[%get3A_370, %get3A_371, %get3A_372] {strides = array<i32>} : memref<2x128x128xf32, #tpu.memory_space<vmem>>, vector<1x1x16xf32>,
        %get3A_374 = vector.shape_cast %get3A_373 : vector<1x1x16xf32> to vector<16xf32>
        %get3A_375 = arith.constant 1 : i32
        %get3A_376 = arith.index_cast %get3A_375 : i32 to index
        %get3A_377 = arith.index_cast %scan3A_250 : i32 to index
        %get3A_378 = arith.constant 96 : index
        %get3A_379 = tpu.vector_load %arg8[%get3A_376, %get3A_377, %get3A_378] {strides = array<i32>} : memref<2x128x128xf32, #tpu.memory_space<vmem>>, vector<1x1x16xf32>,
        %get3A_380 = vector.shape_cast %get3A_379 : vector<1x1x16xf32> to vector<16xf32>
        %add3A_381 = arith.addf %get3A_374, %get3A_380 : vector<16xf32>
        %swap3A_382 = arith.constant 1 : i32
        %swap3A_383 = arith.index_cast %swap3A_382 : i32 to index
        %swap3A_384 = arith.index_cast %scan3A_250 : i32 to index
        %swap3A_385 = arith.constant 96 : index
        %swap3A_386 = tpu.vector_load %arg7[%swap3A_383, %swap3A_384, %swap3A_385] {strides = array<i32>} : memref<2x128x128xf32, #tpu.memory_space<vmem>>, vector<1x1x16xf32>,
        %swap3A_387 = vector.shape_cast %swap3A_386 : vector<1x1x16xf32> to vector<16xf32>
        %swap3A_388 = vector.shape_cast %add3A_381 : vector<16xf32> to vector<1x1x16xf32>
        tpu.vector_store %arg7[%swap3A_383, %swap3A_384, %swap3A_385], %swap3A_388 {strides = array<i32>} : memref<2x128x128xf32, #tpu.memory_space<vmem>>, vector<1x1x16xf32>,
        %get3A_389 = arith.constant 1 : i32
        %get3A_390 = arith.index_cast %get3A_389 : i32 to index
        %get3A_391 = arith.index_cast %scan3A_250 : i32 to index
        %get3A_392 = arith.constant 112 : index
        %get3A_393 = tpu.vector_load %arg7[%get3A_390, %get3A_391, %get3A_392] {strides = array<i32>} : memref<2x128x128xf32, #tpu.memory_space<vmem>>, vector<1x1x16xf32>,
        %get3A_394 = vector.shape_cast %get3A_393 : vector<1x1x16xf32> to vector<16xf32>
        %get3A_395 = arith.constant 1 : i32
        %get3A_396 = arith.index_cast %get3A_395 : i32 to index
        %get3A_397 = arith.index_cast %scan3A_250 : i32 to index
        %get3A_398 = arith.constant 112 : index
        %get3A_399 = tpu.vector_load %arg8[%get3A_396, %get3A_397, %get3A_398] {strides = array<i32>} : memref<2x128x128xf32, #tpu.memory_space<vmem>>, vector<1x1x16xf32>,
        %get3A_400 = vector.shape_cast %get3A_399 : vector<1x1x16xf32> to vector<16xf32>
        %add3A_401 = arith.addf %get3A_394, %get3A_400 : vector<16xf32>
        %swap3A_402 = arith.constant 1 : i32
        %swap3A_403 = arith.index_cast %swap3A_402 : i32 to index
        %swap3A_404 = arith.index_cast %scan3A_250 : i32 to index
        %swap3A_405 = arith.constant 112 : index
        %swap3A_406 = tpu.vector_load %arg7[%swap3A_403, %swap3A_404, %swap3A_405] {strides = array<i32>} : memref<2x128x128xf32, #tpu.memory_space<vmem>>, vector<1x1x16xf32>,
        %swap3A_407 = vector.shape_cast %swap3A_406 : vector<1x1x16xf32> to vector<16xf32>
        %swap3A_408 = vector.shape_cast %add3A_401 : vector<16xf32> to vector<1x1x16xf32>
        tpu.vector_store %arg7[%swap3A_403, %swap3A_404, %swap3A_405], %swap3A_408 {strides = array<i32>} : memref<2x128x128xf32, #tpu.memory_space<vmem>>, vector<1x1x16xf32>,
      }
      %scan3A_245 = arith.constant 128 : i32
      %add3A_246 = arith.addi %multiple_of3A, %add3A_189 : i32
      %mul3A_247 = arith.constant 128 : i32
      %mul3A_248 = arith.muli %add3A_246, %mul3A_247 : i32
      %run_scoped3A_249 = arith.constant 1 : i32
      "tpu.region"() ({
        %run_scoped3A_250 = tpu.sem_alloc : memref<!tpu.dma_semaphore, #tpu.memory_space<semaphore_mem>>
        %dma_start3A_251 = arith.constant 0 : i32
        %dma_start3A_252 = arith.constant 0 : i32
        %dma_start3A_253 = tpu.memref_slice %arg7[%run_scoped3A_249, %dma_start3A_251, %dma_start3A_252] : memref<2x128x128xf32, #tpu.memory_space<vmem>> -> memref<1x128x128xf32, #tpu.memory_space<vmem>>
        %dma_start3A_254 = tpu.memref_squeeze %dma_start3A_253 : memref<1x128x128xf32, #tpu.memory_space<vmem>> -> memref<128x128xf32, #tpu.memory_space<vmem>>
        %dma_start3A_255 = arith.constant 0 : i32
        %dma_start3A_256 = tpu.memref_slice %arg4[%mul3A_248, %dma_start3A_255] : memref<327680x128xf32, #tpu.memory_space<hbm>> -> memref<128x128xf32, #tpu.memory_space<hbm>>
        %dma_start3A_257 = arith.constant 0 : i32
        %dma_start3A_258 = tpu.memref_slice %arg4[%mul3A_248, %dma_start3A_257] : memref<327680x128xf32, #tpu.memory_space<hbm>> -> memref<128x128xf32, #tpu.memory_space<hbm>>
        %dma_start3A_259 = arith.constant 0 : i32
        %dma_start3A_260 = arith.constant 0 : i32
        %dma_start3A_261 = tpu.memref_slice %arg7[%run_scoped3A_249, %dma_start3A_259, %dma_start3A_260] : memref<2x128x128xf32, #tpu.memory_space<vmem>> -> memref<1x128x128xf32, #tpu.memory_space<vmem>>
        %dma_start3A_262 = tpu.memref_squeeze %dma_start3A_261 : memref<1x128x128xf32, #tpu.memory_space<vmem>> -> memref<128x128xf32, #tpu.memory_space<vmem>>
        tpu.enqueue_dma source(%dma_start3A_262 : memref<128x128xf32, #tpu.memory_space<vmem>>) target(%dma_start3A_258 : memref<128x128xf32, #tpu.memory_space<hbm>>) target_semaphore(%run_scoped3A_250 : memref<!tpu.dma_semaphore, #tpu.memory_space<semaphore_mem>>)
        %dma_wait3A_263 = arith.constant 0 : i32
        %dma_wait3A_264 = arith.constant 0 : i32
        %dma_wait3A_265 = tpu.memref_slice %arg7[%run_scoped3A_249, %dma_wait3A_263, %dma_wait3A_264] : memref<2x128x128xf32, #tpu.memory_space<vmem>> -> memref<1x128x128xf32, #tpu.memory_space<vmem>>
        %dma_wait3A_266 = tpu.memref_squeeze %dma_wait3A_265 : memref<1x128x128xf32, #tpu.memory_space<vmem>> -> memref<128x128xf32, #tpu.memory_space<vmem>>
        %dma_wait3A_267 = arith.constant 0 : i32
        %dma_wait3A_268 = tpu.memref_slice %arg4[%mul3A_248, %dma_wait3A_267] : memref<327680x128xf32, #tpu.memory_space<hbm>> -> memref<128x128xf32, #tpu.memory_space<hbm>>
        %dma_wait3A_269 = arith.constant 0 : i32
        %dma_wait3A_270 = tpu.memref_slice %arg4[%mul3A_248, %dma_wait3A_269] : memref<327680x128xf32, #tpu.memory_space<hbm>> -> memref<128x128xf32, #tpu.memory_space<hbm>>
        %dma_wait3A_271 = arith.constant 0 : i32
        %dma_wait3A_272 = arith.constant 0 : i32
        %dma_wait3A_273 = tpu.memref_slice %arg7[%run_scoped3A_249, %dma_wait3A_271, %dma_wait3A_272] : memref<2x128x128xf32, #tpu.memory_space<vmem>> -> memref<1x128x128xf32, #tpu.memory_space<vmem>>
        %dma_wait3A_274 = tpu.memref_squeeze %dma_wait3A_273 : memref<1x128x128xf32, #tpu.memory_space<vmem>> -> memref<128x128xf32, #tpu.memory_space<vmem>>
        tpu.wait_dma2 semaphore(%run_scoped3A_250 : memref<!tpu.dma_semaphore, #tpu.memory_space<semaphore_mem>>) src(%dma_wait3A_274 : memref<128x128xf32, #tpu.memory_space<vmem>>) dst(%dma_wait3A_270 : memref<128x128xf32, #tpu.memory_space<hbm>>)
        tpu.yield
      }) : () -> ()
    }
    %scan3A_31 = arith.constant 39 : i32
    %dma_start3A_32 = arith.constant 79 : i32
    %dma_start3A_33 = arith.constant 1 : i32
    %dma_start3A_34 = arith.constant 0 : i32
    %dma_start3A_35 = arith.constant 0 : i32
    %dma_start3A_36 = tpu.memref_slice %arg7[%dma_start3A_33, %dma_start3A_34, %dma_start3A_35] : memref<2x128x128xf32, #tpu.memory_space<vmem>> -> memref<1x128x128xf32, #tpu.memory_space<vmem>>
    %dma_start3A_37 = tpu.memref_squeeze %dma_start3A_36 : memref<1x128x128xf32, #tpu.memory_space<vmem>> -> memref<128x128xf32, #tpu.memory_space<vmem>>
    %dma_start3A_38 = arith.constant 0 : i32
    %dma_start3A_39 = tpu.memref_slice %arg5[%dma_start3A_32, %dma_start3A_38] : memref<80x128xi32, #tpu.memory_space<vmem>> -> memref<1x128xi32, #tpu.memory_space<vmem>>
    %dma_start3A_40 = tpu.memref_squeeze %dma_start3A_39 : memref<1x128xi32, #tpu.memory_space<vmem>> -> memref<128xi32, #tpu.memory_space<vmem>>
    %dma_start3A_41 = arith.constant 0 : i32
    %dma_start3A_42 = arith.constant 0 : i32
    %dma_start3A_43 = tpu.memref_slice %arg2[%dma_start3A_41, %dma_start3A_42] : memref<20000x128xf32, #tpu.memory_space<hbm>> -> memref<20000x128xf32, #tpu.memory_space<hbm>>
    tpu.enqueue_indirect_dma source(%dma_start3A_43 : memref<20000x128xf32, #tpu.memory_space<hbm>>) target(%dma_start3A_37 : memref<128x128xf32, #tpu.memory_space<vmem>>) offsets(%dma_start3A_40 : memref<128xi32, #tpu.memory_space<vmem>>) semaphore(%arg10 : memref<!tpu.dma_semaphore, #tpu.memory_space<semaphore_mem>>)
    %dma_start3A_44 = arith.constant 79 : i32
    %dma_start3A_45 = arith.constant 1 : i32
    %dma_start3A_46 = arith.constant 0 : i32
    %dma_start3A_47 = arith.constant 0 : i32
    %dma_start3A_48 = tpu.memref_slice %arg8[%dma_start3A_45, %dma_start3A_46, %dma_start3A_47] : memref<2x128x128xf32, #tpu.memory_space<vmem>> -> memref<1x128x128xf32, #tpu.memory_space<vmem>>
    %dma_start3A_49 = tpu.memref_squeeze %dma_start3A_48 : memref<1x128x128xf32, #tpu.memory_space<vmem>> -> memref<128x128xf32, #tpu.memory_space<vmem>>
    %dma_start3A_50 = arith.constant 0 : i32
    %dma_start3A_51 = tpu.memref_slice %arg6[%dma_start3A_44, %dma_start3A_50] : memref<80x128xi32, #tpu.memory_space<vmem>> -> memref<1x128xi32, #tpu.memory_space<vmem>>
    %dma_start3A_52 = tpu.memref_squeeze %dma_start3A_51 : memref<1x128xi32, #tpu.memory_space<vmem>> -> memref<128xi32, #tpu.memory_space<vmem>>
    %dma_start3A_53 = arith.constant 0 : i32
    %dma_start3A_54 = arith.constant 0 : i32
    %dma_start3A_55 = tpu.memref_slice %arg2[%dma_start3A_53, %dma_start3A_54] : memref<20000x128xf32, #tpu.memory_space<hbm>> -> memref<20000x128xf32, #tpu.memory_space<hbm>>
    tpu.enqueue_indirect_dma source(%dma_start3A_55 : memref<20000x128xf32, #tpu.memory_space<hbm>>) target(%dma_start3A_49 : memref<128x128xf32, #tpu.memory_space<vmem>>) offsets(%dma_start3A_52 : memref<128xi32, #tpu.memory_space<vmem>>) semaphore(%arg10 : memref<!tpu.dma_semaphore, #tpu.memory_space<semaphore_mem>>)
    %dma_wait3A = arith.constant 0 : i32
    %dma_wait3A_56 = arith.constant 0 : i32
    %dma_wait3A_57 = arith.constant 0 : i32
    %dma_wait3A_58 = arith.constant 0 : i32
    %dma_wait3A_59 = tpu.memref_slice %arg7[%dma_wait3A_56, %dma_wait3A_57, %dma_wait3A_58] : memref<2x128x128xf32, #tpu.memory_space<vmem>> -> memref<1x128x128xf32, #tpu.memory_space<vmem>>
    %dma_wait3A_60 = tpu.memref_squeeze %dma_wait3A_59 : memref<1x128x128xf32, #tpu.memory_space<vmem>> -> memref<128x128xf32, #tpu.memory_space<vmem>>
    %dma_wait3A_61 = arith.constant 0 : i32
    %dma_wait3A_62 = tpu.memref_slice %arg5[%dma_wait3A, %dma_wait3A_61] : memref<80x128xi32, #tpu.memory_space<vmem>> -> memref<1x128xi32, #tpu.memory_space<vmem>>
    %dma_wait3A_63 = tpu.memref_squeeze %dma_wait3A_62 : memref<1x128xi32, #tpu.memory_space<vmem>> -> memref<128xi32, #tpu.memory_space<vmem>>
    %dma_wait3A_64 = arith.constant 0 : i32
    %dma_wait3A_65 = arith.constant 0 : i32
    %dma_wait3A_66 = tpu.memref_slice %arg2[%dma_wait3A_64, %dma_wait3A_65] : memref<20000x128xf32, #tpu.memory_space<hbm>> -> memref<20000x128xf32, #tpu.memory_space<hbm>>
    tpu.wait_indirect_dma semaphore(%arg9 : memref<!tpu.dma_semaphore, #tpu.memory_space<semaphore_mem>>) src(%dma_wait3A_66 : memref<20000x128xf32, #tpu.memory_space<hbm>>) dst(%dma_wait3A_60 : memref<128x128xf32, #tpu.memory_space<vmem>>)
    %dma_wait3A_67 = arith.constant 0 : i32
    %dma_wait3A_68 = arith.constant 0 : i32
    %dma_wait3A_69 = arith.constant 0 : i32
    %dma_wait3A_70 = arith.constant 0 : i32
    %dma_wait3A_71 = tpu.memref_slice %arg8[%dma_wait3A_68, %dma_wait3A_69, %dma_wait3A_70] : memref<2x128x128xf32, #tpu.memory_space<vmem>> -> memref<1x128x128xf32, #tpu.memory_space<vmem>>
    %dma_wait3A_72 = tpu.memref_squeeze %dma_wait3A_71 : memref<1x128x128xf32, #tpu.memory_space<vmem>> -> memref<128x128xf32, #tpu.memory_space<vmem>>
    %dma_wait3A_73 = arith.constant 0 : i32
    %dma_wait3A_74 = tpu.memref_slice %arg6[%dma_wait3A_67, %dma_wait3A_73] : memref<80x128xi32, #tpu.memory_space<vmem>> -> memref<1x128xi32, #tpu.memory_space<vmem>>
    %dma_wait3A_75 = tpu.memref_squeeze %dma_wait3A_74 : memref<1x128xi32, #tpu.memory_space<vmem>> -> memref<128xi32, #tpu.memory_space<vmem>>
    %dma_wait3A_76 = arith.constant 0 : i32
    %dma_wait3A_77 = arith.constant 0 : i32
    %dma_wait3A_78 = tpu.memref_slice %arg2[%dma_wait3A_76, %dma_wait3A_77] : memref<20000x128xf32, #tpu.memory_space<hbm>> -> memref<20000x128xf32, #tpu.memory_space<hbm>>
    tpu.wait_indirect_dma semaphore(%arg9 : memref<!tpu.dma_semaphore, #tpu.memory_space<semaphore_mem>>) src(%dma_wait3A_78 : memref<20000x128xf32, #tpu.memory_space<hbm>>) dst(%dma_wait3A_72 : memref<128x128xf32, #tpu.memory_space<vmem>>)
    %scan3A_79 = arith.constant 0 : i32
    %scan3A_80 = arith.constant 0 : i32
    %scan3A_81 = arith.constant 128 : i32
    %scan3A_82 = arith.addi %scan3A_80, %scan3A_81 : i32
    %scan3A_83 = arith.constant 1 : i32
    scf.for %scan3A_125 = %scan3A_80 to %scan3A_82 step %scan3A_83  : i32 {
      %get3A = arith.constant 0 : i32
      %get3A_126 = arith.index_cast %get3A : i32 to index
      %get3A_127 = arith.index_cast %scan3A_125 : i32 to index
      %get3A_128 = arith.constant 0 : index
      %get3A_129 = tpu.vector_load %arg7[%get3A_126, %get3A_127, %get3A_128] {strides = array<i32>} : memref<2x128x128xf32, #tpu.memory_space<vmem>>, vector<1x1x16xf32>,
      %get3A_130 = vector.shape_cast %get3A_129 : vector<1x1x16xf32> to vector<16xf32>
      %get3A_131 = arith.constant 0 : i32
      %get3A_132 = arith.index_cast %get3A_131 : i32 to index
      %get3A_133 = arith.index_cast %scan3A_125 : i32 to index
      %get3A_134 = arith.constant 0 : index
      %get3A_135 = tpu.vector_load %arg8[%get3A_132, %get3A_133, %get3A_134] {strides = array<i32>} : memref<2x128x128xf32, #tpu.memory_space<vmem>>, vector<1x1x16xf32>,
      %get3A_136 = vector.shape_cast %get3A_135 : vector<1x1x16xf32> to vector<16xf32>
      %add3A_137 = arith.addf %get3A_130, %get3A_136 : vector<16xf32>
      %swap3A = arith.constant 0 : i32
      %swap3A_138 = arith.index_cast %swap3A : i32 to index
      %swap3A_139 = arith.index_cast %scan3A_125 : i32 to index
      %swap3A_140 = arith.constant 0 : index
      %swap3A_141 = tpu.vector_load %arg7[%swap3A_138, %swap3A_139, %swap3A_140] {strides = array<i32>} : memref<2x128x128xf32, #tpu.memory_space<vmem>>, vector<1x1x16xf32>,
      %swap3A_142 = vector.shape_cast %swap3A_141 : vector<1x1x16xf32> to vector<16xf32>
      %swap3A_143 = vector.shape_cast %add3A_137 : vector<16xf32> to vector<1x1x16xf32>
      tpu.vector_store %arg7[%swap3A_138, %swap3A_139, %swap3A_140], %swap3A_143 {strides = array<i32>} : memref<2x128x128xf32, #tpu.memory_space<vmem>>, vector<1x1x16xf32>,
      %get3A_144 = arith.constant 0 : i32
      %get3A_145 = arith.index_cast %get3A_144 : i32 to index
      %get3A_146 = arith.index_cast %scan3A_125 : i32 to index
      %get3A_147 = arith.constant 16 : index
      %get3A_148 = tpu.vector_load %arg7[%get3A_145, %get3A_146, %get3A_147] {strides = array<i32>} : memref<2x128x128xf32, #tpu.memory_space<vmem>>, vector<1x1x16xf32>,
      %get3A_149 = vector.shape_cast %get3A_148 : vector<1x1x16xf32> to vector<16xf32>
      %get3A_150 = arith.constant 0 : i32
      %get3A_151 = arith.index_cast %get3A_150 : i32 to index
      %get3A_152 = arith.index_cast %scan3A_125 : i32 to index
      %get3A_153 = arith.constant 16 : index
      %get3A_154 = tpu.vector_load %arg8[%get3A_151, %get3A_152, %get3A_153] {strides = array<i32>} : memref<2x128x128xf32, #tpu.memory_space<vmem>>, vector<1x1x16xf32>,
      %get3A_155 = vector.shape_cast %get3A_154 : vector<1x1x16xf32> to vector<16xf32>
      %add3A_156 = arith.addf %get3A_149, %get3A_155 : vector<16xf32>
      %swap3A_157 = arith.constant 0 : i32
      %swap3A_158 = arith.index_cast %swap3A_157 : i32 to index
      %swap3A_159 = arith.index_cast %scan3A_125 : i32 to index
      %swap3A_160 = arith.constant 16 : index
      %swap3A_161 = tpu.vector_load %arg7[%swap3A_158, %swap3A_159, %swap3A_160] {strides = array<i32>} : memref<2x128x128xf32, #tpu.memory_space<vmem>>, vector<1x1x16xf32>,
      %swap3A_162 = vector.shape_cast %swap3A_161 : vector<1x1x16xf32> to vector<16xf32>
      %swap3A_163 = vector.shape_cast %add3A_156 : vector<16xf32> to vector<1x1x16xf32>
      tpu.vector_store %arg7[%swap3A_158, %swap3A_159, %swap3A_160], %swap3A_163 {strides = array<i32>} : memref<2x128x128xf32, #tpu.memory_space<vmem>>, vector<1x1x16xf32>,
      %get3A_164 = arith.constant 0 : i32
      %get3A_165 = arith.index_cast %get3A_164 : i32 to index
      %get3A_166 = arith.index_cast %scan3A_125 : i32 to index
      %get3A_167 = arith.constant 32 : index
      %get3A_168 = tpu.vector_load %arg7[%get3A_165, %get3A_166, %get3A_167] {strides = array<i32>} : memref<2x128x128xf32, #tpu.memory_space<vmem>>, vector<1x1x16xf32>,
      %get3A_169 = vector.shape_cast %get3A_168 : vector<1x1x16xf32> to vector<16xf32>
      %get3A_170 = arith.constant 0 : i32
      %get3A_171 = arith.index_cast %get3A_170 : i32 to index
      %get3A_172 = arith.index_cast %scan3A_125 : i32 to index
      %get3A_173 = arith.constant 32 : index
      %get3A_174 = tpu.vector_load %arg8[%get3A_171, %get3A_172, %get3A_173] {strides = array<i32>} : memref<2x128x128xf32, #tpu.memory_space<vmem>>, vector<1x1x16xf32>,
      %get3A_175 = vector.shape_cast %get3A_174 : vector<1x1x16xf32> to vector<16xf32>
      %add3A_176 = arith.addf %get3A_169, %get3A_175 : vector<16xf32>
      %swap3A_177 = arith.constant 0 : i32
      %swap3A_178 = arith.index_cast %swap3A_177 : i32 to index
      %swap3A_179 = arith.index_cast %scan3A_125 : i32 to index
      %swap3A_180 = arith.constant 32 : index
      %swap3A_181 = tpu.vector_load %arg7[%swap3A_178, %swap3A_179, %swap3A_180] {strides = array<i32>} : memref<2x128x128xf32, #tpu.memory_space<vmem>>, vector<1x1x16xf32>,
      %swap3A_182 = vector.shape_cast %swap3A_181 : vector<1x1x16xf32> to vector<16xf32>
      %swap3A_183 = vector.shape_cast %add3A_176 : vector<16xf32> to vector<1x1x16xf32>
      tpu.vector_store %arg7[%swap3A_178, %swap3A_179, %swap3A_180], %swap3A_183 {strides = array<i32>} : memref<2x128x128xf32, #tpu.memory_space<vmem>>, vector<1x1x16xf32>,
      %get3A_184 = arith.constant 0 : i32
      %get3A_185 = arith.index_cast %get3A_184 : i32 to index
      %get3A_186 = arith.index_cast %scan3A_125 : i32 to index
      %get3A_187 = arith.constant 48 : index
      %get3A_188 = tpu.vector_load %arg7[%get3A_185, %get3A_186, %get3A_187] {strides = array<i32>} : memref<2x128x128xf32, #tpu.memory_space<vmem>>, vector<1x1x16xf32>,
      %get3A_189 = vector.shape_cast %get3A_188 : vector<1x1x16xf32> to vector<16xf32>
      %get3A_190 = arith.constant 0 : i32
      %get3A_191 = arith.index_cast %get3A_190 : i32 to index
      %get3A_192 = arith.index_cast %scan3A_125 : i32 to index
      %get3A_193 = arith.constant 48 : index
      %get3A_194 = tpu.vector_load %arg8[%get3A_191, %get3A_192, %get3A_193] {strides = array<i32>} : memref<2x128x128xf32, #tpu.memory_space<vmem>>, vector<1x1x16xf32>,
      %get3A_195 = vector.shape_cast %get3A_194 : vector<1x1x16xf32> to vector<16xf32>
      %add3A_196 = arith.addf %get3A_189, %get3A_195 : vector<16xf32>
      %swap3A_197 = arith.constant 0 : i32
      %swap3A_198 = arith.index_cast %swap3A_197 : i32 to index
      %swap3A_199 = arith.index_cast %scan3A_125 : i32 to index
      %swap3A_200 = arith.constant 48 : index
      %swap3A_201 = tpu.vector_load %arg7[%swap3A_198, %swap3A_199, %swap3A_200] {strides = array<i32>} : memref<2x128x128xf32, #tpu.memory_space<vmem>>, vector<1x1x16xf32>,
      %swap3A_202 = vector.shape_cast %swap3A_201 : vector<1x1x16xf32> to vector<16xf32>
      %swap3A_203 = vector.shape_cast %add3A_196 : vector<16xf32> to vector<1x1x16xf32>
      tpu.vector_store %arg7[%swap3A_198, %swap3A_199, %swap3A_200], %swap3A_203 {strides = array<i32>} : memref<2x128x128xf32, #tpu.memory_space<vmem>>, vector<1x1x16xf32>,
      %get3A_204 = arith.constant 0 : i32
      %get3A_205 = arith.index_cast %get3A_204 : i32 to index
      %get3A_206 = arith.index_cast %scan3A_125 : i32 to index
      %get3A_207 = arith.constant 64 : index
      %get3A_208 = tpu.vector_load %arg7[%get3A_205, %get3A_206, %get3A_207] {strides = array<i32>} : memref<2x128x128xf32, #tpu.memory_space<vmem>>, vector<1x1x16xf32>,
      %get3A_209 = vector.shape_cast %get3A_208 : vector<1x1x16xf32> to vector<16xf32>
      %get3A_210 = arith.constant 0 : i32
      %get3A_211 = arith.index_cast %get3A_210 : i32 to index
      %get3A_212 = arith.index_cast %scan3A_125 : i32 to index
      %get3A_213 = arith.constant 64 : index
      %get3A_214 = tpu.vector_load %arg8[%get3A_211, %get3A_212, %get3A_213] {strides = array<i32>} : memref<2x128x128xf32, #tpu.memory_space<vmem>>, vector<1x1x16xf32>,
      %get3A_215 = vector.shape_cast %get3A_214 : vector<1x1x16xf32> to vector<16xf32>
      %add3A_216 = arith.addf %get3A_209, %get3A_215 : vector<16xf32>
      %swap3A_217 = arith.constant 0 : i32
      %swap3A_218 = arith.index_cast %swap3A_217 : i32 to index
      %swap3A_219 = arith.index_cast %scan3A_125 : i32 to index
      %swap3A_220 = arith.constant 64 : index
      %swap3A_221 = tpu.vector_load %arg7[%swap3A_218, %swap3A_219, %swap3A_220] {strides = array<i32>} : memref<2x128x128xf32, #tpu.memory_space<vmem>>, vector<1x1x16xf32>,
      %swap3A_222 = vector.shape_cast %swap3A_221 : vector<1x1x16xf32> to vector<16xf32>
      %swap3A_223 = vector.shape_cast %add3A_216 : vector<16xf32> to vector<1x1x16xf32>
      tpu.vector_store %arg7[%swap3A_218, %swap3A_219, %swap3A_220], %swap3A_223 {strides = array<i32>} : memref<2x128x128xf32, #tpu.memory_space<vmem>>, vector<1x1x16xf32>,
      %get3A_224 = arith.constant 0 : i32
      %get3A_225 = arith.index_cast %get3A_224 : i32 to index
      %get3A_226 = arith.index_cast %scan3A_125 : i32 to index
      %get3A_227 = arith.constant 80 : index
      %get3A_228 = tpu.vector_load %arg7[%get3A_225, %get3A_226, %get3A_227] {strides = array<i32>} : memref<2x128x128xf32, #tpu.memory_space<vmem>>, vector<1x1x16xf32>,
      %get3A_229 = vector.shape_cast %get3A_228 : vector<1x1x16xf32> to vector<16xf32>
      %get3A_230 = arith.constant 0 : i32
      %get3A_231 = arith.index_cast %get3A_230 : i32 to index
      %get3A_232 = arith.index_cast %scan3A_125 : i32 to index
      %get3A_233 = arith.constant 80 : index
      %get3A_234 = tpu.vector_load %arg8[%get3A_231, %get3A_232, %get3A_233] {strides = array<i32>} : memref<2x128x128xf32, #tpu.memory_space<vmem>>, vector<1x1x16xf32>,
      %get3A_235 = vector.shape_cast %get3A_234 : vector<1x1x16xf32> to vector<16xf32>
      %add3A_236 = arith.addf %get3A_229, %get3A_235 : vector<16xf32>
      %swap3A_237 = arith.constant 0 : i32
      %swap3A_238 = arith.index_cast %swap3A_237 : i32 to index
      %swap3A_239 = arith.index_cast %scan3A_125 : i32 to index
      %swap3A_240 = arith.constant 80 : index
      %swap3A_241 = tpu.vector_load %arg7[%swap3A_238, %swap3A_239, %swap3A_240] {strides = array<i32>} : memref<2x128x128xf32, #tpu.memory_space<vmem>>, vector<1x1x16xf32>,
      %swap3A_242 = vector.shape_cast %swap3A_241 : vector<1x1x16xf32> to vector<16xf32>
      %swap3A_243 = vector.shape_cast %add3A_236 : vector<16xf32> to vector<1x1x16xf32>
      tpu.vector_store %arg7[%swap3A_238, %swap3A_239, %swap3A_240], %swap3A_243 {strides = array<i32>} : memref<2x128x128xf32, #tpu.memory_space<vmem>>, vector<1x1x16xf32>,
      %get3A_244 = arith.constant 0 : i32
      %get3A_245 = arith.index_cast %get3A_244 : i32 to index
      %get3A_246 = arith.index_cast %scan3A_125 : i32 to index
      %get3A_247 = arith.constant 96 : index
      %get3A_248 = tpu.vector_load %arg7[%get3A_245, %get3A_246, %get3A_247] {strides = array<i32>} : memref<2x128x128xf32, #tpu.memory_space<vmem>>, vector<1x1x16xf32>,
      %get3A_249 = vector.shape_cast %get3A_248 : vector<1x1x16xf32> to vector<16xf32>
      %get3A_250 = arith.constant 0 : i32
      %get3A_251 = arith.index_cast %get3A_250 : i32 to index
      %get3A_252 = arith.index_cast %scan3A_125 : i32 to index
      %get3A_253 = arith.constant 96 : index
      %get3A_254 = tpu.vector_load %arg8[%get3A_251, %get3A_252, %get3A_253] {strides = array<i32>} : memref<2x128x128xf32, #tpu.memory_space<vmem>>, vector<1x1x16xf32>,
      %get3A_255 = vector.shape_cast %get3A_254 : vector<1x1x16xf32> to vector<16xf32>
      %add3A_256 = arith.addf %get3A_249, %get3A_255 : vector<16xf32>
      %swap3A_257 = arith.constant 0 : i32
      %swap3A_258 = arith.index_cast %swap3A_257 : i32 to index
      %swap3A_259 = arith.index_cast %scan3A_125 : i32 to index
      %swap3A_260 = arith.constant 96 : index
      %swap3A_261 = tpu.vector_load %arg7[%swap3A_258, %swap3A_259, %swap3A_260] {strides = array<i32>} : memref<2x128x128xf32, #tpu.memory_space<vmem>>, vector<1x1x16xf32>,
      %swap3A_262 = vector.shape_cast %swap3A_261 : vector<1x1x16xf32> to vector<16xf32>
      %swap3A_263 = vector.shape_cast %add3A_256 : vector<16xf32> to vector<1x1x16xf32>
      tpu.vector_store %arg7[%swap3A_258, %swap3A_259, %swap3A_260], %swap3A_263 {strides = array<i32>} : memref<2x128x128xf32, #tpu.memory_space<vmem>>, vector<1x1x16xf32>,
      %get3A_264 = arith.constant 0 : i32
      %get3A_265 = arith.index_cast %get3A_264 : i32 to index
      %get3A_266 = arith.index_cast %scan3A_125 : i32 to index
      %get3A_267 = arith.constant 112 : index
      %get3A_268 = tpu.vector_load %arg7[%get3A_265, %get3A_266, %get3A_267] {strides = array<i32>} : memref<2x128x128xf32, #tpu.memory_space<vmem>>, vector<1x1x16xf32>,
      %get3A_269 = vector.shape_cast %get3A_268 : vector<1x1x16xf32> to vector<16xf32>
      %get3A_270 = arith.constant 0 : i32
      %get3A_271 = arith.index_cast %get3A_270 : i32 to index
      %get3A_272 = arith.index_cast %scan3A_125 : i32 to index
      %get3A_273 = arith.constant 112 : index
      %get3A_274 = tpu.vector_load %arg8[%get3A_271, %get3A_272, %get3A_273] {strides = array<i32>} : memref<2x128x128xf32, #tpu.memory_space<vmem>>, vector<1x1x16xf32>,
      %get3A_275 = vector.shape_cast %get3A_274 : vector<1x1x16xf32> to vector<16xf32>
      %add3A_276 = arith.addf %get3A_269, %get3A_275 : vector<16xf32>
      %swap3A_277 = arith.constant 0 : i32
      %swap3A_278 = arith.index_cast %swap3A_277 : i32 to index
      %swap3A_279 = arith.index_cast %scan3A_125 : i32 to index
      %swap3A_280 = arith.constant 112 : index
      %swap3A_281 = tpu.vector_load %arg7[%swap3A_278, %swap3A_279, %swap3A_280] {strides = array<i32>} : memref<2x128x128xf32, #tpu.memory_space<vmem>>, vector<1x1x16xf32>,
      %swap3A_282 = vector.shape_cast %swap3A_281 : vector<1x1x16xf32> to vector<16xf32>
      %swap3A_283 = vector.shape_cast %add3A_276 : vector<16xf32> to vector<1x1x16xf32>
      tpu.vector_store %arg7[%swap3A_278, %swap3A_279, %swap3A_280], %swap3A_283 {strides = array<i32>} : memref<2x128x128xf32, #tpu.memory_space<vmem>>, vector<1x1x16xf32>,
    }
    %scan3A_84 = arith.constant 128 : i32
    %add3A_85 = arith.constant 78 : i32
    %add3A_86 = arith.addi %multiple_of3A, %add3A_85 : i32
    %mul3A_87 = arith.constant 128 : i32
    %mul3A_88 = arith.muli %add3A_86, %mul3A_87 : i32
    %run_scoped3A_89 = arith.constant 0 : i32
    "tpu.region"() ({
      %run_scoped3A_125 = tpu.sem_alloc : memref<!tpu.dma_semaphore, #tpu.memory_space<semaphore_mem>>
      %dma_start3A_126 = arith.constant 0 : i32
      %dma_start3A_127 = arith.constant 0 : i32
      %dma_start3A_128 = tpu.memref_slice %arg7[%run_scoped3A_89, %dma_start3A_126, %dma_start3A_127] : memref<2x128x128xf32, #tpu.memory_space<vmem>> -> memref<1x128x128xf32, #tpu.memory_space<vmem>>
      %dma_start3A_129 = tpu.memref_squeeze %dma_start3A_128 : memref<1x128x128xf32, #tpu.memory_space<vmem>> -> memref<128x128xf32, #tpu.memory_space<vmem>>
      %dma_start3A_130 = arith.constant 0 : i32
      %dma_start3A_131 = tpu.memref_slice %arg4[%mul3A_88, %dma_start3A_130] : memref<327680x128xf32, #tpu.memory_space<hbm>> -> memref<128x128xf32, #tpu.memory_space<hbm>>
      %dma_start3A_132 = arith.constant 0 : i32
      %dma_start3A_133 = tpu.memref_slice %arg4[%mul3A_88, %dma_start3A_132] : memref<327680x128xf32, #tpu.memory_space<hbm>> -> memref<128x128xf32, #tpu.memory_space<hbm>>
      %dma_start3A_134 = arith.constant 0 : i32
      %dma_start3A_135 = arith.constant 0 : i32
      %dma_start3A_136 = tpu.memref_slice %arg7[%run_scoped3A_89, %dma_start3A_134, %dma_start3A_135] : memref<2x128x128xf32, #tpu.memory_space<vmem>> -> memref<1x128x128xf32, #tpu.memory_space<vmem>>
      %dma_start3A_137 = tpu.memref_squeeze %dma_start3A_136 : memref<1x128x128xf32, #tpu.memory_space<vmem>> -> memref<128x128xf32, #tpu.memory_space<vmem>>
      tpu.enqueue_dma source(%dma_start3A_137 : memref<128x128xf32, #tpu.memory_space<vmem>>) target(%dma_start3A_133 : memref<128x128xf32, #tpu.memory_space<hbm>>) target_semaphore(%run_scoped3A_125 : memref<!tpu.dma_semaphore, #tpu.memory_space<semaphore_mem>>)
      %dma_wait3A_138 = arith.constant 0 : i32
      %dma_wait3A_139 = arith.constant 0 : i32
      %dma_wait3A_140 = tpu.memref_slice %arg7[%run_scoped3A_89, %dma_wait3A_138, %dma_wait3A_139] : memref<2x128x128xf32, #tpu.memory_space<vmem>> -> memref<1x128x128xf32, #tpu.memory_space<vmem>>
      %dma_wait3A_141 = tpu.memref_squeeze %dma_wait3A_140 : memref<1x128x128xf32, #tpu.memory_space<vmem>> -> memref<128x128xf32, #tpu.memory_space<vmem>>
      %dma_wait3A_142 = arith.constant 0 : i32
      %dma_wait3A_143 = tpu.memref_slice %arg4[%mul3A_88, %dma_wait3A_142] : memref<327680x128xf32, #tpu.memory_space<hbm>> -> memref<128x128xf32, #tpu.memory_space<hbm>>
      %dma_wait3A_144 = arith.constant 0 : i32
      %dma_wait3A_145 = tpu.memref_slice %arg4[%mul3A_88, %dma_wait3A_144] : memref<327680x128xf32, #tpu.memory_space<hbm>> -> memref<128x128xf32, #tpu.memory_space<hbm>>
      %dma_wait3A_146 = arith.constant 0 : i32
      %dma_wait3A_147 = arith.constant 0 : i32
      %dma_wait3A_148 = tpu.memref_slice %arg7[%run_scoped3A_89, %dma_wait3A_146, %dma_wait3A_147] : memref<2x128x128xf32, #tpu.memory_space<vmem>> -> memref<1x128x128xf32, #tpu.memory_space<vmem>>
      %dma_wait3A_149 = tpu.memref_squeeze %dma_wait3A_148 : memref<1x128x128xf32, #tpu.memory_space<vmem>> -> memref<128x128xf32, #tpu.memory_space<vmem>>
      tpu.wait_dma2 semaphore(%run_scoped3A_125 : memref<!tpu.dma_semaphore, #tpu.memory_space<semaphore_mem>>) src(%dma_wait3A_149 : memref<128x128xf32, #tpu.memory_space<vmem>>) dst(%dma_wait3A_145 : memref<128x128xf32, #tpu.memory_space<hbm>>)
      tpu.yield
    }) : () -> ()
    %dma_wait3A_90 = arith.constant 0 : i32
    %dma_wait3A_91 = arith.constant 1 : i32
    %dma_wait3A_92 = arith.constant 0 : i32
    %dma_wait3A_93 = arith.constant 0 : i32
    %dma_wait3A_94 = tpu.memref_slice %arg7[%dma_wait3A_91, %dma_wait3A_92, %dma_wait3A_93] : memref<2x128x128xf32, #tpu.memory_space<vmem>> -> memref<1x128x128xf32, #tpu.memory_space<vmem>>
    %dma_wait3A_95 = tpu.memref_squeeze %dma_wait3A_94 : memref<1x128x128xf32, #tpu.memory_space<vmem>> -> memref<128x128xf32, #tpu.memory_space<vmem>>
    %dma_wait3A_96 = arith.constant 0 : i32
    %dma_wait3A_97 = tpu.memref_slice %arg5[%dma_wait3A_90, %dma_wait3A_96] : memref<80x128xi32, #tpu.memory_space<vmem>> -> memref<1x128xi32, #tpu.memory_space<vmem>>
    %dma_wait3A_98 = tpu.memref_squeeze %dma_wait3A_97 : memref<1x128xi32, #tpu.memory_space<vmem>> -> memref<128xi32, #tpu.memory_space<vmem>>
    %dma_wait3A_99 = arith.constant 0 : i32
    %dma_wait3A_100 = arith.constant 0 : i32
    %dma_wait3A_101 = tpu.memref_slice %arg2[%dma_wait3A_99, %dma_wait3A_100] : memref<20000x128xf32, #tpu.memory_space<hbm>> -> memref<20000x128xf32, #tpu.memory_space<hbm>>
    tpu.wait_indirect_dma semaphore(%arg10 : memref<!tpu.dma_semaphore, #tpu.memory_space<semaphore_mem>>) src(%dma_wait3A_101 : memref<20000x128xf32, #tpu.memory_space<hbm>>) dst(%dma_wait3A_95 : memref<128x128xf32, #tpu.memory_space<vmem>>)
    %dma_wait3A_102 = arith.constant 0 : i32
    %dma_wait3A_103 = arith.constant 1 : i32
    %dma_wait3A_104 = arith.constant 0 : i32
    %dma_wait3A_105 = arith.constant 0 : i32
    %dma_wait3A_106 = tpu.memref_slice %arg8[%dma_wait3A_103, %dma_wait3A_104, %dma_wait3A_105] : memref<2x128x128xf32, #tpu.memory_space<vmem>> -> memref<1x128x128xf32, #tpu.memory_space<vmem>>
    %dma_wait3A_107 = tpu.memref_squeeze %dma_wait3A_106 : memref<1x128x128xf32, #tpu.memory_space<vmem>> -> memref<128x128xf32, #tpu.memory_space<vmem>>
    %dma_wait3A_108 = arith.constant 0 : i32
    %dma_wait3A_109 = tpu.memref_slice %arg6[%dma_wait3A_102, %dma_wait3A_108] : memref<80x128xi32, #tpu.memory_space<vmem>> -> memref<1x128xi32, #tpu.memory_space<vmem>>
    %dma_wait3A_110 = tpu.memref_squeeze %dma_wait3A_109 : memref<1x128xi32, #tpu.memory_space<vmem>> -> memref<128xi32, #tpu.memory_space<vmem>>
    %dma_wait3A_111 = arith.constant 0 : i32
    %dma_wait3A_112 = arith.constant 0 : i32
    %dma_wait3A_113 = tpu.memref_slice %arg2[%dma_wait3A_111, %dma_wait3A_112] : memref<20000x128xf32, #tpu.memory_space<hbm>> -> memref<20000x128xf32, #tpu.memory_space<hbm>>
    tpu.wait_indirect_dma semaphore(%arg10 : memref<!tpu.dma_semaphore, #tpu.memory_space<semaphore_mem>>) src(%dma_wait3A_113 : memref<20000x128xf32, #tpu.memory_space<hbm>>) dst(%dma_wait3A_107 : memref<128x128xf32, #tpu.memory_space<vmem>>)
    %scan3A_114 = arith.constant 0 : i32
    %scan3A_115 = arith.constant 0 : i32
    %scan3A_116 = arith.constant 128 : i32
    %scan3A_117 = arith.addi %scan3A_115, %scan3A_116 : i32
    %scan3A_118 = arith.constant 1 : i32
    scf.for %scan3A_125 = %scan3A_115 to %scan3A_117 step %scan3A_118  : i32 {
      %get3A = arith.constant 1 : i32
      %get3A_126 = arith.index_cast %get3A : i32 to index
      %get3A_127 = arith.index_cast %scan3A_125 : i32 to index
      %get3A_128 = arith.constant 0 : index
      %get3A_129 = tpu.vector_load %arg7[%get3A_126, %get3A_127, %get3A_128] {strides = array<i32>} : memref<2x128x128xf32, #tpu.memory_space<vmem>>, vector<1x1x16xf32>,
      %get3A_130 = vector.shape_cast %get3A_129 : vector<1x1x16xf32> to vector<16xf32>
      %get3A_131 = arith.constant 1 : i32
      %get3A_132 = arith.index_cast %get3A_131 : i32 to index
      %get3A_133 = arith.index_cast %scan3A_125 : i32 to index
      %get3A_134 = arith.constant 0 : index
      %get3A_135 = tpu.vector_load %arg8[%get3A_132, %get3A_133, %get3A_134] {strides = array<i32>} : memref<2x128x128xf32, #tpu.memory_space<vmem>>, vector<1x1x16xf32>,
      %get3A_136 = vector.shape_cast %get3A_135 : vector<1x1x16xf32> to vector<16xf32>
      %add3A_137 = arith.addf %get3A_130, %get3A_136 : vector<16xf32>
      %swap3A = arith.constant 1 : i32
      %swap3A_138 = arith.index_cast %swap3A : i32 to index
      %swap3A_139 = arith.index_cast %scan3A_125 : i32 to index
      %swap3A_140 = arith.constant 0 : index
      %swap3A_141 = tpu.vector_load %arg7[%swap3A_138, %swap3A_139, %swap3A_140] {strides = array<i32>} : memref<2x128x128xf32, #tpu.memory_space<vmem>>, vector<1x1x16xf32>,
      %swap3A_142 = vector.shape_cast %swap3A_141 : vector<1x1x16xf32> to vector<16xf32>
      %swap3A_143 = vector.shape_cast %add3A_137 : vector<16xf32> to vector<1x1x16xf32>
      tpu.vector_store %arg7[%swap3A_138, %swap3A_139, %swap3A_140], %swap3A_143 {strides = array<i32>} : memref<2x128x128xf32, #tpu.memory_space<vmem>>, vector<1x1x16xf32>,
      %get3A_144 = arith.constant 1 : i32
      %get3A_145 = arith.index_cast %get3A_144 : i32 to index
      %get3A_146 = arith.index_cast %scan3A_125 : i32 to index
      %get3A_147 = arith.constant 16 : index
      %get3A_148 = tpu.vector_load %arg7[%get3A_145, %get3A_146, %get3A_147] {strides = array<i32>} : memref<2x128x128xf32, #tpu.memory_space<vmem>>, vector<1x1x16xf32>,
      %get3A_149 = vector.shape_cast %get3A_148 : vector<1x1x16xf32> to vector<16xf32>
      %get3A_150 = arith.constant 1 : i32
      %get3A_151 = arith.index_cast %get3A_150 : i32 to index
      %get3A_152 = arith.index_cast %scan3A_125 : i32 to index
      %get3A_153 = arith.constant 16 : index
      %get3A_154 = tpu.vector_load %arg8[%get3A_151, %get3A_152, %get3A_153] {strides = array<i32>} : memref<2x128x128xf32, #tpu.memory_space<vmem>>, vector<1x1x16xf32>,
      %get3A_155 = vector.shape_cast %get3A_154 : vector<1x1x16xf32> to vector<16xf32>
      %add3A_156 = arith.addf %get3A_149, %get3A_155 : vector<16xf32>
      %swap3A_157 = arith.constant 1 : i32
      %swap3A_158 = arith.index_cast %swap3A_157 : i32 to index
      %swap3A_159 = arith.index_cast %scan3A_125 : i32 to index
      %swap3A_160 = arith.constant 16 : index
      %swap3A_161 = tpu.vector_load %arg7[%swap3A_158, %swap3A_159, %swap3A_160] {strides = array<i32>} : memref<2x128x128xf32, #tpu.memory_space<vmem>>, vector<1x1x16xf32>,
      %swap3A_162 = vector.shape_cast %swap3A_161 : vector<1x1x16xf32> to vector<16xf32>
      %swap3A_163 = vector.shape_cast %add3A_156 : vector<16xf32> to vector<1x1x16xf32>
      tpu.vector_store %arg7[%swap3A_158, %swap3A_159, %swap3A_160], %swap3A_163 {strides = array<i32>} : memref<2x128x128xf32, #tpu.memory_space<vmem>>, vector<1x1x16xf32>,
      %get3A_164 = arith.constant 1 : i32
      %get3A_165 = arith.index_cast %get3A_164 : i32 to index
      %get3A_166 = arith.index_cast %scan3A_125 : i32 to index
      %get3A_167 = arith.constant 32 : index
      %get3A_168 = tpu.vector_load %arg7[%get3A_165, %get3A_166, %get3A_167] {strides = array<i32>} : memref<2x128x128xf32, #tpu.memory_space<vmem>>, vector<1x1x16xf32>,
      %get3A_169 = vector.shape_cast %get3A_168 : vector<1x1x16xf32> to vector<16xf32>
      %get3A_170 = arith.constant 1 : i32
      %get3A_171 = arith.index_cast %get3A_170 : i32 to index
      %get3A_172 = arith.index_cast %scan3A_125 : i32 to index
      %get3A_173 = arith.constant 32 : index
      %get3A_174 = tpu.vector_load %arg8[%get3A_171, %get3A_172, %get3A_173] {strides = array<i32>} : memref<2x128x128xf32, #tpu.memory_space<vmem>>, vector<1x1x16xf32>,
      %get3A_175 = vector.shape_cast %get3A_174 : vector<1x1x16xf32> to vector<16xf32>
      %add3A_176 = arith.addf %get3A_169, %get3A_175 : vector<16xf32>
      %swap3A_177 = arith.constant 1 : i32
      %swap3A_178 = arith.index_cast %swap3A_177 : i32 to index
      %swap3A_179 = arith.index_cast %scan3A_125 : i32 to index
      %swap3A_180 = arith.constant 32 : index
      %swap3A_181 = tpu.vector_load %arg7[%swap3A_178, %swap3A_179, %swap3A_180] {strides = array<i32>} : memref<2x128x128xf32, #tpu.memory_space<vmem>>, vector<1x1x16xf32>,
      %swap3A_182 = vector.shape_cast %swap3A_181 : vector<1x1x16xf32> to vector<16xf32>
      %swap3A_183 = vector.shape_cast %add3A_176 : vector<16xf32> to vector<1x1x16xf32>
      tpu.vector_store %arg7[%swap3A_178, %swap3A_179, %swap3A_180], %swap3A_183 {strides = array<i32>} : memref<2x128x128xf32, #tpu.memory_space<vmem>>, vector<1x1x16xf32>,
      %get3A_184 = arith.constant 1 : i32
      %get3A_185 = arith.index_cast %get3A_184 : i32 to index
      %get3A_186 = arith.index_cast %scan3A_125 : i32 to index
      %get3A_187 = arith.constant 48 : index
      %get3A_188 = tpu.vector_load %arg7[%get3A_185, %get3A_186, %get3A_187] {strides = array<i32>} : memref<2x128x128xf32, #tpu.memory_space<vmem>>, vector<1x1x16xf32>,
      %get3A_189 = vector.shape_cast %get3A_188 : vector<1x1x16xf32> to vector<16xf32>
      %get3A_190 = arith.constant 1 : i32
      %get3A_191 = arith.index_cast %get3A_190 : i32 to index
      %get3A_192 = arith.index_cast %scan3A_125 : i32 to index
      %get3A_193 = arith.constant 48 : index
      %get3A_194 = tpu.vector_load %arg8[%get3A_191, %get3A_192, %get3A_193] {strides = array<i32>} : memref<2x128x128xf32, #tpu.memory_space<vmem>>, vector<1x1x16xf32>,
      %get3A_195 = vector.shape_cast %get3A_194 : vector<1x1x16xf32> to vector<16xf32>
      %add3A_196 = arith.addf %get3A_189, %get3A_195 : vector<16xf32>
      %swap3A_197 = arith.constant 1 : i32
      %swap3A_198 = arith.index_cast %swap3A_197 : i32 to index
      %swap3A_199 = arith.index_cast %scan3A_125 : i32 to index
      %swap3A_200 = arith.constant 48 : index
      %swap3A_201 = tpu.vector_load %arg7[%swap3A_198, %swap3A_199, %swap3A_200] {strides = array<i32>} : memref<2x128x128xf32, #tpu.memory_space<vmem>>, vector<1x1x16xf32>,
      %swap3A_202 = vector.shape_cast %swap3A_201 : vector<1x1x16xf32> to vector<16xf32>
      %swap3A_203 = vector.shape_cast %add3A_196 : vector<16xf32> to vector<1x1x16xf32>
      tpu.vector_store %arg7[%swap3A_198, %swap3A_199, %swap3A_200], %swap3A_203 {strides = array<i32>} : memref<2x128x128xf32, #tpu.memory_space<vmem>>, vector<1x1x16xf32>,
      %get3A_204 = arith.constant 1 : i32
      %get3A_205 = arith.index_cast %get3A_204 : i32 to index
      %get3A_206 = arith.index_cast %scan3A_125 : i32 to index
      %get3A_207 = arith.constant 64 : index
      %get3A_208 = tpu.vector_load %arg7[%get3A_205, %get3A_206, %get3A_207] {strides = array<i32>} : memref<2x128x128xf32, #tpu.memory_space<vmem>>, vector<1x1x16xf32>,
      %get3A_209 = vector.shape_cast %get3A_208 : vector<1x1x16xf32> to vector<16xf32>
      %get3A_210 = arith.constant 1 : i32
      %get3A_211 = arith.index_cast %get3A_210 : i32 to index
      %get3A_212 = arith.index_cast %scan3A_125 : i32 to index
      %get3A_213 = arith.constant 64 : index
      %get3A_214 = tpu.vector_load %arg8[%get3A_211, %get3A_212, %get3A_213] {strides = array<i32>} : memref<2x128x128xf32, #tpu.memory_space<vmem>>, vector<1x1x16xf32>,
      %get3A_215 = vector.shape_cast %get3A_214 : vector<1x1x16xf32> to vector<16xf32>
      %add3A_216 = arith.addf %get3A_209, %get3A_215 : vector<16xf32>
      %swap3A_217 = arith.constant 1 : i32
      %swap3A_218 = arith.index_cast %swap3A_217 : i32 to index
      %swap3A_219 = arith.index_cast %scan3A_125 : i32 to index
      %swap3A_220 = arith.constant 64 : index
      %swap3A_221 = tpu.vector_load %arg7[%swap3A_218, %swap3A_219, %swap3A_220] {strides = array<i32>} : memref<2x128x128xf32, #tpu.memory_space<vmem>>, vector<1x1x16xf32>,
      %swap3A_222 = vector.shape_cast %swap3A_221 : vector<1x1x16xf32> to vector<16xf32>
      %swap3A_223 = vector.shape_cast %add3A_216 : vector<16xf32> to vector<1x1x16xf32>
      tpu.vector_store %arg7[%swap3A_218, %swap3A_219, %swap3A_220], %swap3A_223 {strides = array<i32>} : memref<2x128x128xf32, #tpu.memory_space<vmem>>, vector<1x1x16xf32>,
      %get3A_224 = arith.constant 1 : i32
      %get3A_225 = arith.index_cast %get3A_224 : i32 to index
      %get3A_226 = arith.index_cast %scan3A_125 : i32 to index
      %get3A_227 = arith.constant 80 : index
      %get3A_228 = tpu.vector_load %arg7[%get3A_225, %get3A_226, %get3A_227] {strides = array<i32>} : memref<2x128x128xf32, #tpu.memory_space<vmem>>, vector<1x1x16xf32>,
      %get3A_229 = vector.shape_cast %get3A_228 : vector<1x1x16xf32> to vector<16xf32>
      %get3A_230 = arith.constant 1 : i32
      %get3A_231 = arith.index_cast %get3A_230 : i32 to index
      %get3A_232 = arith.index_cast %scan3A_125 : i32 to index
      %get3A_233 = arith.constant 80 : index
      %get3A_234 = tpu.vector_load %arg8[%get3A_231, %get3A_232, %get3A_233] {strides = array<i32>} : memref<2x128x128xf32, #tpu.memory_space<vmem>>, vector<1x1x16xf32>,
      %get3A_235 = vector.shape_cast %get3A_234 : vector<1x1x16xf32> to vector<16xf32>
      %add3A_236 = arith.addf %get3A_229, %get3A_235 : vector<16xf32>
      %swap3A_237 = arith.constant 1 : i32
      %swap3A_238 = arith.index_cast %swap3A_237 : i32 to index
      %swap3A_239 = arith.index_cast %scan3A_125 : i32 to index
      %swap3A_240 = arith.constant 80 : index
      %swap3A_241 = tpu.vector_load %arg7[%swap3A_238, %swap3A_239, %swap3A_240] {strides = array<i32>} : memref<2x128x128xf32, #tpu.memory_space<vmem>>, vector<1x1x16xf32>,
      %swap3A_242 = vector.shape_cast %swap3A_241 : vector<1x1x16xf32> to vector<16xf32>
      %swap3A_243 = vector.shape_cast %add3A_236 : vector<16xf32> to vector<1x1x16xf32>
      tpu.vector_store %arg7[%swap3A_238, %swap3A_239, %swap3A_240], %swap3A_243 {strides = array<i32>} : memref<2x128x128xf32, #tpu.memory_space<vmem>>, vector<1x1x16xf32>,
      %get3A_244 = arith.constant 1 : i32
      %get3A_245 = arith.index_cast %get3A_244 : i32 to index
      %get3A_246 = arith.index_cast %scan3A_125 : i32 to index
      %get3A_247 = arith.constant 96 : index
      %get3A_248 = tpu.vector_load %arg7[%get3A_245, %get3A_246, %get3A_247] {strides = array<i32>} : memref<2x128x128xf32, #tpu.memory_space<vmem>>, vector<1x1x16xf32>,
      %get3A_249 = vector.shape_cast %get3A_248 : vector<1x1x16xf32> to vector<16xf32>
      %get3A_250 = arith.constant 1 : i32
      %get3A_251 = arith.index_cast %get3A_250 : i32 to index
      %get3A_252 = arith.index_cast %scan3A_125 : i32 to index
      %get3A_253 = arith.constant 96 : index
      %get3A_254 = tpu.vector_load %arg8[%get3A_251, %get3A_252, %get3A_253] {strides = array<i32>} : memref<2x128x128xf32, #tpu.memory_space<vmem>>, vector<1x1x16xf32>,
      %get3A_255 = vector.shape_cast %get3A_254 : vector<1x1x16xf32> to vector<16xf32>
      %add3A_256 = arith.addf %get3A_249, %get3A_255 : vector<16xf32>
      %swap3A_257 = arith.constant 1 : i32
      %swap3A_258 = arith.index_cast %swap3A_257 : i32 to index
      %swap3A_259 = arith.index_cast %scan3A_125 : i32 to index
      %swap3A_260 = arith.constant 96 : index
      %swap3A_261 = tpu.vector_load %arg7[%swap3A_258, %swap3A_259, %swap3A_260] {strides = array<i32>} : memref<2x128x128xf32, #tpu.memory_space<vmem>>, vector<1x1x16xf32>,
      %swap3A_262 = vector.shape_cast %swap3A_261 : vector<1x1x16xf32> to vector<16xf32>
      %swap3A_263 = vector.shape_cast %add3A_256 : vector<16xf32> to vector<1x1x16xf32>
      tpu.vector_store %arg7[%swap3A_258, %swap3A_259, %swap3A_260], %swap3A_263 {strides = array<i32>} : memref<2x128x128xf32, #tpu.memory_space<vmem>>, vector<1x1x16xf32>,
      %get3A_264 = arith.constant 1 : i32
      %get3A_265 = arith.index_cast %get3A_264 : i32 to index
      %get3A_266 = arith.index_cast %scan3A_125 : i32 to index
      %get3A_267 = arith.constant 112 : index
      %get3A_268 = tpu.vector_load %arg7[%get3A_265, %get3A_266, %get3A_267] {strides = array<i32>} : memref<2x128x128xf32, #tpu.memory_space<vmem>>, vector<1x1x16xf32>,
      %get3A_269 = vector.shape_cast %get3A_268 : vector<1x1x16xf32> to vector<16xf32>
      %get3A_270 = arith.constant 1 : i32
      %get3A_271 = arith.index_cast %get3A_270 : i32 to index
      %get3A_272 = arith.index_cast %scan3A_125 : i32 to index
      %get3A_273 = arith.constant 112 : index
      %get3A_274 = tpu.vector_load %arg8[%get3A_271, %get3A_272, %get3A_273] {strides = array<i32>} : memref<2x128x128xf32, #tpu.memory_space<vmem>>, vector<1x1x16xf32>,
      %get3A_275 = vector.shape_cast %get3A_274 : vector<1x1x16xf32> to vector<16xf32>
      %add3A_276 = arith.addf %get3A_269, %get3A_275 : vector<16xf32>
      %swap3A_277 = arith.constant 1 : i32
      %swap3A_278 = arith.index_cast %swap3A_277 : i32 to index
      %swap3A_279 = arith.index_cast %scan3A_125 : i32 to index
      %swap3A_280 = arith.constant 112 : index
      %swap3A_281 = tpu.vector_load %arg7[%swap3A_278, %swap3A_279, %swap3A_280] {strides = array<i32>} : memref<2x128x128xf32, #tpu.memory_space<vmem>>, vector<1x1x16xf32>,
      %swap3A_282 = vector.shape_cast %swap3A_281 : vector<1x1x16xf32> to vector<16xf32>
      %swap3A_283 = vector.shape_cast %add3A_276 : vector<16xf32> to vector<1x1x16xf32>
      tpu.vector_store %arg7[%swap3A_278, %swap3A_279, %swap3A_280], %swap3A_283 {strides = array<i32>} : memref<2x128x128xf32, #tpu.memory_space<vmem>>, vector<1x1x16xf32>,
    }
    %scan3A_119 = arith.constant 128 : i32
    %add3A_120 = arith.constant 79 : i32
    %add3A_121 = arith.addi %multiple_of3A, %add3A_120 : i32
    %mul3A_122 = arith.constant 128 : i32
    %mul3A_123 = arith.muli %add3A_121, %mul3A_122 : i32
    %run_scoped3A_124 = arith.constant 1 : i32
    "tpu.region"() ({
      %run_scoped3A_125 = tpu.sem_alloc : memref<!tpu.dma_semaphore, #tpu.memory_space<semaphore_mem>>
      %dma_start3A_126 = arith.constant 0 : i32
      %dma_start3A_127 = arith.constant 0 : i32
      %dma_start3A_128 = tpu.memref_slice %arg7[%run_scoped3A_124, %dma_start3A_126, %dma_start3A_127] : memref<2x128x128xf32, #tpu.memory_space<vmem>> -> memref<1x128x128xf32, #tpu.memory_space<vmem>>
      %dma_start3A_129 = tpu.memref_squeeze %dma_start3A_128 : memref<1x128x128xf32, #tpu.memory_space<vmem>> -> memref<128x128xf32, #tpu.memory_space<vmem>>
      %dma_start3A_130 = arith.constant 0 : i32
      %dma_start3A_131 = tpu.memref_slice %arg4[%mul3A_123, %dma_start3A_130] : memref<327680x128xf32, #tpu.memory_space<hbm>> -> memref<128x128xf32, #tpu.memory_space<hbm>>
      %dma_start3A_132 = arith.constant 0 : i32
      %dma_start3A_133 = tpu.memref_slice %arg4[%mul3A_123, %dma_start3A_132] : memref<327680x128xf32, #tpu.memory_space<hbm>> -> memref<128x128xf32, #tpu.memory_space<hbm>>
      %dma_start3A_134 = arith.constant 0 : i32
      %dma_start3A_135 = arith.constant 0 : i32
      %dma_start3A_136 = tpu.memref_slice %arg7[%run_scoped3A_124, %dma_start3A_134, %dma_start3A_135] : memref<2x128x128xf32, #tpu.memory_space<vmem>> -> memref<1x128x128xf32, #tpu.memory_space<vmem>>
      %dma_start3A_137 = tpu.memref_squeeze %dma_start3A_136 : memref<1x128x128xf32, #tpu.memory_space<vmem>> -> memref<128x128xf32, #tpu.memory_space<vmem>>
      tpu.enqueue_dma source(%dma_start3A_137 : memref<128x128xf32, #tpu.memory_space<vmem>>) target(%dma_start3A_133 : memref<128x128xf32, #tpu.memory_space<hbm>>) target_semaphore(%run_scoped3A_125 : memref<!tpu.dma_semaphore, #tpu.memory_space<semaphore_mem>>)
      %dma_wait3A_138 = arith.constant 0 : i32
      %dma_wait3A_139 = arith.constant 0 : i32
      %dma_wait3A_140 = tpu.memref_slice %arg7[%run_scoped3A_124, %dma_wait3A_138, %dma_wait3A_139] : memref<2x128x128xf32, #tpu.memory_space<vmem>> -> memref<1x128x128xf32, #tpu.memory_space<vmem>>
      %dma_wait3A_141 = tpu.memref_squeeze %dma_wait3A_140 : memref<1x128x128xf32, #tpu.memory_space<vmem>> -> memref<128x128xf32, #tpu.memory_space<vmem>>
      %dma_wait3A_142 = arith.constant 0 : i32
      %dma_wait3A_143 = tpu.memref_slice %arg4[%mul3A_123, %dma_wait3A_142] : memref<327680x128xf32, #tpu.memory_space<hbm>> -> memref<128x128xf32, #tpu.memory_space<hbm>>
      %dma_wait3A_144 = arith.constant 0 : i32
      %dma_wait3A_145 = tpu.memref_slice %arg4[%mul3A_123, %dma_wait3A_144] : memref<327680x128xf32, #tpu.memory_space<hbm>> -> memref<128x128xf32, #tpu.memory_space<hbm>>
      %dma_wait3A_146 = arith.constant 0 : i32
      %dma_wait3A_147 = arith.constant 0 : i32
      %dma_wait3A_148 = tpu.memref_slice %arg7[%run_scoped3A_124, %dma_wait3A_146, %dma_wait3A_147] : memref<2x128x128xf32, #tpu.memory_space<vmem>> -> memref<1x128x128xf32, #tpu.memory_space<vmem>>
      %dma_wait3A_149 = tpu.memref_squeeze %dma_wait3A_148 : memref<1x128x128xf32, #tpu.memory_space<vmem>> -> memref<128x128xf32, #tpu.memory_space<vmem>>
      tpu.wait_dma2 semaphore(%run_scoped3A_125 : memref<!tpu.dma_semaphore, #tpu.memory_space<semaphore_mem>>) src(%dma_wait3A_149 : memref<128x128xf32, #tpu.memory_space<vmem>>) dst(%dma_wait3A_145 : memref<128x128xf32, #tpu.memory_space<hbm>>)
      tpu.yield
    }) : () -> ()
    return
  }
}

module attributes {stable_mosaic.version = 14 : i64} {
  func.func @_c_body(%arg0: i32, %arg1: memref<2560x128xf32, #tpu.memory_space<vmem>>, %arg2: memref<2560x128xf32, #tpu.memory_space<vmem>>, %arg3: memref<1x128x128xf32, #tpu.memory_space<vmem>>, %arg4: memref<128x128xf32, #tpu.memory_space<vmem>>, %arg5: memref<128x128xf32, #tpu.memory_space<vmem>>, %arg6: memref<128x128xf32, #tpu.memory_space<vmem>>, %arg7: memref<1x128xf32, #tpu.memory_space<vmem>>, %arg8: memref<1x128xf32, #tpu.memory_space<vmem>>, %arg9: memref<1x128xf32, #tpu.memory_space<vmem>>, %arg10: memref<1x128xf32, #tpu.memory_space<vmem>>, %arg11: memref<1x128xf32, #tpu.memory_space<vmem>>, %arg12: memref<2560x128xf32, #tpu.memory_space<vmem>>, %arg13: memref<2560x128xf32, #tpu.memory_space<vmem>>) attributes {dimension_semantics = [#tpu.dimension_semantics<arbitrary>], iteration_bounds = array<i64: 125>, scalar_prefetch = 0 : i64, scratch_operands = 0 : i64, tpu.core_type = #tpu.core_type<tc>, window_params = [{transform_indices = @transform_0, window_bounds = array<i64: 2560, 128>}, {transform_indices = @transform_1, window_bounds = array<i64: 2560, 128>}, {transform_indices = @transform_2, window_bounds = array<i64: 1, 128, 128>}, {pipeline_mode = #tpu.pipeline_mode<synchronous>, transform_indices = @transform_3, window_bounds = array<i64: 128, 128>}, {pipeline_mode = #tpu.pipeline_mode<synchronous>, transform_indices = @transform_4, window_bounds = array<i64: 128, 128>}, {pipeline_mode = #tpu.pipeline_mode<synchronous>, transform_indices = @transform_5, window_bounds = array<i64: 128, 128>}, {pipeline_mode = #tpu.pipeline_mode<synchronous>, transform_indices = @transform_6, window_bounds = array<i64: 1, 128>}, {pipeline_mode = #tpu.pipeline_mode<synchronous>, transform_indices = @transform_7, window_bounds = array<i64: 1, 128>}, {pipeline_mode = #tpu.pipeline_mode<synchronous>, transform_indices = @transform_8, window_bounds = array<i64: 1, 128>}, {pipeline_mode = #tpu.pipeline_mode<synchronous>, transform_indices = @transform_9, window_bounds = array<i64: 1, 128>}, {pipeline_mode = #tpu.pipeline_mode<synchronous>, transform_indices = @transform_10, window_bounds = array<i64: 1, 128>}, {transform_indices = @transform_11, window_bounds = array<i64: 2560, 128>}, {transform_indices = @transform_12, window_bounds = array<i64: 2560, 128>}]} {
    %get3A = arith.constant 0 : index
    %get3A_0 = arith.constant 0 : index
    %get3A_1 = vector.load %arg1[%get3A, %get3A_0] : memref<2560x128xf32, #tpu.memory_space<vmem>>, vector<2560x128xf32>
    %get3A_2 = arith.constant 0 : index
    %get3A_3 = arith.constant 0 : index
    %get3A_4 = arith.constant 0 : index
    %get3A_5 = vector.load %arg3[%get3A_2, %get3A_3, %get3A_4] : memref<1x128x128xf32, #tpu.memory_space<vmem>>, vector<1x128x128xf32>
    %get3A_6 = vector.shape_cast %get3A_5 : vector<1x128x128xf32> to vector<128x128xf32>
    %dot_general3A = arith.constant dense<0.000000e+00> : vector<2560x128xf32>
    %dot_general3A_7 = tpu.matmul %get3A_1, %get3A_6, %dot_general3A {dimension_numbers = #tpu.dot_dimension_numbers<[1], [0], [0], [1], [0, 0, 1, 1], [], []>, transpose_lhs_hint = false} : vector<2560x128xf32>, vector<128x128xf32>, vector<2560x128xf32> -> vector<2560x128xf32>
    %get3A_8 = arith.constant 0 : index
    %get3A_9 = arith.constant 0 : index
    %get3A_10 = vector.load %arg2[%get3A_8, %get3A_9] : memref<2560x128xf32, #tpu.memory_space<vmem>>, vector<2560x128xf32>
    %add3A = arith.addf %dot_general3A_7, %get3A_10 : vector<2560x128xf32>
    %get3A_11 = arith.constant 0 : index
    %get3A_12 = arith.constant 0 : index
    %get3A_13 = vector.load %arg7[%get3A_11, %get3A_12] : memref<1x128xf32, #tpu.memory_space<vmem>>, vector<1x128xf32>
    %add3A_14 = vector.broadcast %get3A_13 : vector<1x128xf32> to vector<2560x128xf32>
    %add3A_15 = arith.addf %add3A, %add3A_14 : vector<2560x128xf32>
    %max3A = arith.constant 0.000000e+00 : f32
    %max3A_16 = vector.broadcast %max3A : f32 to vector<2560x128xf32>
    %max3A_17 = arith.maximumf %add3A_15, %max3A_16 : vector<2560x128xf32>
    %get3A_18 = arith.constant 0 : index
    %get3A_19 = arith.constant 0 : index
    %get3A_20 = vector.load %arg4[%get3A_18, %get3A_19] : memref<128x128xf32, #tpu.memory_space<vmem>>, vector<128x128xf32>
    %dot_general3A_21 = arith.constant dense<0.000000e+00> : vector<2560x128xf32>
    %dot_general3A_22 = tpu.matmul %max3A_17, %get3A_20, %dot_general3A_21 {dimension_numbers = #tpu.dot_dimension_numbers<[1], [0], [0], [1], [0, 0, 1, 1], [], []>, transpose_lhs_hint = false} : vector<2560x128xf32>, vector<128x128xf32>, vector<2560x128xf32> -> vector<2560x128xf32>
    %get3A_23 = arith.constant 0 : index
    %get3A_24 = arith.constant 0 : index
    %get3A_25 = vector.load %arg8[%get3A_23, %get3A_24] : memref<1x128xf32, #tpu.memory_space<vmem>>, vector<1x128xf32>
    %add3A_26 = vector.broadcast %get3A_25 : vector<1x128xf32> to vector<2560x128xf32>
    %add3A_27 = arith.addf %dot_general3A_22, %add3A_26 : vector<2560x128xf32>
    %max3A_28 = arith.constant 0.000000e+00 : f32
    %max3A_29 = vector.broadcast %max3A_28 : f32 to vector<2560x128xf32>
    %max3A_30 = arith.maximumf %add3A_27, %max3A_29 : vector<2560x128xf32>
    %get3A_31 = arith.constant 0 : index
    %get3A_32 = arith.constant 0 : index
    %get3A_33 = vector.load %arg5[%get3A_31, %get3A_32] : memref<128x128xf32, #tpu.memory_space<vmem>>, vector<128x128xf32>
    %dot_general3A_34 = arith.constant dense<0.000000e+00> : vector<2560x128xf32>
    %dot_general3A_35 = tpu.matmul %max3A_30, %get3A_33, %dot_general3A_34 {dimension_numbers = #tpu.dot_dimension_numbers<[1], [0], [0], [1], [0, 0, 1, 1], [], []>, transpose_lhs_hint = false} : vector<2560x128xf32>, vector<128x128xf32>, vector<2560x128xf32> -> vector<2560x128xf32>
    %get3A_36 = arith.constant 0 : index
    %get3A_37 = arith.constant 0 : index
    %get3A_38 = vector.load %arg9[%get3A_36, %get3A_37] : memref<1x128xf32, #tpu.memory_space<vmem>>, vector<1x128xf32>
    %add3A_39 = vector.broadcast %get3A_38 : vector<1x128xf32> to vector<2560x128xf32>
    %add3A_40 = arith.addf %dot_general3A_35, %add3A_39 : vector<2560x128xf32>
    %max3A_41 = arith.constant 0.000000e+00 : f32
    %max3A_42 = vector.broadcast %max3A_41 : f32 to vector<2560x128xf32>
    %max3A_43 = arith.maximumf %add3A_40, %max3A_42 : vector<2560x128xf32>
    %get3A_44 = arith.constant 0 : index
    %get3A_45 = arith.constant 0 : index
    %get3A_46 = vector.load %arg6[%get3A_44, %get3A_45] : memref<128x128xf32, #tpu.memory_space<vmem>>, vector<128x128xf32>
    %dot_general3A_47 = arith.constant dense<0.000000e+00> : vector<2560x128xf32>
    %dot_general3A_48 = tpu.matmul %max3A_43, %get3A_46, %dot_general3A_47 {dimension_numbers = #tpu.dot_dimension_numbers<[1], [0], [0], [1], [0, 0, 1, 1], [], []>, transpose_lhs_hint = false} : vector<2560x128xf32>, vector<128x128xf32>, vector<2560x128xf32> -> vector<2560x128xf32>
    %get3A_49 = arith.constant 0 : index
    %get3A_50 = arith.constant 0 : index
    %get3A_51 = vector.load %arg10[%get3A_49, %get3A_50] : memref<1x128xf32, #tpu.memory_space<vmem>>, vector<1x128xf32>
    %add3A_52 = vector.broadcast %get3A_51 : vector<1x128xf32> to vector<2560x128xf32>
    %add3A_53 = arith.addf %dot_general3A_48, %add3A_52 : vector<2560x128xf32>
    %mul3A = arith.mulf %add3A_53, %add3A_53 : vector<2560x128xf32>
    %reduce_sum3A = arith.constant dense<0.000000e+00> : vector<2560xf32>
    %reduce_sum3A_54 = vector.multi_reduction <add>, %mul3A, %reduce_sum3A [1] : vector<2560x128xf32> to vector<2560xf32>
    %broadcast_in_dim3A = vector.shape_cast %reduce_sum3A_54 : vector<2560xf32> to vector<2560x1xf32>
    %div3A = arith.constant 1.280000e+02 : f32
    %div3A_55 = vector.broadcast %div3A : f32 to vector<2560x1xf32>
    %div3A_56 = arith.divf %broadcast_in_dim3A, %div3A_55 : vector<2560x1xf32>
    %add3A_57 = arith.constant 9.99999997E-7 : f32
    %add3A_58 = vector.broadcast %add3A_57 : f32 to vector<2560x1xf32>
    %add3A_59 = arith.addf %div3A_56, %add3A_58 : vector<2560x1xf32>
    %rsqrt3A = math.rsqrt %add3A_59 : vector<2560x1xf32>
    %mul3A_60 = vector.broadcast %rsqrt3A : vector<2560x1xf32> to vector<2560x128xf32>
    %mul3A_61 = arith.mulf %add3A_53, %mul3A_60 : vector<2560x128xf32>
    %get3A_62 = arith.constant 0 : index
    %get3A_63 = arith.constant 0 : index
    %get3A_64 = vector.load %arg11[%get3A_62, %get3A_63] : memref<1x128xf32, #tpu.memory_space<vmem>>, vector<1x128xf32>
    %add3A_65 = arith.constant 1.000000e+00 : f32
    %add3A_66 = vector.broadcast %add3A_65 : f32 to vector<1x128xf32>
    %add3A_67 = arith.addf %add3A_66, %get3A_64 : vector<1x128xf32>
    %mul3A_68 = vector.broadcast %add3A_67 : vector<1x128xf32> to vector<2560x128xf32>
    %mul3A_69 = arith.mulf %mul3A_61, %mul3A_68 : vector<2560x128xf32>
    %swap3A = arith.constant 0 : index
    %swap3A_70 = arith.constant 0 : index
    %swap3A_71 = vector.load %arg12[%swap3A, %swap3A_70] : memref<2560x128xf32, #tpu.memory_space<vmem>>, vector<2560x128xf32>
    tpu.vector_store %arg12[%swap3A, %swap3A_70], %mul3A_69 {strides = array<i32>} : memref<2560x128xf32, #tpu.memory_space<vmem>>, vector<2560x128xf32>,
    %add3A_72 = arith.addf %get3A_1, %mul3A_69 : vector<2560x128xf32>
    %swap3A_73 = arith.constant 0 : index
    %swap3A_74 = arith.constant 0 : index
    %swap3A_75 = vector.load %arg13[%swap3A_73, %swap3A_74] : memref<2560x128xf32, #tpu.memory_space<vmem>>, vector<2560x128xf32>
    tpu.vector_store %arg13[%swap3A_73, %swap3A_74], %add3A_72 {strides = array<i32>} : memref<2560x128xf32, #tpu.memory_space<vmem>>, vector<2560x128xf32>,
    return
  }
  func.func @transform_0(%arg0: i32) -> (i32, i32) {
    %c0_i32 = arith.constant 0 : i32
    %c0_i32_0 = arith.constant 0 : i32
    return %arg0, %c0_i32 : i32, i32
  }
  func.func @transform_1(%arg0: i32) -> (i32, i32) {
    %c0_i32 = arith.constant 0 : i32
    %c0_i32_0 = arith.constant 0 : i32
    return %arg0, %c0_i32 : i32, i32
  }
  func.func @transform_2(%arg0: i32) -> (i32, i32, i32) {
    %c0_i32 = arith.constant 0 : i32
    %c0_i32_0 = arith.constant 0 : i32
    %c0_i32_1 = arith.constant 0 : i32
    %c0_i32_2 = arith.constant 0 : i32
    return %c0_i32, %c0_i32_0, %c0_i32_1 : i32, i32, i32
  }
  func.func @transform_3(%arg0: i32) -> (i32, i32) {
    %c0_i32 = arith.constant 0 : i32
    %c0_i32_0 = arith.constant 0 : i32
    %c0_i32_1 = arith.constant 0 : i32
    return %c0_i32, %c0_i32_0 : i32, i32
  }
  func.func @transform_4(%arg0: i32) -> (i32, i32) {
    %c0_i32 = arith.constant 0 : i32
    %c0_i32_0 = arith.constant 0 : i32
    %c0_i32_1 = arith.constant 0 : i32
    return %c0_i32, %c0_i32_0 : i32, i32
  }
  func.func @transform_5(%arg0: i32) -> (i32, i32) {
    %c0_i32 = arith.constant 0 : i32
    %c0_i32_0 = arith.constant 0 : i32
    %c0_i32_1 = arith.constant 0 : i32
    return %c0_i32, %c0_i32_0 : i32, i32
  }
  func.func @transform_6(%arg0: i32) -> (i32, i32) {
    %c0_i32 = arith.constant 0 : i32
    %c0_i32_0 = arith.constant 0 : i32
    %c0_i32_1 = arith.constant 0 : i32
    return %c0_i32, %c0_i32_0 : i32, i32
  }
  func.func @transform_7(%arg0: i32) -> (i32, i32) {
    %c0_i32 = arith.constant 0 : i32
    %c0_i32_0 = arith.constant 0 : i32
    %c0_i32_1 = arith.constant 0 : i32
    return %c0_i32, %c0_i32_0 : i32, i32
  }
  func.func @transform_8(%arg0: i32) -> (i32, i32) {
    %c0_i32 = arith.constant 0 : i32
    %c0_i32_0 = arith.constant 0 : i32
    %c0_i32_1 = arith.constant 0 : i32
    return %c0_i32, %c0_i32_0 : i32, i32
  }
  func.func @transform_9(%arg0: i32) -> (i32, i32) {
    %c0_i32 = arith.constant 0 : i32
    %c0_i32_0 = arith.constant 0 : i32
    %c0_i32_1 = arith.constant 0 : i32
    return %c0_i32, %c0_i32_0 : i32, i32
  }
  func.func @transform_10(%arg0: i32) -> (i32, i32) {
    %c0_i32 = arith.constant 0 : i32
    %c0_i32_0 = arith.constant 0 : i32
    %c0_i32_1 = arith.constant 0 : i32
    return %c0_i32, %c0_i32_0 : i32, i32
  }
  func.func @transform_11(%arg0: i32) -> (i32, i32) {
    %c0_i32 = arith.constant 0 : i32
    %c0_i32_0 = arith.constant 0 : i32
    return %arg0, %c0_i32 : i32, i32
  }
  func.func @transform_12(%arg0: i32) -> (i32, i32) {
    %c0_i32 = arith.constant 0 : i32
    %c0_i32_0 = arith.constant 0 : i32
    return %arg0, %c0_i32 : i32, i32
  }
}

module attributes {stable_mosaic.version = 14 : i64} {
  func.func @_a_body(%arg0: i32, %arg1: i32, %arg2: memref<2000x128xf32, #tpu.memory_space<vmem>>, %arg3: memref<1x128x128xf32, #tpu.memory_space<vmem>>, %arg4: memref<2000x128xf32, #tpu.memory_space<vmem>>) attributes {dimension_semantics = [#tpu.dimension_semantics<arbitrary>, #tpu.dimension_semantics<arbitrary>], iteration_bounds = array<i64: 2, 5>, scalar_prefetch = 0 : i64, scratch_operands = 0 : i64, tpu.core_type = #tpu.core_type<tc>, window_params = [{transform_indices = @transform_0, window_bounds = array<i64: 2000, 128>}, {transform_indices = @transform_1, window_bounds = array<i64: 1, 128, 128>}, {transform_indices = @transform_2, window_bounds = array<i64: 2000, 128>}]} {
    %get3A = arith.constant 0 : index
    %get3A_0 = arith.constant 0 : index
    %get3A_1 = vector.load %arg2[%get3A, %get3A_0] : memref<2000x128xf32, #tpu.memory_space<vmem>>, vector<2000x128xf32>
    %get3A_2 = arith.constant 0 : index
    %get3A_3 = arith.constant 0 : index
    %get3A_4 = arith.constant 0 : index
    %get3A_5 = vector.load %arg3[%get3A_2, %get3A_3, %get3A_4] : memref<1x128x128xf32, #tpu.memory_space<vmem>>, vector<1x128x128xf32>
    %get3A_6 = vector.shape_cast %get3A_5 : vector<1x128x128xf32> to vector<128x128xf32>
    %dot_general3A = arith.constant dense<0.000000e+00> : vector<2000x128xf32>
    %dot_general3A_7 = tpu.matmul %get3A_1, %get3A_6, %dot_general3A {dimension_numbers = #tpu.dot_dimension_numbers<[1], [0], [0], [1], [0, 0, 1, 1], [], []>, transpose_lhs_hint = false} : vector<2000x128xf32>, vector<128x128xf32>, vector<2000x128xf32> -> vector<2000x128xf32>
    %swap3A = arith.constant 0 : index
    %swap3A_8 = arith.constant 0 : index
    %swap3A_9 = vector.load %arg4[%swap3A, %swap3A_8] : memref<2000x128xf32, #tpu.memory_space<vmem>>, vector<2000x128xf32>
    tpu.vector_store %arg4[%swap3A, %swap3A_8], %dot_general3A_7 {strides = array<i32>} : memref<2000x128xf32, #tpu.memory_space<vmem>>, vector<2000x128xf32>,
    return
  }
  func.func @transform_0(%arg0: i32, %arg1: i32) -> (i32, i32) {
    %c0_i32 = arith.constant 0 : i32
    %c0_i32_0 = arith.constant 0 : i32
    return %arg1, %c0_i32 : i32, i32
  }
  func.func @transform_1(%arg0: i32, %arg1: i32) -> (i32, i32, i32) {
    %add3A = arith.constant 1 : i32
    %add3A_0 = arith.addi %arg0, %add3A : i32
    %c0_i32 = arith.constant 0 : i32
    %c0_i32_1 = arith.constant 0 : i32
    %c0_i32_2 = arith.constant 0 : i32
    return %add3A_0, %c0_i32, %c0_i32_1 : i32, i32, i32
  }
  func.func @transform_2(%arg0: i32, %arg1: i32) -> (i32, i32) {
    %mul3A = arith.constant 5 : i32
    %mul3A_0 = arith.muli %arg0, %mul3A : i32
    %add3A = arith.addi %mul3A_0, %arg1 : i32
    %c0_i32 = arith.constant 0 : i32
    %c0_i32_1 = arith.constant 0 : i32
    return %add3A, %c0_i32 : i32, i32
  }
}

module attributes {stable_mosaic.version = 14 : i64} {
  func.func @_e_body(%arg0: i32, %arg1: memref<2000x128xf32, #tpu.memory_space<vmem>>, %arg2: memref<1x2000x128xf32, #tpu.memory_space<vmem>>, %arg3: memref<1x2000x128xf32, #tpu.memory_space<vmem>>, %arg4: memref<2x128x128xf32, #tpu.memory_space<vmem>>, %arg5: memref<128x128xf32, #tpu.memory_space<vmem>>, %arg6: memref<128x128xf32, #tpu.memory_space<vmem>>, %arg7: memref<128x128xf32, #tpu.memory_space<vmem>>, %arg8: memref<1x128xf32, #tpu.memory_space<vmem>>, %arg9: memref<1x128xf32, #tpu.memory_space<vmem>>, %arg10: memref<1x128xf32, #tpu.memory_space<vmem>>, %arg11: memref<1x128xf32, #tpu.memory_space<vmem>>, %arg12: memref<1x128xf32, #tpu.memory_space<vmem>>, %arg13: memref<2000x128xf32, #tpu.memory_space<vmem>>) attributes {dimension_semantics = [#tpu.dimension_semantics<arbitrary>], iteration_bounds = array<i64: 5>, scalar_prefetch = 0 : i64, scratch_operands = 0 : i64, tpu.core_type = #tpu.core_type<tc>, window_params = [{transform_indices = @transform_0, window_bounds = array<i64: 2000, 128>}, {transform_indices = @transform_1, window_bounds = array<i64: 1, 2000, 128>}, {transform_indices = @transform_2, window_bounds = array<i64: 1, 2000, 128>}, {pipeline_mode = #tpu.pipeline_mode<synchronous>, transform_indices = @transform_3, window_bounds = array<i64: 2, 128, 128>}, {pipeline_mode = #tpu.pipeline_mode<synchronous>, transform_indices = @transform_4, window_bounds = array<i64: 128, 128>}, {pipeline_mode = #tpu.pipeline_mode<synchronous>, transform_indices = @transform_5, window_bounds = array<i64: 128, 128>}, {pipeline_mode = #tpu.pipeline_mode<synchronous>, transform_indices = @transform_6, window_bounds = array<i64: 128, 128>}, {pipeline_mode = #tpu.pipeline_mode<synchronous>, transform_indices = @transform_7, window_bounds = array<i64: 1, 128>}, {pipeline_mode = #tpu.pipeline_mode<synchronous>, transform_indices = @transform_8, window_bounds = array<i64: 1, 128>}, {pipeline_mode = #tpu.pipeline_mode<synchronous>, transform_indices = @transform_9, window_bounds = array<i64: 1, 128>}, {pipeline_mode = #tpu.pipeline_mode<synchronous>, transform_indices = @transform_10, window_bounds = array<i64: 1, 128>}, {pipeline_mode = #tpu.pipeline_mode<synchronous>, transform_indices = @transform_11, window_bounds = array<i64: 1, 128>}, {transform_indices = @transform_12, window_bounds = array<i64: 2000, 128>}]} {
    %get3A = arith.constant 0 : index
    %get3A_0 = arith.constant 0 : index
    %get3A_1 = vector.load %arg1[%get3A, %get3A_0] : memref<2000x128xf32, #tpu.memory_space<vmem>>, vector<2000x128xf32>
    %get3A_2 = arith.constant 0 : index
    %get3A_3 = arith.constant 0 : index
    %get3A_4 = arith.constant 0 : index
    %get3A_5 = vector.load %arg2[%get3A_2, %get3A_3, %get3A_4] : memref<1x2000x128xf32, #tpu.memory_space<vmem>>, vector<1x2000x128xf32>
    %get3A_6 = vector.shape_cast %get3A_5 : vector<1x2000x128xf32> to vector<2000x128xf32>
    %get3A_7 = arith.constant 0 : index
    %get3A_8 = arith.constant 0 : index
    %get3A_9 = arith.constant 0 : index
    %get3A_10 = vector.load %arg3[%get3A_7, %get3A_8, %get3A_9] : memref<1x2000x128xf32, #tpu.memory_space<vmem>>, vector<1x2000x128xf32>
    %get3A_11 = vector.shape_cast %get3A_10 : vector<1x2000x128xf32> to vector<2000x128xf32>
    %add3A = arith.addf %get3A_6, %get3A_11 : vector<2000x128xf32>
    %get3A_12 = arith.constant 0 : index
    %get3A_13 = arith.constant 0 : index
    %get3A_14 = arith.constant 0 : index
    %get3A_15 = vector.load %arg4[%get3A_12, %get3A_13, %get3A_14] : memref<2x128x128xf32, #tpu.memory_space<vmem>>, vector<1x128x128xf32>
    %get3A_16 = vector.shape_cast %get3A_15 : vector<1x128x128xf32> to vector<128x128xf32>
    %dot_general3A = arith.constant dense<0.000000e+00> : vector<2000x128xf32>
    %dot_general3A_17 = tpu.matmul %get3A_1, %get3A_16, %dot_general3A {dimension_numbers = #tpu.dot_dimension_numbers<[1], [0], [0], [1], [0, 0, 1, 1], [], []>, transpose_lhs_hint = false} : vector<2000x128xf32>, vector<128x128xf32>, vector<2000x128xf32> -> vector<2000x128xf32>
    %get3A_18 = arith.constant 1 : index
    %get3A_19 = arith.constant 0 : index
    %get3A_20 = arith.constant 0 : index
    %get3A_21 = vector.load %arg4[%get3A_18, %get3A_19, %get3A_20] : memref<2x128x128xf32, #tpu.memory_space<vmem>>, vector<1x128x128xf32>
    %get3A_22 = vector.shape_cast %get3A_21 : vector<1x128x128xf32> to vector<128x128xf32>
    %dot_general3A_23 = arith.constant dense<0.000000e+00> : vector<2000x128xf32>
    %dot_general3A_24 = tpu.matmul %add3A, %get3A_22, %dot_general3A_23 {dimension_numbers = #tpu.dot_dimension_numbers<[1], [0], [0], [1], [0, 0, 1, 1], [], []>, transpose_lhs_hint = false} : vector<2000x128xf32>, vector<128x128xf32>, vector<2000x128xf32> -> vector<2000x128xf32>
    %add3A_25 = arith.addf %dot_general3A_17, %dot_general3A_24 : vector<2000x128xf32>
    %get3A_26 = arith.constant 0 : index
    %get3A_27 = arith.constant 0 : index
    %get3A_28 = vector.load %arg8[%get3A_26, %get3A_27] : memref<1x128xf32, #tpu.memory_space<vmem>>, vector<1x128xf32>
    %add3A_29 = vector.broadcast %get3A_28 : vector<1x128xf32> to vector<2000x128xf32>
    %add3A_30 = arith.addf %add3A_25, %add3A_29 : vector<2000x128xf32>
    %max3A = arith.constant 0.000000e+00 : f32
    %max3A_31 = vector.broadcast %max3A : f32 to vector<2000x128xf32>
    %max3A_32 = arith.maximumf %add3A_30, %max3A_31 : vector<2000x128xf32>
    %get3A_33 = arith.constant 0 : index
    %get3A_34 = arith.constant 0 : index
    %get3A_35 = vector.load %arg5[%get3A_33, %get3A_34] : memref<128x128xf32, #tpu.memory_space<vmem>>, vector<128x128xf32>
    %dot_general3A_36 = arith.constant dense<0.000000e+00> : vector<2000x128xf32>
    %dot_general3A_37 = tpu.matmul %max3A_32, %get3A_35, %dot_general3A_36 {dimension_numbers = #tpu.dot_dimension_numbers<[1], [0], [0], [1], [0, 0, 1, 1], [], []>, transpose_lhs_hint = false} : vector<2000x128xf32>, vector<128x128xf32>, vector<2000x128xf32> -> vector<2000x128xf32>
    %get3A_38 = arith.constant 0 : index
    %get3A_39 = arith.constant 0 : index
    %get3A_40 = vector.load %arg9[%get3A_38, %get3A_39] : memref<1x128xf32, #tpu.memory_space<vmem>>, vector<1x128xf32>
    %add3A_41 = vector.broadcast %get3A_40 : vector<1x128xf32> to vector<2000x128xf32>
    %add3A_42 = arith.addf %dot_general3A_37, %add3A_41 : vector<2000x128xf32>
    %max3A_43 = arith.constant 0.000000e+00 : f32
    %max3A_44 = vector.broadcast %max3A_43 : f32 to vector<2000x128xf32>
    %max3A_45 = arith.maximumf %add3A_42, %max3A_44 : vector<2000x128xf32>
    %get3A_46 = arith.constant 0 : index
    %get3A_47 = arith.constant 0 : index
    %get3A_48 = vector.load %arg6[%get3A_46, %get3A_47] : memref<128x128xf32, #tpu.memory_space<vmem>>, vector<128x128xf32>
    %dot_general3A_49 = arith.constant dense<0.000000e+00> : vector<2000x128xf32>
    %dot_general3A_50 = tpu.matmul %max3A_45, %get3A_48, %dot_general3A_49 {dimension_numbers = #tpu.dot_dimension_numbers<[1], [0], [0], [1], [0, 0, 1, 1], [], []>, transpose_lhs_hint = false} : vector<2000x128xf32>, vector<128x128xf32>, vector<2000x128xf32> -> vector<2000x128xf32>
    %get3A_51 = arith.constant 0 : index
    %get3A_52 = arith.constant 0 : index
    %get3A_53 = vector.load %arg10[%get3A_51, %get3A_52] : memref<1x128xf32, #tpu.memory_space<vmem>>, vector<1x128xf32>
    %add3A_54 = vector.broadcast %get3A_53 : vector<1x128xf32> to vector<2000x128xf32>
    %add3A_55 = arith.addf %dot_general3A_50, %add3A_54 : vector<2000x128xf32>
    %max3A_56 = arith.constant 0.000000e+00 : f32
    %max3A_57 = vector.broadcast %max3A_56 : f32 to vector<2000x128xf32>
    %max3A_58 = arith.maximumf %add3A_55, %max3A_57 : vector<2000x128xf32>
    %get3A_59 = arith.constant 0 : index
    %get3A_60 = arith.constant 0 : index
    %get3A_61 = vector.load %arg7[%get3A_59, %get3A_60] : memref<128x128xf32, #tpu.memory_space<vmem>>, vector<128x128xf32>
    %dot_general3A_62 = arith.constant dense<0.000000e+00> : vector<2000x128xf32>
    %dot_general3A_63 = tpu.matmul %max3A_58, %get3A_61, %dot_general3A_62 {dimension_numbers = #tpu.dot_dimension_numbers<[1], [0], [0], [1], [0, 0, 1, 1], [], []>, transpose_lhs_hint = false} : vector<2000x128xf32>, vector<128x128xf32>, vector<2000x128xf32> -> vector<2000x128xf32>
    %get3A_64 = arith.constant 0 : index
    %get3A_65 = arith.constant 0 : index
    %get3A_66 = vector.load %arg11[%get3A_64, %get3A_65] : memref<1x128xf32, #tpu.memory_space<vmem>>, vector<1x128xf32>
    %add3A_67 = vector.broadcast %get3A_66 : vector<1x128xf32> to vector<2000x128xf32>
    %add3A_68 = arith.addf %dot_general3A_63, %add3A_67 : vector<2000x128xf32>
    %mul3A = arith.mulf %add3A_68, %add3A_68 : vector<2000x128xf32>
    %reduce_sum3A = arith.constant dense<0.000000e+00> : vector<2000xf32>
    %reduce_sum3A_69 = vector.multi_reduction <add>, %mul3A, %reduce_sum3A [1] : vector<2000x128xf32> to vector<2000xf32>
    %broadcast_in_dim3A = vector.shape_cast %reduce_sum3A_69 : vector<2000xf32> to vector<2000x1xf32>
    %div3A = arith.constant 1.280000e+02 : f32
    %div3A_70 = vector.broadcast %div3A : f32 to vector<2000x1xf32>
    %div3A_71 = arith.divf %broadcast_in_dim3A, %div3A_70 : vector<2000x1xf32>
    %add3A_72 = arith.constant 9.99999997E-7 : f32
    %add3A_73 = vector.broadcast %add3A_72 : f32 to vector<2000x1xf32>
    %add3A_74 = arith.addf %div3A_71, %add3A_73 : vector<2000x1xf32>
    %rsqrt3A = math.rsqrt %add3A_74 : vector<2000x1xf32>
    %mul3A_75 = vector.broadcast %rsqrt3A : vector<2000x1xf32> to vector<2000x128xf32>
    %mul3A_76 = arith.mulf %add3A_68, %mul3A_75 : vector<2000x128xf32>
    %get3A_77 = arith.constant 0 : index
    %get3A_78 = arith.constant 0 : index
    %get3A_79 = vector.load %arg12[%get3A_77, %get3A_78] : memref<1x128xf32, #tpu.memory_space<vmem>>, vector<1x128xf32>
    %add3A_80 = arith.constant 1.000000e+00 : f32
    %add3A_81 = vector.broadcast %add3A_80 : f32 to vector<1x128xf32>
    %add3A_82 = arith.addf %add3A_81, %get3A_79 : vector<1x128xf32>
    %mul3A_83 = vector.broadcast %add3A_82 : vector<1x128xf32> to vector<2000x128xf32>
    %mul3A_84 = arith.mulf %mul3A_76, %mul3A_83 : vector<2000x128xf32>
    %add3A_85 = arith.addf %get3A_1, %mul3A_84 : vector<2000x128xf32>
    %swap3A = arith.constant 0 : index
    %swap3A_86 = arith.constant 0 : index
    %swap3A_87 = vector.load %arg13[%swap3A, %swap3A_86] : memref<2000x128xf32, #tpu.memory_space<vmem>>, vector<2000x128xf32>
    tpu.vector_store %arg13[%swap3A, %swap3A_86], %add3A_85 {strides = array<i32>} : memref<2000x128xf32, #tpu.memory_space<vmem>>, vector<2000x128xf32>,
    return
  }
  func.func @transform_0(%arg0: i32) -> (i32, i32) {
    %c0_i32 = arith.constant 0 : i32
    %c0_i32_0 = arith.constant 0 : i32
    return %arg0, %c0_i32 : i32, i32
  }
  func.func @transform_1(%arg0: i32) -> (i32, i32, i32) {
    %c0_i32 = arith.constant 0 : i32
    %c0_i32_0 = arith.constant 0 : i32
    %c0_i32_1 = arith.constant 0 : i32
    return %c0_i32, %arg0, %c0_i32_0 : i32, i32, i32
  }
  func.func @transform_2(%arg0: i32) -> (i32, i32, i32) {
    %c1_i32 = arith.constant 1 : i32
    %c0_i32 = arith.constant 0 : i32
    %c0_i32_0 = arith.constant 0 : i32
    return %c1_i32, %arg0, %c0_i32 : i32, i32, i32
  }
  func.func @transform_3(%arg0: i32) -> (i32, i32, i32) {
    %c0_i32 = arith.constant 0 : i32
    %c0_i32_0 = arith.constant 0 : i32
    %c0_i32_1 = arith.constant 0 : i32
    %c0_i32_2 = arith.constant 0 : i32
    return %c0_i32, %c0_i32_0, %c0_i32_1 : i32, i32, i32
  }
  func.func @transform_4(%arg0: i32) -> (i32, i32) {
    %c0_i32 = arith.constant 0 : i32
    %c0_i32_0 = arith.constant 0 : i32
    %c0_i32_1 = arith.constant 0 : i32
    return %c0_i32, %c0_i32_0 : i32, i32
  }
  func.func @transform_5(%arg0: i32) -> (i32, i32) {
    %c0_i32 = arith.constant 0 : i32
    %c0_i32_0 = arith.constant 0 : i32
    %c0_i32_1 = arith.constant 0 : i32
    return %c0_i32, %c0_i32_0 : i32, i32
  }
  func.func @transform_6(%arg0: i32) -> (i32, i32) {
    %c0_i32 = arith.constant 0 : i32
    %c0_i32_0 = arith.constant 0 : i32
    %c0_i32_1 = arith.constant 0 : i32
    return %c0_i32, %c0_i32_0 : i32, i32
  }
  func.func @transform_7(%arg0: i32) -> (i32, i32) {
    %c0_i32 = arith.constant 0 : i32
    %c0_i32_0 = arith.constant 0 : i32
    %c0_i32_1 = arith.constant 0 : i32
    return %c0_i32, %c0_i32_0 : i32, i32
  }
  func.func @transform_8(%arg0: i32) -> (i32, i32) {
    %c0_i32 = arith.constant 0 : i32
    %c0_i32_0 = arith.constant 0 : i32
    %c0_i32_1 = arith.constant 0 : i32
    return %c0_i32, %c0_i32_0 : i32, i32
  }
  func.func @transform_9(%arg0: i32) -> (i32, i32) {
    %c0_i32 = arith.constant 0 : i32
    %c0_i32_0 = arith.constant 0 : i32
    %c0_i32_1 = arith.constant 0 : i32
    return %c0_i32, %c0_i32_0 : i32, i32
  }
  func.func @transform_10(%arg0: i32) -> (i32, i32) {
    %c0_i32 = arith.constant 0 : i32
    %c0_i32_0 = arith.constant 0 : i32
    %c0_i32_1 = arith.constant 0 : i32
    return %c0_i32, %c0_i32_0 : i32, i32
  }
  func.func @transform_11(%arg0: i32) -> (i32, i32) {
    %c0_i32 = arith.constant 0 : i32
    %c0_i32_0 = arith.constant 0 : i32
    %c0_i32_1 = arith.constant 0 : i32
    return %c0_i32, %c0_i32_0 : i32, i32
  }
  func.func @transform_12(%arg0: i32) -> (i32, i32) {
    %c0_i32 = arith.constant 0 : i32
    %c0_i32_0 = arith.constant 0 : i32
    return %arg0, %c0_i32 : i32, i32
  }
}

</mosaic_0001>

<sc_bundles>
// kernel: kernel.10.cloned.1.call-start
scs
__scs_entry_jumppad:
0x0: {  	(pc) =	sbr.rel $0x88, $3  }
0x1: {  	(tag) =	ssettag $0x0;
	lr =	simm.s32 $0x1  }
0x2: {  	[smem:$0x3F8B] =	sst lr;
	_ =	strace $0xD0000000  }
0x3: {  	_ = 	snop  }
0x4: {  	_ = 	snop  }
0x5: {  	_ = 	snop  }
0x6: {  	_ = 	snop  }
0x7: {  	_ = 	snop  }
__scs_overlays_trampoline_lowered:
0x8: {  	[smem:$0x3F9A] =	sst s0  }
0x9: {  	[smem:$0x3F9B] =	sst s1  }
0xa: {  	[smem:$0x3F9C] =	sst s2  }
0xb: {  	[smem:$0x3F9D] =	sst s3  }
0xc: {  	[smem:$0x3F9E] =	sst s4  }
0xd: {  	[smem:$0x3F9F] =	sst s5  }
0xe: {  	[smem:$0x3FA0] =	sst s6  }
0xf: {  	[smem:$0x3FA1] =	sst s7  }
0x10: {  	[smem:$0x3FA2] =	sst s8  }
0x11: {  	[smem:$0x3FA3] =	sst s9;
	s0 =	simm.s32 @!p0 $0x0  }
0x12: {  	s1 =	sld [smem:$0x3F89];
	s0 =	simm.s32 @p0 $0x1  }
0x13: {  	[smem:$0x3FA4] =	sst s0;
	s0 =	simm.s32 @!p1 $0x0  }
0x14: {  	s2 =	sld [smem:$0x3F88];
	s0 =	simm.s32 @p1 $0x1  }
0x15: {  	[smem:$0x3FA5] =	sst s0;
	s0 =	simm.s32 @!p2 $0x0  }
0x16: {  	s3 =	sld [smem:$0x3FDB];
	s0 =	simm.s32 @p2 $0x1  }
0x17: {  	s4 =	simm.s32 $0x1BF5;
	[smem:$0x3FA7] =	sst s0  }
0x18: {  	s0 =	sld [smem:$0x3F8A];
	_ =	swait.ge [sflag:s4], $0x0  }
0x19: {  	s7 =	sld [smem:$0x3F8B]  }
0x1a: {  	s8 =	sadd.s32 $0xFFFFE003, lr  }
0x1b: {  	s9 =	sadd.s32 $0xFFFFFEF7, lr;
	s5 =	simm.s32 $0xFFFFFFFF;
	p2 =	slt.u32 s8, $0xFFFFF086  }
0x1c: {  	p1 =	slt.u32 s9, $0xF7A;
	s5 =	simm.s32 @!p2 $0x0  }
0x1d: {  	s5 =	simm.s32 @p1 $0x1;
	p0 =	seq.s32 s7, s2  }
0x1e: {  	s7 =	smul.u32 @!p0 $0xF7A, s2;
	p2 =	seq.s32 @!p0 s5, $0x0  }
0x1f: {  	s9 =	smul.u32 $0xF7A, s1;
	s8 =	simm.s32 @!p0 $0x1BF5;
	p2 =	por !p2, p0  }
0x20: {  	[sflag:s8] =	ssyncset.s32 @!p0 $0xFFFFF086;
	s6 =	sadd.s32 @!p0 s3, s7;
	s7 =	simm.s32 @!p0 $0x108  }
0x21: {  	s3 =	sadd.s32 s3, s9;
	s6 =	sadd.s32 @!p0 $0x88, s6;
	s7 =	simm.s32 @p2 $0x1082  }
0x22: {  	[simem:s7], [sflag:s8] =	dma.local @!p0 [hbm:s6], $0xF7A  }
0x23: {  	s9 =	sor.u32 $0xD0000000, s2;
	s6 =	simm.s32 $0x108;
	_ =	swait.ge @!p0 [sflag:s8], $0x0  }
0x24: {  	s3 =	sadd.s32 $0x88, s3;
	s6 =	simm.s32 @!p1 $0x1082;
	[sflag:s4] =	ssyncset.s32 $0xFFFFF086  }
0x25: {  	[simem:s6], [sflag:s4] =	dma.local [hbm:s3], $0xF7A  }
0x26: {  	[smem:$0x3F8B] =	sst s1;
	(tag) =	ssettag s2;
	_ =	strace s9  }
0x27: {  	s1 =	sld [smem:$0x3F9B]  }
0x28: {  	s2 =	sld [smem:$0x3F9C]  }
0x29: {  	s4 =	sld [smem:$0x3F9E]  }
0x2a: {  	p0 =	seq.s32 s5, $0x0;
	s5 =	sld [smem:$0x3F9F]  }
0x2b: {  	s6 =	sld [smem:$0x3FA0]  }
0x2c: {  	s7 =	sld [smem:$0x3FA1]  }
0x2d: {  	s3 =	simm.s32 $0x108;
	s8 =	sld [smem:$0x3FA2]  }
0x2e: {  	s3 =	simm.s32 @!p0 $0x1082;
	s9 =	sld [smem:$0x3FA3]  }
0x2f: {  	lr =	sadd.s32 s0, s3;
	s0 =	sld [smem:$0x3F9A]  }
0x30: {  	s3 =	sld [smem:$0x3F9D]  }
0x31: {  	[smem:$0x3FA6] =	sst s10  }
0x32: {  	s10 =	sld [smem:$0x3FA4];
	_ =	sdelay $0x3  }
0x33: {  	p0 =	seq.s32 s10, $0x1;
	s10 =	sld [smem:$0x3FA6];
	_ =	sdelay $0x3  }
0x34: {  	[smem:$0x3FA6] =	sst s10  }
0x35: {  	s10 =	sld [smem:$0x3FA5];
	_ =	sdelay $0x3  }
0x36: {  	p1 =	seq.s32 s10, $0x1;
	s10 =	sld [smem:$0x3FA6];
	_ =	sdelay $0x3  }
0x37: {  	[smem:$0x3FA6] =	sst s10  }
0x38: {  	s10 =	sld [smem:$0x3FA7]  }
0x39: {  	_ = 	snop;
	(pc) =	sbr.ind lr, $3  }
0x3a: {  	_ = 	snop  }
0x3b: {  	_ = 	snop  }
0x3c: {  	p2 =	seq.s32 s10, $0x1;
	s10 =	sld [smem:$0x3FA6]  }
0x3d: {  	_ =	shalt  }
0x3e: {  	_ =	shalt  }
0x3f: {  	_ =	shalt  }
0x40: {  	_ =	shalt  }
0x41: {  	_ =	shalt  }
0x42: {  	_ =	shalt  }
0x43: {  	_ =	shalt  }
0x44: {  	_ =	shalt  }
0x45: {  	_ =	shalt  }
0x46: {  	_ =	shalt  }
0x47: {  	_ =	shalt  }
0x48: {  	_ =	shalt  }
0x49: {  	_ =	shalt  }
0x4a: {  	_ =	shalt  }
0x4b: {  	_ =	shalt  }
0x4c: {  	_ =	shalt  }
0x4d: {  	_ =	shalt  }
0x4e: {  	_ =	shalt  }
0x4f: {  	_ =	shalt  }
0x50: {  	_ =	shalt  }
0x51: {  	_ =	shalt  }
0x52: {  	_ =	shalt  }
0x53: {  	_ =	shalt  }
0x54: {  	_ =	shalt  }
0x55: {  	_ =	shalt  }
0x56: {  	_ =	shalt  }
0x57: {  	_ =	shalt  }
0x58: {  	_ =	shalt  }
0x59: {  	_ =	shalt  }
0x5a: {  	_ =	shalt  }
0x5b: {  	_ =	shalt  }
0x5c: {  	_ =	shalt  }
0x5d: {  	_ =	shalt  }
0x5e: {  	_ =	shalt  }
0x5f: {  	_ =	shalt  }
0x60: {  	_ =	shalt  }
0x61: {  	_ =	shalt  }
0x62: {  	_ =	shalt  }
0x63: {  	_ =	shalt  }
0x64: {  	_ =	shalt  }
0x65: {  	_ =	shalt  }
0x66: {  	_ =	shalt  }
0x67: {  	_ =	shalt  }
0x68: {  	_ =	shalt  }
0x69: {  	_ =	shalt  }
0x6a: {  	_ =	shalt  }
0x6b: {  	_ =	shalt  }
0x6c: {  	_ =	shalt  }
0x6d: {  	_ =	shalt  }
0x6e: {  	_ =	shalt  }
0x6f: {  	_ =	shalt  }
0x70: {  	_ =	shalt  }
0x71: {  	_ =	shalt  }
0x72: {  	_ =	shalt  }
0x73: {  	_ =	shalt  }
0x74: {  	_ =	shalt  }
0x75: {  	_ =	shalt  }
0x76: {  	_ =	shalt  }
0x77: {  	_ =	shalt  }
0x78: {  	_ =	shalt  }
0x79: {  	_ =	shalt  }
0x7a: {  	_ =	shalt  }
0x7b: {  	_ =	shalt  }
0x7c: {  	_ =	shalt  }
0x7d: {  	_ =	shalt  }
0x7e: {  	_ =	shalt  }
0x7f: {  	_ =	shalt  }
0x80: {  	_ =	shalt  }
0x81: {  	_ =	shalt  }
0x82: {  	_ =	shalt  }
0x83: {  	_ =	shalt  }
0x84: {  	_ =	shalt  }
0x85: {  	_ =	shalt  }
0x86: {  	_ =	shalt  }
0x87: {  	_ =	shalt  }
.Lfunc_end0:
.L_simem_size_0:
called_computation.1_lowered:
.L_overlay_start_0:
0x88: {  	s2 =	sld [smem:$0x3FD9]  }
0x89: {  	s3 =	sld [smem:$0x3FFE];
	_ =	sdelay $0x1  }
0x8a: {  	s1 =	srdreg.scid  }
0x8b: {  	s0 =	sand.u32 $0x1, s1  }
0x8c: {  	s14 =	sshll.u32 s0, $0xA;
	s2 =	sadd.s32 s3, s2  }
0x8d: {  	s2 =	sadd.s32 s2, s14  }
0x8e: {  	[smem:$0x3FB2] =	sst s2  }
0x8f: {  	_ = 	snop  }
0x90: {  	s2 =	sld [smem:$0x3FD0];
	_ =	sdelay $0x2  }
0x91: {  	s15 =	simm.s32 $0xA;
	s4 =	simm.s32 $0x10  }
0x92: {  	[smem:s4], [sflag:s15] =	dma.local [hbm:s2], $0x1  }
0x93: {  	_ =	swait.eq [sflag:s15], $0x1  }
0x94: {  	[sflag:s15] =	ssyncset.done $0x0  }
0x95: {  	[sflag:s15] =	ssyncadd.s32 $0xFFFFFFFF  }
0x96: {  	s16 =	sld [smem:$0x10];
	(tm) =	ssettm $0x1  }
0x97: {  	s17 =	sld [smem:$0x3FFB];
	_ =	sdelay $0x3  }
0x98: {  	_ =	strace s17  }
0x99: {  	s3 =	sld [smem:$0x3FFC];
	_ =	sdelay $0x3  }
0x9a: {  	_ =	strace s3  }
0x9b: {  	s3 =	sld [smem:$0x3FFD];
	_ =	sdelay $0x3  }
0x9c: {  	_ =	strace s3  }
0x9d: {  	_ =	strace $0x8FFFFFFF  }
0x9e: {  	s18 =	sld [smem:$0x3FDB];
	_ =	sdelay $0x1  }
0x9f: {  	s19 =	simm.s32 $_scs_section_size  }
0xa0: {  	s5 =	simm.s32 $_size__tile_overlayer_lowered;
	s6 =	simm.s32 $_tile_overlayer_lowered  }
0xa1: {  	s22 =	simm.s32 $0x1BFF;
	s21 =	sshll.u32 s6, $0x1;
	s3 =	sadd.s32 s19, s18  }
0xa2: {  	s7 =	simm.s32 $0x0;
	s20 =	sshll.u32 s5, $0x1;
	s5 =	sadd.s32 s21, s3  }
0xa3: {  	[timem:s7], [sflag:s22] =	dma.local [hbm:s5], s20  }
0xa4: {  	_ =	swait.ge [sflag:s22], s20  }
0xa5: {  	s4 =	ssub.s32 $0x0, s20;
	[sflag:s22] =	ssyncset.done $0x0  }
0xa6: {  	[sflag:s22] =	ssyncadd.s32 s4;
	_ =	sdelay $0x1  }
0xa7: {  	s23 =	simm.s32 $0x1B8B  }
0xa8: {  	_ =	swait.ge [sflag:s23], $0x1  }
0xa9: {  	[sflag:s23] =	ssyncset.done $0x0  }
0xaa: {  	s25 =	simm.s32 $0x1B8E;
	s24 =	sld [smem:$0x3FFE];
	[sflag:s23] =	ssyncadd.s32 $0xFFFFFFFF  }
0xab: {  	s26 =	simm.s32 $execute0_lowered;
	[smem:$0x3FD2] =	sst s25  }
0xac: {  	s5 =	sshll.u32 s26, $0x1;
	_ =	strace $0x80000049;
	[dreg:$0x1] =	wrdreg $0xFFFFFFFF  }
0xad: {  	s28 =	simm.s32 $_size_execute0_lowered;
	s3 =	sadd.s32 s3, s5;
	[dreg:$0x0] =	wrdreg $0x0  }
0xae: {  	s5 =	sshll.u32 s28, $0x1;
	[dreg:$0x2] =	wrdreg s3  }
0xaf: {  	[dreg:$0x3] =	wrdreg s5  }
0xb0: {  	[dreg:$0x4] =	wrdreg $0xC0  }
0xb1: {  	_ =	task [dreg:s7], $0x5FFFF  }
0xb2: {  	[dreg:$0x1] =	wrdreg $0xFFFFFFFF  }
0xb3: {  	[dreg:$0x0] =	wrdreg $0x60  }
0xb4: {  	[dreg:$0x2] =	wrdreg s24  }
0xb5: {  	[dreg:$0x3] =	wrdreg s16  }
0xb6: {  	[dreg:$0x4] =	wrdreg $0xA8000  }
0xb7: {  	[dreg:$0x5] =	wrdreg $0x9  }
0xb8: {  	_ =	task.clear_ibuf [dreg:s7], $0x6FFFF;
	_ =	strace $0x90000049  }
0xb9: {  	s29 =	simm.s32 $0x9;
	_ =	strace $0x8000004B  }
0xba: {  	_ =	swait.ge [sflag:s29], $0x1  }
0xbb: {  	[sflag:s29] =	ssyncadd.s32 $0xFFFFFFFF  }
0xbc: {  	_ =	strace $0x9000004B  }
0xbd: {  	_ =	sfence  }
0xbe: {  	s30 =	sld [smem:$0x0];
	_ =	sdelay $0x2  }
0xbf: {  	s31 =	sshll.u32 s1, $0xD;
	s1 =	sshrl.u32 s1, $0x2  }
0xc0: {  	s3 =	sand.u32 $0x4000, s31;
	s1 =	sadd.s32 s1, s30  }
0xc1: {  	s0 =	sor.u32 s3, s0;
	s1 =	sshll.u32 s1, $0x11  }
0xc2: {  	s0 =	sor.u32 s1, s0  }
0xc3: {  	s0 =	sadd.s32 $0x8F2B, s0  }
0xc4: {  	[sflag:s0] =	ssyncadd.remote.s32 $0x1  }
0xc5: {  	_ =	sfence.sel $0xFFFF  }
0xc6: {  	[dreg:$0x0] =	wrdreg $0xFFFFFFFF;
	(pc) =	sbr.abs _section_cstart, $3  }
0xc7: {  	[dreg:$0x1] =	wrdreg $0xFFFFFFFF  }
0xc8: {  	_ =	task.clear_ibuf [dreg:s7], $0x2FFFF;
	_ =	strace $0x9FFFFFFF  }
0xc9: {  	(tm) =	ssettm $0x7FFFFFFF  }
tec
execute0_lowered:
.L_overlay_start_1:
0x0: {  	(tag) =	ssettag $0x1  }
0x1: {  	s4 =	rddreg [dreg:$0x0]  }
0x2: {  	s9 =	rddreg [dreg:$0x1]  }
0x3: {  	s2 =	rddreg [dreg:$0x2]  }
0x4: {  	s0 =	srdreg.scid;
	s1 =	rddreg [dreg:$0x3];
	s3 =	simm.s32 $0x0  }
0x5: {  	s18 =	simm.s32 $0x1;
	s19 =	simm.s32 $0x80;
	s10 =	sand.u32 $0x1, s0  }
0x6: {  	s20 =	simm.s32 $0x2;
	s0 =	stileid.u32;
	s5 =	smul.u32 $0x13C000, s10  }
0x7: {  	s21 =	simm.s32 $0x2700;
	s22 =	simm.s32 $0x2780;
	s6 =	smul.u32 $0x13C00, s0  }
0x8: {  	[smem:$0x7FF] =	sst s3;
	s11 =	sadd.s32 $0x503C00, s4;
	s23 =	smul.u32 $0x4F000, s0  }
0x9: {  	_ =	strace $0x8000004A;
	s24 =	sshll.u32 s0, $0x1;
	s17 =	smul.u32 $0x50000, s0  }
0xa: {  	s25 =	ssub.s32 $0x2, s10;
	s30 =	smul.u32 $0x28000, s10;
	s8 =	sor.u32 s10, s24  }
0xb: {  	s28 =	sshrl.u32 s25, $0x1;
	s5 =	sadd.s32 s6, s5;
	s13 =	smul.u32 $0x2800, s8  }
0xc: {  	s26 =	sshrl.u32 s23, $0x2;
	s14 =	ssub.s32 s25, s28;
	s15 =	smul.u32 $0x28000, s8  }
0xd: {  	s16 =	smul.u32 $0x140000, s8;
	s17 =	sadd.s32 s17, s11;
	s23 =	simm.s32 $0x0  }
0xe: {  	s5 =	sshrl.u32 s5, $0x3;
	s31 =	sadd.s32 s30, s17;
	s17 =	simm.s32 $0x6800  }
0xf: {  	s12 =	sadd.s32 s5, s4;
	s4 =	sadd.s32 s26, s2;
	s13 =	sshrl.u32 s13, $0x3  }
0x10: {  	s29 =	sshrl.u32 s16, $0x3;
	s10 =	sadd.s32 s11, s15;
	s15 =	simm.s32 $0x2800  }
0x11: {  	s16 =	simm.s32 $0x3;
	s5 =	sadd.s32 $0x4000, s4;
	s6 =	sadd.s32 $0x8000, s4  }
0x12: {  	s7 =	sadd.s32 $0xC000, s4;
	s8 =	sadd.s32 $0x10000, s4;
	s9 =	sadd.s32 s9, s13  }
0x13: {  	s13 =	sadd.s32 s11, s29;
	s12 =	sadd.s32 $0x3C00, s12;
	s9 =	sadd.s32 $0x14000, s9  }
0x14: {  	v0 =	vimm.f32 $0.0e+00;
	s11 =	sadd.s32 $0x27800, s13;
	s13 =	smax.u32 s14, $0x1;
	s14 =	sadd.s32 $0x1000, s31  }
.LBB2_1:
0x15: {  	s24 =	simm.s32 $0x0;
	s25 =	simm.s32 $0x200  }
.LBB2_2:
0x16: {  	p0 =	sne.s32 s25, $0xFE00;
	[tilespmem:s24+$0x2870] =	vst v0  }
0x17: {  	[tilespmem:s24+$0x2800] =	vst v0  }
0x18: {  	[tilespmem:s24+$0x2810] =	vst v0  }
.Ltmp0:
0x19: {  	[tilespmem:s24+$0x2820] =	vst v0;
	(pc) =	sbr.rel @p0 .LBB2_2-.Ltmp0, $4  }
0x1a: {  	[tilespmem:s24+$0x2830] =	vst v0  }
0x1b: {  	[tilespmem:s24+$0x2840] =	vst v0  }
0x1c: {  	[tilespmem:s24+$0x2850] =	vst v0  }
0x1d: {  	[tilespmem:s24+$0x2860] =	vst v0;
	s24 =	sshra.s32 s25, $0x2;
	s25 =	sadd.s32 $0x200, s25  }
0x1e: {  	[tilespmem:s24+$0x2870] =	vst v0  }
0x1f: {  	[tilespmem:s24+$0x2800] =	vst v0  }
0x20: {  	[tilespmem:s24+$0x2810] =	vst v0  }
0x21: {  	[tilespmem:s24+$0x2820] =	vst v0  }
0x22: {  	[tilespmem:s24+$0x2830] =	vst v0  }
0x23: {  	[tilespmem:s24+$0x2840] =	vst v0  }
0x24: {  	[tilespmem:s24+$0x2850] =	vst v0  }
0x25: {  	[tilespmem:s24+$0x2860] =	vst v0  }
0x26: {  	[spmem:s4] =	stream.linear.scatter [tilespmem:s15], [sflag:$0x3], $0x4000, $0x38;
	[tilespmem:$0x1E400] =	vst v63  }
0x27: {  	_ =	swait.ge [sflag:s16], $0x4000  }
0x28: {  	[sflag:s16] =	ssyncset.done $0x0  }
0x29: {  	[sflag:s16] =	ssyncadd.s32 $0xFFFFC000  }
0x2a: {  	[spmem:s5] =	stream.linear.scatter [tilespmem:s15], [sflag:$0x3], $0x4000, $0x38;
	[tilespmem:$0x1E400] =	vst v63  }
0x2b: {  	_ =	swait.ge [sflag:s16], $0x4000  }
0x2c: {  	[sflag:s16] =	ssyncset.done $0x0  }
0x2d: {  	[sflag:s16] =	ssyncadd.s32 $0xFFFFC000  }
0x2e: {  	[spmem:s6] =	stream.linear.scatter [tilespmem:s15], [sflag:$0x3], $0x4000, $0x38;
	[tilespmem:$0x1E400] =	vst v63  }
0x2f: {  	_ =	swait.ge [sflag:s16], $0x4000  }
0x30: {  	[sflag:s16] =	ssyncset.done $0x0  }
0x31: {  	[sflag:s16] =	ssyncadd.s32 $0xFFFFC000  }
0x32: {  	[spmem:s7] =	stream.linear.scatter [tilespmem:s15], [sflag:$0x3], $0x4000, $0x38;
	[tilespmem:$0x1E400] =	vst v63  }
0x33: {  	_ =	swait.ge [sflag:s16], $0x4000  }
0x34: {  	[sflag:s16] =	ssyncset.done $0x0  }
0x35: {  	[sflag:s16] =	ssyncadd.s32 $0xFFFFC000  }
0x36: {  	[spmem:s8] =	stream.linear.scatter [tilespmem:s15], [sflag:$0x3], $0x3C00, $0x38;
	[tilespmem:$0x1E400] =	vst v63  }
0x37: {  	_ =	swait.ge [sflag:s16], $0x3C00  }
0x38: {  	[sflag:s16] =	ssyncset.done $0x0  }
0x39: {  	[sflag:s16] =	ssyncadd.s32 $0xFFFFC400  }
0x3a: {  	s28 =	simm.s32 $0x0;
	[bflag:$0x0] =	sbarrier.arrive $0xFFFF  }
0x3b: {  	[tilespmem:s28], [sflag:$0x3] =	stream.linear.gather [hbm4b:s9+s28], $0x2800, $0x38;
	[tilespmem:$0x1E400] =	vst v63  }
0x3c: {  	_ =	swait.ge [sflag:s16], $0x2800  }
0x3d: {  	[sflag:s16] =	ssyncset.done $0x0  }
0x3e: {  	[sflag:s16] =	ssyncadd.s32 $0xFFFFD800  }
0x3f: {  	[tilespmem:s15], [sflag:$0x1] =	stream.linear.gather [hbm4b:s10+s28], $0x4000, $0x38;
	[tilespmem:$0x1E400] =	vst v63  }
0x40: {  	s29 =	sadd.s32 $0xFFFFF800, s14  }
0x41: {  	[tilespmem:s17], [sflag:$0x2] =	stream.linear.gather [hbm4b:s29+s3], $0x4000, $0x38;
	[tilespmem:$0x1E400] =	vst v63  }
0x42: {  	_ =	swait.ge [sflag:s18], $0x4000  }
0x43: {  	[sflag:s18] =	ssyncset.done $0x0  }
0x44: {  	s30 =	simm.s32 $0x0;
	[sflag:s18] =	ssyncadd.s32 $0xFFFFC000  }
0x45: {  	[spmem:s2] =	stream.indirect.scatter.add.f32 [tilespmem:s15], [sflag:$0x3], $0x80, s30, s19, $0xb8;
	[tilespmem:$0x1E400] =	vst v63  }
0x46: {  	_ =	swait.ge [sflag:s16], $0x4000  }
0x47: {  	[sflag:s16] =	ssyncset.done $0x0  }
0x48: {  	[sflag:s16] =	ssyncadd.s32 $0xFFFFC000  }
0x49: {  	[tilespmem:s15], [sflag:$0x1] =	stream.linear.gather [hbm4b:s14+s3], $0x4000, $0x38;
	[tilespmem:$0x1E400] =	vst v63  }
0x4a: {  	_ =	swait.ge [sflag:s20], $0x4000  }
0x4b: {  	[sflag:s20] =	ssyncset.done $0x0  }
0x4c: {  	s31 =	simm.s32 $0x80;
	[sflag:s20] =	ssyncadd.s32 $0xFFFFC000  }
0x4d: {  	[spmem:s2] =	stream.indirect.scatter.add.f32 [tilespmem:s17], [sflag:$0x3], $0x80, s31, s19, $0xb8;
	[tilespmem:$0x1E400] =	vst v63  }
0x4e: {  	s25 =	simm.s32 $0x400;
	_ =	swait.ge [sflag:s16], $0x4000  }
0x4f: {  	s26 =	simm.s32 $0x800;
	s24 =	sadd.s32 $0x1000, s14;
	[sflag:s16] =	ssyncset.done $0x0  }
.LBB2_4:
0x50: {  	p0 =	sne.s32 s26, $0x9800;
	s28 =	sadd.s32 $0xFFFFF800, s24;
	[sflag:s16] =	ssyncadd.s32 $0xFFFFC000  }
0x51: {  	[tilespmem:s17], [sflag:$0x2] =	stream.linear.gather [hbm4b:s28+s3], $0x4000, $0x38;
	[tilespmem:$0x1E400] =	vst v63  }
0x52: {  	s28 =	smov.u32 s26;
	s26 =	sadd.s32 $0x400, s26;
	_ =	swait.ge [sflag:s18], $0x4000  }
0x53: {  	[sflag:s18] =	ssyncset.done $0x0  }
0x54: {  	s29 =	sshra.s32 s25, $0x2;
	s25 =	smov.u32 s28;
	[sflag:s18] =	ssyncadd.s32 $0xFFFFC000  }
0x55: {  	[spmem:s2] =	stream.indirect.scatter.add.f32 [tilespmem:s15], [sflag:$0x3], $0x80, s29, s19, $0xb8;
	[tilespmem:$0x1E400] =	vst v63  }
0x56: {  	_ =	swait.ge [sflag:s16], $0x4000  }
0x57: {  	[sflag:s16] =	ssyncset.done $0x0  }
0x58: {  	[sflag:s16] =	ssyncadd.s32 $0xFFFFC000  }
0x59: {  	[tilespmem:s15], [sflag:$0x1] =	stream.linear.gather [hbm4b:s24+s3], $0x4000, $0x38;
	[tilespmem:$0x1E400] =	vst v63  }
0x5a: {  	_ =	swait.ge [sflag:s20], $0x4000  }
.Ltmp1:
0x5b: {  	[sflag:s20] =	ssyncset.done $0x0;
	(pc) =	sbr.rel @p0 .LBB2_4-.Ltmp1, $4  }
0x5c: {  	s28 =	sadd.s32 $0x80, s29;
	[sflag:s20] =	ssyncadd.s32 $0xFFFFC000  }
0x5d: {  	[spmem:s2] =	stream.indirect.scatter.add.f32 [tilespmem:s17], [sflag:$0x3], $0x80, s28, s19, $0xb8;
	[tilespmem:$0x1E400] =	vst v63  }
0x5e: {  	_ =	swait.ge [sflag:s16], $0x4000  }
0x5f: {  	s24 =	sadd.s32 $0x1000, s24;
	[sflag:s16] =	ssyncset.done $0x0  }
0x60: {  	s26 =	sadd.s32 $0xFFFFF800, s24;
	[sflag:s16] =	ssyncadd.s32 $0xFFFFC000  }
0x61: {  	[tilespmem:s17], [sflag:$0x2] =	stream.linear.gather [hbm4b:s26+s3], $0x4000, $0x38;
	[tilespmem:$0x1E400] =	vst v63  }
0x62: {  	_ =	swait.ge [sflag:s18], $0x4000  }
0x63: {  	[sflag:s18] =	ssyncset.done $0x0  }
0x64: {  	s25 =	sshra.s32 s25, $0x2;
	[sflag:s18] =	ssyncadd.s32 $0xFFFFC000  }
0x65: {  	[spmem:s2] =	stream.indirect.scatter.add.f32 [tilespmem:s15], [sflag:$0x3], $0x80, s25, s19, $0xb8;
	[tilespmem:$0x1E400] =	vst v63  }
0x66: {  	_ =	swait.ge [sflag:s16], $0x4000  }
0x67: {  	[sflag:s16] =	ssyncset.done $0x0  }
0x68: {  	[sflag:s16] =	ssyncadd.s32 $0xFFFFC000  }
0x69: {  	[tilespmem:s15], [sflag:$0x1] =	stream.linear.gather [hbm4b:s24+s3], $0x4000, $0x38;
	[tilespmem:$0x1E400] =	vst v63  }
0x6a: {  	_ =	swait.ge [sflag:s20], $0x4000  }
0x6b: {  	[sflag:s20] =	ssyncset.done $0x0  }
0x6c: {  	s29 =	sadd.s32 $0x80, s25;
	[sflag:s20] =	ssyncadd.s32 $0xFFFFC000  }
0x6d: {  	[spmem:s2] =	stream.indirect.scatter.add.f32 [tilespmem:s17], [sflag:$0x3], $0x80, s29, s19, $0xb8;
	[tilespmem:$0x1E400] =	vst v63  }
0x6e: {  	_ =	swait.ge [sflag:s16], $0x4000  }
0x6f: {  	[sflag:s16] =	ssyncset.done $0x0  }
0x70: {  	[sflag:s16] =	ssyncadd.s32 $0xFFFFC000  }
0x71: {  	[tilespmem:s17], [sflag:$0x2] =	stream.linear.gather [hbm4b:s11+s3], $0x4000, $0x38;
	[tilespmem:$0x1E400] =	vst v63  }
0x72: {  	_ =	swait.ge [sflag:s18], $0x4000  }
0x73: {  	[sflag:s18] =	ssyncset.done $0x0  }
0x74: {  	[sflag:s18] =	ssyncadd.s32 $0xFFFFC000  }
0x75: {  	[spmem:s2] =	stream.indirect.scatter.add.f32 [tilespmem:s15], [sflag:$0x3], $0x80, s21, s19, $0xb8;
	[tilespmem:$0x1E400] =	vst v63  }
0x76: {  	_ =	swait.ge [sflag:s16], $0x4000  }
0x77: {  	[sflag:s16] =	ssyncset.done $0x0  }
0x78: {  	[sflag:s16] =	ssyncadd.s32 $0xFFFFC000  }
0x79: {  	_ =	swait.ge [sflag:s20], $0x4000  }
0x7a: {  	[sflag:s20] =	ssyncset.done $0x0  }
0x7b: {  	[sflag:s20] =	ssyncadd.s32 $0xFFFFC000  }
0x7c: {  	[spmem:s2] =	stream.indirect.scatter.add.f32 [tilespmem:s17], [sflag:$0x3], $0x80, s22, s19, $0xb8;
	[tilespmem:$0x1E400] =	vst v63  }
0x7d: {  	_ =	swait.ge [sflag:s16], $0x4000  }
0x7e: {  	s30 =	sshll.u32 s0, $0x6;
	s23 =	sadd.s32 $0x1, s23;
	[sflag:s16] =	ssyncset.done $0x0  }
0x7f: {  	s31 =	sshrl.u32 s4, $0x3;
	p0 =	sne.s32 s23, s13;
	[sflag:s16] =	ssyncadd.s32 $0xFFFFC000  }
.Ltmp2:
0x80: {  	s24 =	sor.u32 $0x1C03, s30;
	[bflag:$0x0] =	sbarrier.arrive $0xFFFF;
	(pc) =	sbr.rel @p0 .LBB2_1-.Ltmp2, $4  }
0x81: {  	[hbm:s12], [sflag:s24] =	dma.local [spmem:s31], $0x2780  }
0x82: {  	_ =	swait.ge [sflag:s16], $0x2780  }
0x83: {  	[sflag:s16] =	ssyncset.done $0x0  }
0x84: {  	[sflag:s16] =	ssyncadd.s32 $0xFFFFD880  }
0x85: {  	_ =	sfence.sel $0x180000  }
0x86: {  	[bflag:$0x0] =	sbarrier.arrive $0xFFFF  }
0x87: {  	p0 =	sne.s32 s0, $0x0;
	_ =	strace $0x9000004A  }
0x88: {  	s0 =	sadd.s32 @!p0 $0x100000, s1;
	[bflag:$0x2] =	sbarrier.arrive $0xFFFF  }
0x89: {  	[sflag:s0] =	ssyncadd.tile.s32 @!p0 $0x1;
	_ =	shalt  }
.Lfunc_end2:
_tile_overlayer_lowered:
.L_overlay_start_2:
0x8a: {  	(tag) =	ssettag $0x2  }
0x8b: {  	s0 =	rddreg [dreg:$0x0];
	s2 =	stileid.u32  }
0x8c: {  	s1 =	rddreg [dreg:$0x1];
	p0 =	sne.s32 s2, $0x0  }
0x8d: {  	s3 =	rddreg [dreg:$0x2];
	[bflag:$0x3] =	sbarrier.arrive $0xFFFF;
	s2 =	simm.s32 @!p0 $0x1C03  }
0x8e: {  	[timem:s3], [sflag:s2] =	dma.local @!p0 [hbm:s0], s1  }
0x8f: {  	s0 =	simm.s32 @!p0 $0x3  }
0x90: {  	_ =	swait.ge @!p0 [sflag:s0], s1  }
0x91: {  	s1 =	ssub.s32 @!p0 $0x0, s1;
	[sflag:s0] =	ssyncset.done @!p0 $0x0  }
0x92: {  	[sflag:s0] =	ssyncadd.s32 @!p0 s1  }
0x93: {  	[bflag:$0x3] =	sbarrier.arrive $0xFFFF  }
0x94: {  	_ =	shalt  }

// kernel: kernel.7.cloned.1.call-start
scs
__scs_entry_jumppad:
0x0: {  	(pc) =	sbr.rel $0x88, $3  }
0x1: {  	(tag) =	ssettag $0x0;
	lr =	simm.s32 $0x1  }
0x2: {  	[smem:$0x3F8B] =	sst lr;
	_ =	strace $0xD0000000  }
0x3: {  	_ = 	snop  }
0x4: {  	_ = 	snop  }
0x5: {  	_ = 	snop  }
0x6: {  	_ = 	snop  }
0x7: {  	_ = 	snop  }
__scs_overlays_trampoline_lowered:
0x8: {  	[smem:$0x3F9A] =	sst s0  }
0x9: {  	[smem:$0x3F9B] =	sst s1  }
0xa: {  	[smem:$0x3F9C] =	sst s2  }
0xb: {  	[smem:$0x3F9D] =	sst s3  }
0xc: {  	[smem:$0x3F9E] =	sst s4  }
0xd: {  	[smem:$0x3F9F] =	sst s5  }
0xe: {  	[smem:$0x3FA0] =	sst s6  }
0xf: {  	[smem:$0x3FA1] =	sst s7  }
0x10: {  	[smem:$0x3FA2] =	sst s8  }
0x11: {  	[smem:$0x3FA3] =	sst s9;
	s0 =	simm.s32 @!p0 $0x0  }
0x12: {  	s1 =	sld [smem:$0x3F89];
	s0 =	simm.s32 @p0 $0x1  }
0x13: {  	[smem:$0x3FA4] =	sst s0;
	s0 =	simm.s32 @!p1 $0x0  }
0x14: {  	s2 =	sld [smem:$0x3F88];
	s0 =	simm.s32 @p1 $0x1  }
0x15: {  	[smem:$0x3FA5] =	sst s0;
	s0 =	simm.s32 @!p2 $0x0  }
0x16: {  	s3 =	sld [smem:$0x3FDB];
	s0 =	simm.s32 @p2 $0x1  }
0x17: {  	s4 =	simm.s32 $0x1BF5;
	[smem:$0x3FA7] =	sst s0  }
0x18: {  	s0 =	sld [smem:$0x3F8A];
	_ =	swait.ge [sflag:s4], $0x0  }
0x19: {  	s7 =	sld [smem:$0x3F8B]  }
0x1a: {  	s8 =	sadd.s32 $0xFFFFE003, lr  }
0x1b: {  	s9 =	sadd.s32 $0xFFFFFEF7, lr;
	s5 =	simm.s32 $0xFFFFFFFF;
	p2 =	slt.u32 s8, $0xFFFFF086  }
0x1c: {  	p1 =	slt.u32 s9, $0xF7A;
	s5 =	simm.s32 @!p2 $0x0  }
0x1d: {  	s5 =	simm.s32 @p1 $0x1;
	p0 =	seq.s32 s7, s2  }
0x1e: {  	s7 =	smul.u32 @!p0 $0xF7A, s2;
	p2 =	seq.s32 @!p0 s5, $0x0  }
0x1f: {  	s9 =	smul.u32 $0xF7A, s1;
	s8 =	simm.s32 @!p0 $0x1BF5;
	p2 =	por !p2, p0  }
0x20: {  	[sflag:s8] =	ssyncset.s32 @!p0 $0xFFFFF086;
	s6 =	sadd.s32 @!p0 s3, s7;
	s7 =	simm.s32 @!p0 $0x108  }
0x21: {  	s3 =	sadd.s32 s3, s9;
	s6 =	sadd.s32 @!p0 $0x88, s6;
	s7 =	simm.s32 @p2 $0x1082  }
0x22: {  	[simem:s7], [sflag:s8] =	dma.local @!p0 [hbm:s6], $0xF7A  }
0x23: {  	s9 =	sor.u32 $0xD0000000, s2;
	s6 =	simm.s32 $0x108;
	_ =	swait.ge @!p0 [sflag:s8], $0x0  }
0x24: {  	s3 =	sadd.s32 $0x88, s3;
	s6 =	simm.s32 @!p1 $0x1082;
	[sflag:s4] =	ssyncset.s32 $0xFFFFF086  }
0x25: {  	[simem:s6], [sflag:s4] =	dma.local [hbm:s3], $0xF7A  }
0x26: {  	[smem:$0x3F8B] =	sst s1;
	(tag) =	ssettag s2;
	_ =	strace s9  }
0x27: {  	s1 =	sld [smem:$0x3F9B]  }
0x28: {  	s2 =	sld [smem:$0x3F9C]  }
0x29: {  	s4 =	sld [smem:$0x3F9E]  }
0x2a: {  	p0 =	seq.s32 s5, $0x0;
	s5 =	sld [smem:$0x3F9F]  }
0x2b: {  	s6 =	sld [smem:$0x3FA0]  }
0x2c: {  	s7 =	sld [smem:$0x3FA1]  }
0x2d: {  	s3 =	simm.s32 $0x108;
	s8 =	sld [smem:$0x3FA2]  }
0x2e: {  	s3 =	simm.s32 @!p0 $0x1082;
	s9 =	sld [smem:$0x3FA3]  }
0x2f: {  	lr =	sadd.s32 s0, s3;
	s0 =	sld [smem:$0x3F9A]  }
0x30: {  	s3 =	sld [smem:$0x3F9D]  }
0x31: {  	[smem:$0x3FA6] =	sst s10  }
0x32: {  	s10 =	sld [smem:$0x3FA4];
	_ =	sdelay $0x3  }
0x33: {  	p0 =	seq.s32 s10, $0x1;
	s10 =	sld [smem:$0x3FA6];
	_ =	sdelay $0x3  }
0x34: {  	[smem:$0x3FA6] =	sst s10  }
0x35: {  	s10 =	sld [smem:$0x3FA5];
	_ =	sdelay $0x3  }
0x36: {  	p1 =	seq.s32 s10, $0x1;
	s10 =	sld [smem:$0x3FA6];
	_ =	sdelay $0x3  }
0x37: {  	[smem:$0x3FA6] =	sst s10  }
0x38: {  	s10 =	sld [smem:$0x3FA7]  }
0x39: {  	_ = 	snop;
	(pc) =	sbr.ind lr, $3  }
0x3a: {  	_ = 	snop  }
0x3b: {  	_ = 	snop  }
0x3c: {  	p2 =	seq.s32 s10, $0x1;
	s10 =	sld [smem:$0x3FA6]  }
0x3d: {  	_ =	shalt  }
0x3e: {  	_ =	shalt  }
0x3f: {  	_ =	shalt  }
0x40: {  	_ =	shalt  }
0x41: {  	_ =	shalt  }
0x42: {  	_ =	shalt  }
0x43: {  	_ =	shalt  }
0x44: {  	_ =	shalt  }
0x45: {  	_ =	shalt  }
0x46: {  	_ =	shalt  }
0x47: {  	_ =	shalt  }
0x48: {  	_ =	shalt  }
0x49: {  	_ =	shalt  }
0x4a: {  	_ =	shalt  }
0x4b: {  	_ =	shalt  }
0x4c: {  	_ =	shalt  }
0x4d: {  	_ =	shalt  }
0x4e: {  	_ =	shalt  }
0x4f: {  	_ =	shalt  }
0x50: {  	_ =	shalt  }
0x51: {  	_ =	shalt  }
0x52: {  	_ =	shalt  }
0x53: {  	_ =	shalt  }
0x54: {  	_ =	shalt  }
0x55: {  	_ =	shalt  }
0x56: {  	_ =	shalt  }
0x57: {  	_ =	shalt  }
0x58: {  	_ =	shalt  }
0x59: {  	_ =	shalt  }
0x5a: {  	_ =	shalt  }
0x5b: {  	_ =	shalt  }
0x5c: {  	_ =	shalt  }
0x5d: {  	_ =	shalt  }
0x5e: {  	_ =	shalt  }
0x5f: {  	_ =	shalt  }
0x60: {  	_ =	shalt  }
0x61: {  	_ =	shalt  }
0x62: {  	_ =	shalt  }
0x63: {  	_ =	shalt  }
0x64: {  	_ =	shalt  }
0x65: {  	_ =	shalt  }
0x66: {  	_ =	shalt  }
0x67: {  	_ =	shalt  }
0x68: {  	_ =	shalt  }
0x69: {  	_ =	shalt  }
0x6a: {  	_ =	shalt  }
0x6b: {  	_ =	shalt  }
0x6c: {  	_ =	shalt  }
0x6d: {  	_ =	shalt  }
0x6e: {  	_ =	shalt  }
0x6f: {  	_ =	shalt  }
0x70: {  	_ =	shalt  }
0x71: {  	_ =	shalt  }
0x72: {  	_ =	shalt  }
0x73: {  	_ =	shalt  }
0x74: {  	_ =	shalt  }
0x75: {  	_ =	shalt  }
0x76: {  	_ =	shalt  }
0x77: {  	_ =	shalt  }
0x78: {  	_ =	shalt  }
0x79: {  	_ =	shalt  }
0x7a: {  	_ =	shalt  }
0x7b: {  	_ =	shalt  }
0x7c: {  	_ =	shalt  }
0x7d: {  	_ =	shalt  }
0x7e: {  	_ =	shalt  }
0x7f: {  	_ =	shalt  }
0x80: {  	_ =	shalt  }
0x81: {  	_ =	shalt  }
0x82: {  	_ =	shalt  }
0x83: {  	_ =	shalt  }
0x84: {  	_ =	shalt  }
0x85: {  	_ =	shalt  }
0x86: {  	_ =	shalt  }
0x87: {  	_ =	shalt  }
.Lfunc_end0:
.L_simem_size_0:
called_computation_lowered:
.L_overlay_start_0:
0x88: {  	s2 =	sld [smem:$0x3FD9]  }
0x89: {  	s3 =	sld [smem:$0x3FFE];
	_ =	sdelay $0x1  }
0x8a: {  	s1 =	srdreg.scid  }
0x8b: {  	s0 =	sand.u32 $0x1, s1  }
0x8c: {  	s14 =	sshll.u32 s0, $0xA;
	s2 =	sadd.s32 s3, s2  }
0x8d: {  	s2 =	sadd.s32 s2, s14  }
0x8e: {  	[smem:$0x3FB2] =	sst s2  }
0x8f: {  	_ = 	snop  }
0x90: {  	s2 =	sld [smem:$0x3FD0];
	_ =	sdelay $0x2  }
0x91: {  	s15 =	simm.s32 $0xA;
	s4 =	simm.s32 $0x10  }
0x92: {  	[smem:s4], [sflag:s15] =	dma.local [hbm:s2], $0x1  }
0x93: {  	_ =	swait.eq [sflag:s15], $0x1  }
0x94: {  	[sflag:s15] =	ssyncset.done $0x0  }
0x95: {  	s16 =	sld [smem:$0x10];
	[sflag:s15] =	ssyncadd.s32 $0xFFFFFFFF  }
0x96: {  	s17 =	sld [smem:$0x11];
	(tm) =	ssettm $0x1  }
0x97: {  	s18 =	sld [smem:$0x3FFB];
	_ =	sdelay $0x3  }
0x98: {  	_ =	strace s18  }
0x99: {  	s4 =	sld [smem:$0x3FFC];
	_ =	sdelay $0x3  }
0x9a: {  	_ =	strace s4  }
0x9b: {  	s4 =	sld [smem:$0x3FFD];
	_ =	sdelay $0x3  }
0x9c: {  	_ =	strace s4  }
0x9d: {  	_ =	strace $0x8FFFFFFF  }
0x9e: {  	s19 =	sld [smem:$0x3FDB];
	_ =	sdelay $0x1  }
0x9f: {  	s5 =	simm.s32 $_scs_section_size  }
0xa0: {  	s6 =	simm.s32 $_size__tile_overlayer_lowered;
	s7 =	simm.s32 $_tile_overlayer_lowered  }
0xa1: {  	s22 =	simm.s32 $0x1BFF;
	s21 =	sshll.u32 s7, $0x1;
	s4 =	sadd.s32 s5, s19  }
0xa2: {  	s8 =	simm.s32 $0x0;
	s20 =	sshll.u32 s6, $0x1;
	s6 =	sadd.s32 s21, s4  }
0xa3: {  	[timem:s8], [sflag:s22] =	dma.local [hbm:s6], s20  }
0xa4: {  	_ =	swait.ge [sflag:s22], s20  }
0xa5: {  	s5 =	ssub.s32 $0x0, s20;
	[sflag:s22] =	ssyncset.done $0x0  }
0xa6: {  	[sflag:s22] =	ssyncadd.s32 s5;
	_ =	sdelay $0x1  }
0xa7: {  	s23 =	simm.s32 $0x1B8B  }
0xa8: {  	_ =	swait.ge [sflag:s23], $0x1  }
0xa9: {  	[sflag:s23] =	ssyncset.done $0x0  }
0xaa: {  	s25 =	simm.s32 $0x1B8E;
	s24 =	sld [smem:$0x3FFE];
	[sflag:s23] =	ssyncadd.s32 $0xFFFFFFFF  }
0xab: {  	s26 =	simm.s32 $execute0_lowered;
	[smem:$0x3FD2] =	sst s25  }
0xac: {  	s6 =	sshll.u32 s26, $0x1;
	_ =	strace $0x80000046;
	[dreg:$0x1] =	wrdreg $0xFFFFFFFF  }
0xad: {  	s28 =	simm.s32 $_size_execute0_lowered;
	s4 =	sadd.s32 s4, s6;
	[dreg:$0x0] =	wrdreg $0x0  }
0xae: {  	s6 =	sshll.u32 s28, $0x1;
	[dreg:$0x2] =	wrdreg s4  }
0xaf: {  	[dreg:$0x3] =	wrdreg s6  }
0xb0: {  	[dreg:$0x4] =	wrdreg $0xC0  }
0xb1: {  	_ =	task [dreg:s8], $0x5FFFF  }
0xb2: {  	[dreg:$0x1] =	wrdreg $0xFFFFFFFF  }
0xb3: {  	[dreg:$0x0] =	wrdreg $0x60  }
0xb4: {  	[dreg:$0x2] =	wrdreg s17  }
0xb5: {  	[dreg:$0x3] =	wrdreg s16  }
0xb6: {  	[dreg:$0x4] =	wrdreg s24  }
0xb7: {  	[dreg:$0x5] =	wrdreg $0x9  }
0xb8: {  	_ =	task.clear_ibuf [dreg:s8], $0x6FFFF;
	_ =	strace $0x90000046  }
0xb9: {  	s29 =	simm.s32 $0x9;
	_ =	strace $0x80000048  }
0xba: {  	_ =	swait.ge [sflag:s29], $0x1  }
0xbb: {  	[sflag:s29] =	ssyncadd.s32 $0xFFFFFFFF  }
0xbc: {  	_ =	strace $0x90000048  }
0xbd: {  	_ =	sfence  }
0xbe: {  	s30 =	sld [smem:$0x0];
	_ =	sdelay $0x2  }
0xbf: {  	s31 =	sshll.u32 s1, $0xD;
	s1 =	sshrl.u32 s1, $0x2  }
0xc0: {  	s3 =	sand.u32 $0x4000, s31;
	s1 =	sadd.s32 s1, s30  }
0xc1: {  	s0 =	sor.u32 s3, s0;
	s1 =	sshll.u32 s1, $0x11  }
0xc2: {  	s0 =	sor.u32 s1, s0  }
0xc3: {  	s0 =	sadd.s32 $0x8F2B, s0  }
0xc4: {  	[sflag:s0] =	ssyncadd.remote.s32 $0x1  }
0xc5: {  	_ =	sfence.sel $0xFFFF  }
0xc6: {  	[dreg:$0x0] =	wrdreg $0xFFFFFFFF;
	(pc) =	sbr.abs _section_cstart, $3  }
0xc7: {  	[dreg:$0x1] =	wrdreg $0xFFFFFFFF  }
0xc8: {  	_ =	task.clear_ibuf [dreg:s8], $0x2FFFF;
	_ =	strace $0x9FFFFFFF  }
0xc9: {  	(tm) =	ssettm $0x7FFFFFFF  }
tec
execute0_lowered:
.L_overlay_start_1:
0x0: {  	(tag) =	ssettag $0x1  }
0x1: {  	s1 =	rddreg [dreg:$0x0]  }
0x2: {  	s5 =	rddreg [dreg:$0x1];
	s2 =	srdreg.scid  }
0x3: {  	s0 =	stileid.u32;
	s4 =	rddreg [dreg:$0x2];
	s3 =	simm.s32 $0x0  }
0x4: {  	s11 =	simm.s32 $0x3;
	s12 =	simm.s32 $0x2800;
	s13 =	simm.s32 $0x80  }
0x5: {  	s14 =	simm.s32 $0x5000;
	s15 =	simm.s32 $0xD000;
	s16 =	simm.s32 $0x9000  }
0x6: {  	s17 =	simm.s32 $0x11000;
	s18 =	simm.s32 $0x1;
	s19 =	simm.s32 $0x2  }
0x7: {  	s20 =	simm.s32 $0x2780;
	s6 =	sand.u32 $0x1, s2;
	s7 =	sshll.u32 s0, $0x1  }
0x8: {  	s21 =	simm.s32 $0x4F80;
	s22 =	simm.s32 $0x0;
	s7 =	sor.u32 s6, s7  }
0x9: {  	s2 =	rddreg [dreg:$0x3];
	s6 =	ssub.s32 $0x2, s6;
	s8 =	smul.u32 $0x2800, s7  }
0xa: {  	[smem:$0x7FF] =	sst s3;
	s9 =	smul.u32 $0x140000, s7;
	s10 =	sshrl.u32 s6, $0x1  }
0xb: {  	s4 =	sadd.s32 $0x3C00, s4;
	_ =	strace $0x80000047;
	s10 =	ssub.s32 s6, s10  }
0xc: {  	s6 =	smul.u32 $0x50, s7;
	s8 =	sshrl.u32 s8, $0x3;
	s31 =	sshrl.u32 s9, $0x3  }
0xd: {  	s10 =	smax.u32 s10, $0x1;
	s5 =	sadd.s32 s5, s8;
	s9 =	sadd.s32 s4, s31  }
0xe: {  	s7 =	sadd.s32 $0xA000, s5;
	s8 =	sadd.s32 $0x27000, s9;
	s9 =	sadd.s32 $0x27800, s9  }
.LBB2_1:
0xf: {  	[tilespmem:s3], [sflag:$0x3] =	stream.linear.gather [hbm4b:s5+s3], $0x2800, $0x38;
	[tilespmem:$0x15000] =	vst v63  }
0x10: {  	_ =	swait.ge [sflag:s11], $0x2800  }
0x11: {  	[sflag:s11] =	ssyncset.done $0x0  }
0x12: {  	[sflag:s11] =	ssyncadd.s32 $0xFFFFD800  }
0x13: {  	[tilespmem:s12], [sflag:$0x3] =	stream.linear.gather [hbm4b:s7+s3], $0x2800, $0x38;
	[tilespmem:$0x15000] =	vst v63  }
0x14: {  	_ =	swait.ge [sflag:s11], $0x2800  }
0x15: {  	[sflag:s11] =	ssyncset.done $0x0  }
0x16: {  	[sflag:s11] =	ssyncadd.s32 $0xFFFFD800  }
0x17: {  	[tilespmem:s14], [sflag:$0x1] =	stream.indirect.gather [hbm4b:s1+s13], $0x80, s3, s13, $0xb8;
	[tilespmem:$0x15000] =	vst v63  }
0x18: {  	s23 =	simm.s32 $0x0  }
0x19: {  	[tilespmem:s15], [sflag:$0x1] =	stream.indirect.gather [hbm4b:s1+s13], $0x80, s12, s13, $0xb8;
	[tilespmem:$0x15000] =	vst v63  }
.LBB2_2:
0x1a: {  	s24 =	sshllo.u32 s23, $0x1  }
0x1b: {  	s25 =	sshll.u32 s24, $0x7  }
0x1c: {  	[tilespmem:s16], [sflag:$0x2] =	stream.indirect.gather [hbm4b:s1+s13], $0x80, s25, s13, $0xb8;
	[tilespmem:$0x15000] =	vst v63  }
0x1d: {  	s25 =	sadd.s32 $0x2800, s25  }
0x1e: {  	[tilespmem:s17], [sflag:$0x2] =	stream.indirect.gather [hbm4b:s1+s13], $0x80, s25, s13, $0xb8;
	[tilespmem:$0x15000] =	vst v63  }
0x1f: {  	_ =	swait.ge [sflag:s18], $0x4000  }
0x20: {  	[sflag:s18] =	ssyncset.done $0x0  }
0x21: {  	[sflag:s18] =	ssyncadd.s32 $0xFFFFC000  }
0x22: {  	_ =	swait.ge [sflag:s18], $0x4000  }
0x23: {  	[sflag:s18] =	ssyncset.done $0x0  }
0x24: {  	s25 =	simm.s32 $0x0;
	[sflag:s18] =	ssyncadd.s32 $0xFFFFC000  }
0x25: {  	v7 =	vld [tilespmem:s25+$0xD000]  }
0x26: {  	v11 =	vld [tilespmem:s25+$0xD010]  }
0x27: {  	v5 =	vld [tilespmem:s25+$0xD020]  }
0x28: {  	v4 =	vld [tilespmem:s25+$0xD030]  }
0x29: {  	v3 =	vld [tilespmem:s25+$0xD040]  }
0x2a: {  	v2 =	vld [tilespmem:s25+$0xD050]  }
0x2b: {  	v1 =	vld [tilespmem:s25+$0xD060]  }
0x2c: {  	v0 =	vld [tilespmem:s25+$0xD070]  }
0x2d: {  	v12 =	vld [tilespmem:s25+$0x5000]  }
0x2e: {  	v13 =	vld [tilespmem:s25+$0x5010]  }
0x2f: {  	v10 =	vld [tilespmem:s25+$0x5020]  }
0x30: {  	v9 =	vld [tilespmem:s25+$0x5030]  }
0x31: {  	v8 =	vld [tilespmem:s25+$0x5040]  }
0x32: {  	v6 =	vld [tilespmem:s25+$0x5050];
	v12 =	vadd.f32 v7, v12  }
0x33: {  	s26 =	sshll.u32 s23, $0x1;
	s28 =	simm.s32 $0x200;
	v11 =	vadd.f32 v11, v13;
	v7 =	vld [tilespmem:s25+$0x5060]  }
.LBB2_3:
0x34: {  	s29 =	sshra.s32 s28, $0x2;
	p0 =	sne.s32 s28, $0xFE00;
	[tilespmem:s25+$0x5000] =	vst v12;
	v5 =	vadd.f32 v5, v10;
	v10 =	vld [tilespmem:s25+$0x5070]  }
0x35: {  	v12 =	vld [tilespmem:s29+$0xD000];
	[tilespmem:s25+$0x5010] =	vst v11;
	v4 =	vadd.f32 v4, v9  }
0x36: {  	v11 =	vld [tilespmem:s29+$0xD010];
	[tilespmem:s25+$0x5020] =	vst v5;
	v3 =	vadd.f32 v3, v8  }
0x37: {  	v5 =	vld [tilespmem:s29+$0xD020];
	[tilespmem:s25+$0x5030] =	vst v4;
	v2 =	vadd.f32 v2, v6  }
0x38: {  	v4 =	vld [tilespmem:s29+$0xD030];
	[tilespmem:s25+$0x5040] =	vst v3;
	v1 =	vadd.f32 v1, v7  }
0x39: {  	v3 =	vld [tilespmem:s29+$0xD040];
	[tilespmem:s25+$0x5050] =	vst v2;
	v0 =	vadd.f32 v0, v10  }
0x3a: {  	v2 =	vld [tilespmem:s29+$0xD050];
	[tilespmem:s25+$0x5060] =	vst v1  }
0x3b: {  	v1 =	vld [tilespmem:s29+$0xD060];
	[tilespmem:s25+$0x5070] =	vst v0;
	s25 =	smov.u32 s29  }
0x3c: {  	v0 =	vld [tilespmem:s25+$0xD070]  }
0x3d: {  	v6 =	vld [tilespmem:s25+$0x5000]  }
0x3e: {  	v7 =	vld [tilespmem:s25+$0x5010]  }
.Ltmp0:
0x3f: {  	v10 =	vld [tilespmem:s25+$0x5020];
	(pc) =	sbr.rel @p0 .LBB2_3-.Ltmp0, $4  }
0x40: {  	v9 =	vld [tilespmem:s25+$0x5030]  }
0x41: {  	v8 =	vld [tilespmem:s25+$0x5040]  }
0x42: {  	v12 =	vadd.f32 v12, v6;
	v6 =	vld [tilespmem:s25+$0x5050]  }
0x43: {  	s28 =	sadd.s32 $0x200, s28;
	v11 =	vadd.f32 v11, v7;
	v7 =	vld [tilespmem:s25+$0x5060]  }
0x44: {  	[tilespmem:s25+$0x5000] =	vst v12;
	v5 =	vadd.f32 v5, v10;
	v10 =	vld [tilespmem:s25+$0x5070]  }
0x45: {  	[tilespmem:s25+$0x5010] =	vst v11;
	v4 =	vadd.f32 v4, v9  }
0x46: {  	[tilespmem:s25+$0x5020] =	vst v5;
	v3 =	vadd.f32 v3, v8  }
0x47: {  	[tilespmem:s25+$0x5030] =	vst v4;
	v2 =	vadd.f32 v2, v6  }
0x48: {  	[tilespmem:s25+$0x5040] =	vst v3;
	v1 =	vadd.f32 v1, v7  }
0x49: {  	s26 =	sadd.s32 s6, s26;
	[tilespmem:s25+$0x5050] =	vst v2;
	v0 =	vadd.f32 v0, v10  }
0x4a: {  	s26 =	sshll.u32 s26, $0xB;
	[tilespmem:s25+$0x5060] =	vst v1  }
0x4b: {  	s29 =	simm.s32 $0x0;
	s28 =	sadd.s32 s4, s26;
	[tilespmem:s25+$0x5070] =	vst v0  }
0x4c: {  	[hbm4b:s28+s29] =	stream.linear.scatter [tilespmem:s14], [sflag:$0x3], $0x4000, $0x38;
	[tilespmem:$0x15000] =	vst v63  }
0x4d: {  	_ =	swait.ge [sflag:s11], $0x4000  }
0x4e: {  	s30 =	sshll.u32 s23, $0x8;
	[sflag:s11] =	ssyncset.done $0x0  }
0x4f: {  	s31 =	sadd.s32 $0x100, s30;
	[sflag:s11] =	ssyncadd.s32 $0xFFFFC000  }
0x50: {  	[tilespmem:s14], [sflag:$0x1] =	stream.indirect.gather [hbm4b:s1+s13], $0x80, s31, s13, $0xb8;
	[tilespmem:$0x15000] =	vst v63  }
0x51: {  	s25 =	sadd.s32 $0x2900, s30  }
0x52: {  	[tilespmem:s15], [sflag:$0x1] =	stream.indirect.gather [hbm4b:s1+s13], $0x80, s25, s13, $0xb8;
	[tilespmem:$0x15000] =	vst v63  }
0x53: {  	_ =	swait.ge [sflag:s19], $0x4000  }
0x54: {  	[sflag:s19] =	ssyncset.done $0x0  }
0x55: {  	[sflag:s19] =	ssyncadd.s32 $0xFFFFC000  }
0x56: {  	_ =	swait.ge [sflag:s19], $0x4000  }
0x57: {  	[sflag:s19] =	ssyncset.done $0x0  }
0x58: {  	s25 =	simm.s32 $0x0;
	[sflag:s19] =	ssyncadd.s32 $0xFFFFC000  }
0x59: {  	v7 =	vld [tilespmem:s25+$0x11000]  }
0x5a: {  	v11 =	vld [tilespmem:s25+$0x11010]  }
0x5b: {  	v5 =	vld [tilespmem:s25+$0x11020]  }
0x5c: {  	v4 =	vld [tilespmem:s25+$0x11030]  }
0x5d: {  	v3 =	vld [tilespmem:s25+$0x11040]  }
0x5e: {  	v2 =	vld [tilespmem:s25+$0x11050]  }
0x5f: {  	v1 =	vld [tilespmem:s25+$0x11060]  }
0x60: {  	v0 =	vld [tilespmem:s25+$0x11070]  }
0x61: {  	v12 =	vld [tilespmem:s25+$0x9000]  }
0x62: {  	v13 =	vld [tilespmem:s25+$0x9010]  }
0x63: {  	v10 =	vld [tilespmem:s25+$0x9020]  }
0x64: {  	v9 =	vld [tilespmem:s25+$0x9030]  }
0x65: {  	v8 =	vld [tilespmem:s25+$0x9040]  }
0x66: {  	v6 =	vld [tilespmem:s25+$0x9050];
	v12 =	vadd.f32 v7, v12  }
0x67: {  	s26 =	simm.s32 $0x200;
	v11 =	vadd.f32 v11, v13;
	v7 =	vld [tilespmem:s25+$0x9060]  }
.LBB2_5:
0x68: {  	s28 =	sshra.s32 s26, $0x2;
	p0 =	sne.s32 s26, $0xFE00;
	[tilespmem:s25+$0x9000] =	vst v12;
	v5 =	vadd.f32 v5, v10;
	v10 =	vld [tilespmem:s25+$0x9070]  }
0x69: {  	v12 =	vld [tilespmem:s28+$0x11000];
	[tilespmem:s25+$0x9010] =	vst v11;
	v4 =	vadd.f32 v4, v9  }
0x6a: {  	v11 =	vld [tilespmem:s28+$0x11010];
	[tilespmem:s25+$0x9020] =	vst v5;
	v3 =	vadd.f32 v3, v8  }
0x6b: {  	v5 =	vld [tilespmem:s28+$0x11020];
	[tilespmem:s25+$0x9030] =	vst v4;
	v2 =	vadd.f32 v2, v6  }
0x6c: {  	v4 =	vld [tilespmem:s28+$0x11030];
	[tilespmem:s25+$0x9040] =	vst v3;
	v1 =	vadd.f32 v1, v7  }
0x6d: {  	v3 =	vld [tilespmem:s28+$0x11040];
	[tilespmem:s25+$0x9050] =	vst v2;
	v0 =	vadd.f32 v0, v10  }
0x6e: {  	v2 =	vld [tilespmem:s28+$0x11050];
	[tilespmem:s25+$0x9060] =	vst v1  }
0x6f: {  	v1 =	vld [tilespmem:s28+$0x11060];
	[tilespmem:s25+$0x9070] =	vst v0;
	s25 =	smov.u32 s28  }
0x70: {  	v0 =	vld [tilespmem:s25+$0x11070]  }
0x71: {  	v6 =	vld [tilespmem:s25+$0x9000]  }
0x72: {  	v7 =	vld [tilespmem:s25+$0x9010]  }
.Ltmp1:
0x73: {  	v10 =	vld [tilespmem:s25+$0x9020];
	(pc) =	sbr.rel @p0 .LBB2_5-.Ltmp1, $4  }
0x74: {  	v9 =	vld [tilespmem:s25+$0x9030]  }
0x75: {  	v8 =	vld [tilespmem:s25+$0x9040]  }
0x76: {  	v12 =	vadd.f32 v12, v6;
	v6 =	vld [tilespmem:s25+$0x9050]  }
0x77: {  	s26 =	sadd.s32 $0x200, s26;
	v11 =	vadd.f32 v11, v7;
	v7 =	vld [tilespmem:s25+$0x9060]  }
0x78: {  	[tilespmem:s25+$0x9000] =	vst v12;
	v5 =	vadd.f32 v5, v10;
	v63 =	vld [tilespmem:s25+$0x9070]  }
0x79: {  	[tilespmem:s25+$0x9010] =	vst v11;
	v4 =	vadd.f32 v4, v9  }
0x7a: {  	[tilespmem:s25+$0x9020] =	vst v5;
	v3 =	vadd.f32 v3, v8  }
0x7b: {  	[tilespmem:s25+$0x9030] =	vst v4;
	v2 =	vadd.f32 v2, v6  }
0x7c: {  	s24 =	sadd.s32 s6, s24;
	[tilespmem:s25+$0x9040] =	vst v3;
	v1 =	vadd.f32 v1, v7  }
0x7d: {  	s23 =	sadd.s32 $0x1, s23;
	s24 =	sshll.u32 s24, $0xB;
	[tilespmem:s25+$0x9050] =	vst v2;
	v0 =	vadd.f32 v0, v63  }
0x7e: {  	p0 =	sne.s32 s23, $0x27;
	s24 =	sand.u32 $0x1FFFF800, s24;
	[tilespmem:s25+$0x9060] =	vst v1  }
.Ltmp2:
0x7f: {  	s24 =	sadd.s32 s4, s24;
	[tilespmem:s25+$0x9070] =	vst v0;
	(pc) =	sbr.rel @p0 .LBB2_2-.Ltmp2, $4  }
0x80: {  	[hbm4b:s24+s3] =	stream.linear.scatter [tilespmem:s16], [sflag:$0x3], $0x4000, $0x38;
	[tilespmem:$0x15000] =	vst v63  }
0x81: {  	_ =	swait.ge [sflag:s11], $0x4000  }
0x82: {  	[sflag:s11] =	ssyncset.done $0x0  }
0x83: {  	[sflag:s11] =	ssyncadd.s32 $0xFFFFC000  }
0x84: {  	[tilespmem:s16], [sflag:$0x2] =	stream.indirect.gather [hbm4b:s1+s13], $0x80, s20, s13, $0xb8;
	[tilespmem:$0x15000] =	vst v63  }
0x85: {  	_ = 	snop  }
0x86: {  	[tilespmem:s17], [sflag:$0x2] =	stream.indirect.gather [hbm4b:s1+s13], $0x80, s21, s13, $0xb8;
	[tilespmem:$0x15000] =	vst v63  }
0x87: {  	_ =	swait.ge [sflag:s18], $0x4000  }
0x88: {  	[sflag:s18] =	ssyncset.done $0x0  }
0x89: {  	[sflag:s18] =	ssyncadd.s32 $0xFFFFC000  }
0x8a: {  	_ =	swait.ge [sflag:s18], $0x4000  }
0x8b: {  	[sflag:s18] =	ssyncset.done $0x0  }
0x8c: {  	s23 =	simm.s32 $0x0;
	[sflag:s18] =	ssyncadd.s32 $0xFFFFC000  }
0x8d: {  	v7 =	vld [tilespmem:s23+$0xD000]  }
0x8e: {  	v11 =	vld [tilespmem:s23+$0xD010]  }
0x8f: {  	v5 =	vld [tilespmem:s23+$0xD020]  }
0x90: {  	v4 =	vld [tilespmem:s23+$0xD030]  }
0x91: {  	v3 =	vld [tilespmem:s23+$0xD040]  }
0x92: {  	v2 =	vld [tilespmem:s23+$0xD050]  }
0x93: {  	v1 =	vld [tilespmem:s23+$0xD060]  }
0x94: {  	v0 =	vld [tilespmem:s23+$0xD070]  }
0x95: {  	v12 =	vld [tilespmem:s23+$0x5000]  }
0x96: {  	v13 =	vld [tilespmem:s23+$0x5010]  }
0x97: {  	v10 =	vld [tilespmem:s23+$0x5020]  }
0x98: {  	v9 =	vld [tilespmem:s23+$0x5030]  }
0x99: {  	v8 =	vld [tilespmem:s23+$0x5040]  }
0x9a: {  	v6 =	vld [tilespmem:s23+$0x5050];
	v12 =	vadd.f32 v7, v12  }
0x9b: {  	s24 =	simm.s32 $0x200;
	v11 =	vadd.f32 v11, v13;
	v7 =	vld [tilespmem:s23+$0x5060]  }
.LBB2_8:
0x9c: {  	s25 =	sshra.s32 s24, $0x2;
	p0 =	sne.s32 s24, $0xFE00;
	[tilespmem:s23+$0x5000] =	vst v12;
	v5 =	vadd.f32 v5, v10;
	v10 =	vld [tilespmem:s23+$0x5070]  }
0x9d: {  	v12 =	vld [tilespmem:s25+$0xD000];
	[tilespmem:s23+$0x5010] =	vst v11;
	v4 =	vadd.f32 v4, v9  }
0x9e: {  	v11 =	vld [tilespmem:s25+$0xD010];
	[tilespmem:s23+$0x5020] =	vst v5;
	v3 =	vadd.f32 v3, v8  }
0x9f: {  	v5 =	vld [tilespmem:s25+$0xD020];
	[tilespmem:s23+$0x5030] =	vst v4;
	v2 =	vadd.f32 v2, v6  }
0xa0: {  	v4 =	vld [tilespmem:s25+$0xD030];
	[tilespmem:s23+$0x5040] =	vst v3;
	v1 =	vadd.f32 v1, v7  }
0xa1: {  	v3 =	vld [tilespmem:s25+$0xD040];
	[tilespmem:s23+$0x5050] =	vst v2;
	v0 =	vadd.f32 v0, v10  }
0xa2: {  	v2 =	vld [tilespmem:s25+$0xD050];
	[tilespmem:s23+$0x5060] =	vst v1  }
0xa3: {  	v1 =	vld [tilespmem:s25+$0xD060];
	[tilespmem:s23+$0x5070] =	vst v0;
	s23 =	smov.u32 s25  }
0xa4: {  	v0 =	vld [tilespmem:s23+$0xD070]  }
0xa5: {  	v6 =	vld [tilespmem:s23+$0x5000]  }
0xa6: {  	v7 =	vld [tilespmem:s23+$0x5010]  }
.Ltmp3:
0xa7: {  	v10 =	vld [tilespmem:s23+$0x5020];
	(pc) =	sbr.rel @p0 .LBB2_8-.Ltmp3, $4  }
0xa8: {  	v9 =	vld [tilespmem:s23+$0x5030]  }
0xa9: {  	v8 =	vld [tilespmem:s23+$0x5040]  }
0xaa: {  	v12 =	vadd.f32 v12, v6;
	v6 =	vld [tilespmem:s23+$0x5050]  }
0xab: {  	s24 =	sadd.s32 $0x200, s24;
	v11 =	vadd.f32 v11, v7;
	v7 =	vld [tilespmem:s23+$0x5060]  }
0xac: {  	[tilespmem:s23+$0x5000] =	vst v12;
	v5 =	vadd.f32 v5, v10;
	v10 =	vld [tilespmem:s23+$0x5070]  }
0xad: {  	[tilespmem:s23+$0x5010] =	vst v11;
	v4 =	vadd.f32 v4, v9  }
0xae: {  	[tilespmem:s23+$0x5020] =	vst v5;
	v3 =	vadd.f32 v3, v8  }
0xaf: {  	[tilespmem:s23+$0x5030] =	vst v4;
	v2 =	vadd.f32 v2, v6  }
0xb0: {  	[tilespmem:s23+$0x5040] =	vst v3;
	v1 =	vadd.f32 v1, v7  }
0xb1: {  	[tilespmem:s23+$0x5050] =	vst v2;
	v0 =	vadd.f32 v0, v10  }
0xb2: {  	[tilespmem:s23+$0x5060] =	vst v1  }
0xb3: {  	s31 =	simm.s32 $0x0;
	[tilespmem:s23+$0x5070] =	vst v0  }
0xb4: {  	[hbm4b:s8+s31] =	stream.linear.scatter [tilespmem:s14], [sflag:$0x3], $0x4000, $0x38;
	[tilespmem:$0x15000] =	vst v63  }
0xb5: {  	_ =	swait.ge [sflag:s11], $0x4000  }
0xb6: {  	[sflag:s11] =	ssyncset.done $0x0  }
0xb7: {  	[sflag:s11] =	ssyncadd.s32 $0xFFFFC000  }
0xb8: {  	_ =	swait.ge [sflag:s19], $0x4000  }
0xb9: {  	[sflag:s19] =	ssyncset.done $0x0  }
0xba: {  	[sflag:s19] =	ssyncadd.s32 $0xFFFFC000  }
0xbb: {  	_ =	swait.ge [sflag:s19], $0x4000  }
0xbc: {  	[sflag:s19] =	ssyncset.done $0x0  }
0xbd: {  	s23 =	simm.s32 $0x0;
	[sflag:s19] =	ssyncadd.s32 $0xFFFFC000  }
0xbe: {  	v7 =	vld [tilespmem:s23+$0x11000]  }
0xbf: {  	v11 =	vld [tilespmem:s23+$0x11010]  }
0xc0: {  	v5 =	vld [tilespmem:s23+$0x11020]  }
0xc1: {  	v4 =	vld [tilespmem:s23+$0x11030]  }
0xc2: {  	v3 =	vld [tilespmem:s23+$0x11040]  }
0xc3: {  	v2 =	vld [tilespmem:s23+$0x11050]  }
0xc4: {  	v1 =	vld [tilespmem:s23+$0x11060]  }
0xc5: {  	v0 =	vld [tilespmem:s23+$0x11070]  }
0xc6: {  	v12 =	vld [tilespmem:s23+$0x9000]  }
0xc7: {  	v13 =	vld [tilespmem:s23+$0x9010]  }
0xc8: {  	v10 =	vld [tilespmem:s23+$0x9020]  }
0xc9: {  	v9 =	vld [tilespmem:s23+$0x9030]  }
0xca: {  	v8 =	vld [tilespmem:s23+$0x9040]  }
0xcb: {  	v6 =	vld [tilespmem:s23+$0x9050];
	v12 =	vadd.f32 v7, v12  }
0xcc: {  	s24 =	simm.s32 $0x200;
	v11 =	vadd.f32 v11, v13;
	v7 =	vld [tilespmem:s23+$0x9060]  }
.LBB2_10:
0xcd: {  	s25 =	sshra.s32 s24, $0x2;
	p0 =	sne.s32 s24, $0xFE00;
	[tilespmem:s23+$0x9000] =	vst v12;
	v5 =	vadd.f32 v5, v10;
	v10 =	vld [tilespmem:s23+$0x9070]  }
0xce: {  	v12 =	vld [tilespmem:s25+$0x11000];
	[tilespmem:s23+$0x9010] =	vst v11;
	v4 =	vadd.f32 v4, v9  }
0xcf: {  	v11 =	vld [tilespmem:s25+$0x11010];
	[tilespmem:s23+$0x9020] =	vst v5;
	v3 =	vadd.f32 v3, v8  }
0xd0: {  	v5 =	vld [tilespmem:s25+$0x11020];
	[tilespmem:s23+$0x9030] =	vst v4;
	v2 =	vadd.f32 v2, v6  }
0xd1: {  	v4 =	vld [tilespmem:s25+$0x11030];
	[tilespmem:s23+$0x9040] =	vst v3;
	v1 =	vadd.f32 v1, v7  }
0xd2: {  	v3 =	vld [tilespmem:s25+$0x11040];
	[tilespmem:s23+$0x9050] =	vst v2;
	v0 =	vadd.f32 v0, v10  }
0xd3: {  	v2 =	vld [tilespmem:s25+$0x11050];
	[tilespmem:s23+$0x9060] =	vst v1  }
0xd4: {  	v1 =	vld [tilespmem:s25+$0x11060];
	[tilespmem:s23+$0x9070] =	vst v0;
	s23 =	smov.u32 s25  }
0xd5: {  	v0 =	vld [tilespmem:s23+$0x11070]  }
0xd6: {  	v6 =	vld [tilespmem:s23+$0x9000]  }
0xd7: {  	v7 =	vld [tilespmem:s23+$0x9010]  }
.Ltmp4:
0xd8: {  	v10 =	vld [tilespmem:s23+$0x9020];
	(pc) =	sbr.rel @p0 .LBB2_10-.Ltmp4, $4  }
0xd9: {  	v9 =	vld [tilespmem:s23+$0x9030]  }
0xda: {  	v8 =	vld [tilespmem:s23+$0x9040]  }
0xdb: {  	v12 =	vadd.f32 v12, v6;
	v6 =	vld [tilespmem:s23+$0x9050]  }
0xdc: {  	s24 =	sadd.s32 $0x200, s24;
	v11 =	vadd.f32 v11, v7;
	v7 =	vld [tilespmem:s23+$0x9060]  }
0xdd: {  	[tilespmem:s23+$0x9000] =	vst v12;
	v5 =	vadd.f32 v5, v10;
	v63 =	vld [tilespmem:s23+$0x9070]  }
0xde: {  	[tilespmem:s23+$0x9010] =	vst v11;
	v4 =	vadd.f32 v4, v9  }
0xdf: {  	[tilespmem:s23+$0x9020] =	vst v5;
	v3 =	vadd.f32 v3, v8  }
0xe0: {  	[tilespmem:s23+$0x9030] =	vst v4;
	v2 =	vadd.f32 v2, v6  }
0xe1: {  	[tilespmem:s23+$0x9040] =	vst v3;
	v1 =	vadd.f32 v1, v7  }
0xe2: {  	s22 =	sadd.s32 $0x1, s22;
	[tilespmem:s23+$0x9050] =	vst v2;
	v0 =	vadd.f32 v0, v63  }
0xe3: {  	p0 =	sne.s32 s22, s10;
	[tilespmem:s23+$0x9060] =	vst v1  }
.Ltmp5:
0xe4: {  	[tilespmem:s23+$0x9070] =	vst v0;
	(pc) =	sbr.rel @p0 .LBB2_1-.Ltmp5, $4  }
0xe5: {  	[hbm4b:s9+s3] =	stream.linear.scatter [tilespmem:s16], [sflag:$0x3], $0x4000, $0x38;
	[tilespmem:$0x15000] =	vst v63  }
0xe6: {  	_ =	swait.ge [sflag:s11], $0x4000  }
0xe7: {  	[sflag:s11] =	ssyncset.done $0x0  }
0xe8: {  	[sflag:s11] =	ssyncadd.s32 $0xFFFFC000  }
0xe9: {  	_ =	sfence.sel $0x180000  }
0xea: {  	[bflag:$0x0] =	sbarrier.arrive $0xFFFF  }
0xeb: {  	p0 =	sne.s32 s0, $0x0;
	_ =	strace $0x90000047  }
0xec: {  	s0 =	sadd.s32 @!p0 $0x100000, s2;
	[bflag:$0x2] =	sbarrier.arrive $0xFFFF  }
0xed: {  	[sflag:s0] =	ssyncadd.tile.s32 @!p0 $0x1;
	_ =	shalt  }
.Lfunc_end2:
_tile_overlayer_lowered:
.L_overlay_start_2:
0xee: {  	(tag) =	ssettag $0x2  }
0xef: {  	s0 =	rddreg [dreg:$0x0];
	s2 =	stileid.u32  }
0xf0: {  	s1 =	rddreg [dreg:$0x1];
	p0 =	sne.s32 s2, $0x0  }
0xf1: {  	s3 =	rddreg [dreg:$0x2];
	[bflag:$0x3] =	sbarrier.arrive $0xFFFF;
	s2 =	simm.s32 @!p0 $0x1C03  }
0xf2: {  	[timem:s3], [sflag:s2] =	dma.local @!p0 [hbm:s0], s1  }
0xf3: {  	s0 =	simm.s32 @!p0 $0x3  }
0xf4: {  	_ =	swait.ge @!p0 [sflag:s0], s1  }
0xf5: {  	s1 =	ssub.s32 @!p0 $0x0, s1;
	[sflag:s0] =	ssyncset.done @!p0 $0x0  }
0xf6: {  	[sflag:s0] =	ssyncadd.s32 @!p0 s1  }
0xf7: {  	[bflag:$0x3] =	sbarrier.arrive $0xFFFF  }
0xf8: {  	_ =	shalt  }

</sc_bundles>
